<compile_context>
chip_gen: v7x
topology: tpu7x:2x2x1
jax: 0.10.2.dev20260603
libtpu: 0.0.44.dev20260713+nightly
codegen_flags: <defaults>
</compile_context>

<pallas_src>
import jax
import jax.numpy as jnp
from jax import lax
from jax.experimental import pallas as pl
from jax.experimental.pallas import tpu as pltpu
from jax.experimental.pallas import tpu_sc as plsc

_NUM_BINS = 256
_B = 16
_PIX = 3 * 512 * 512
_L = 16
_CHUNK = 49152
_NCHUNK = _PIX // _CHUNK
_ROWS = _CHUNK // 512
_UNROLL = 16


def _sc_hist_body(x_hbm, y_hbm, out_hbm, buf0, buf1, hist, binsum,
                  sem0, sem1):
    nc = 2
    wid = lax.axis_index("s") * nc + lax.axis_index("c")
    tensor = wid % 2
    img = wid // 2

    lane = lax.iota(jnp.int32, _L)
    zeros = jnp.zeros((_L,), jnp.float32)
    ones = jnp.ones((_L,), jnp.float32)

    @plsc.parallel_loop(0, _NUM_BINS, unroll=8)
    def _(i):
        hist[pl.ds(i * _L, _L)] = zeros

    def issue(ci, buf, sem):
        r0 = ci * _ROWS

        @pl.when(tensor == 0)
        def _():
            pltpu.async_copy(x_hbm.at[img, pl.ds(r0, _ROWS), :], buf, sem)

        @pl.when(tensor == 1)
        def _():
            pltpu.async_copy(y_hbm.at[img, pl.ds(r0, _ROWS), :], buf, sem)

    def wait(buf, sem):
        pltpu.make_async_copy(x_hbm.at[0, pl.ds(0, _ROWS), :], buf,
                              sem).wait()

    def compute(buf):
        @plsc.parallel_loop(0, _CHUNK // _L, unroll=_UNROLL)
        def _(i):
            r = i // (512 // _L)
            c = (i % (512 // _L)) * _L
            v = buf[r, pl.ds(c, _L)]
            t = (v * 255.0) / 255.0 * 256.0
            t = jnp.minimum(t, 255.5)
            idx = t.astype(jnp.int32)
            plsc.addupdate_scatter(hist, [idx * _L + lane], ones)

    issue(0, buf0, sem0)

    def pair_body(p, _):
        ci = p * 2
        issue(ci + 1, buf1, sem1)
        wait(buf0, sem0)
        compute(buf0)

        @pl.when(ci + 2 < _NCHUNK)
        def _():
            issue(ci + 2, buf0, sem0)

        wait(buf1, sem1)
        compute(buf1)
        return 0
    lax.fori_loop(0, _NCHUNK // 2, pair_body, 0)

    for g in range(_NUM_BINS // _L):
        bins16 = (g * _L + lane) * _L
        acc = zeros
        for l in range(_L):
            acc = acc + plsc.load_gather(hist, [bins16 + l])
        binsum[pl.ds(g * _L, _L)] = acc

    pltpu.sync_copy(binsum, out_hbm.at[tensor, img])


@jax.jit
def _sc_histograms(x, y):
    mesh = plsc.VectorSubcoreMesh(core_axis_name="c", subcore_axis_name="s")
    k = pl.kernel(
        _sc_hist_body,
        out_type=jax.ShapeDtypeStruct((2, _B, _NUM_BINS), jnp.float32),
        mesh=mesh,
        scratch_types=[
            pltpu.VMEM((_ROWS, 512), jnp.float32),
            pltpu.VMEM((_ROWS, 512), jnp.float32),
            pltpu.VMEM((_NUM_BINS * _L,), jnp.float32),
            pltpu.VMEM((_NUM_BINS,), jnp.float32),
            pltpu.SemaphoreType.DMA,
            pltpu.SemaphoreType.DMA,
        ],
        compiler_params=pltpu.CompilerParams(
            needs_layout_passes=False, use_tc_tiling_on_sc=True),
    )
    return k(x.reshape(_B, 3 * 512, 512), y.reshape(_B, 3 * 512, 512))


def _tc_loss_body(c_ref, o_ref):
    c = c_ref[...]
    h = c / float(_PIX)
    s = jnp.sqrt(h)
    d = s[0] - s[1]
    tot = jnp.sum(d)
    loss = tot * tot
    o_ref[...] = jnp.clip(loss, 0.0, 1.0).reshape(1, 1)


def kernel(x, y):
    counts = _sc_histograms(x, y)
    loss = pl.pallas_call(
        _tc_loss_body,
        out_shape=jax.ShapeDtypeStruct((1, 1), jnp.float32),
    )(counts)
    return loss.reshape(())

# --- scband reference (transcript-rebuilt; emitter-appended) ---
"""Pipeline reference for scband-histogram-loss-17884243821446 (READ-ONLY COPY).

The authoritative reference and input builder live on the scoring server;
editing this copy changes nothing except your own understanding.
"""

import jax, jax.numpy as jnp
import numpy as np

NUM_BINS = 256
MARGIN = 1.0


def _compute_histogram(img):
    # img: [B, C, H, W] in [0, 1]; torch.histc(img[i]*255, bins=256, min=0, max=255)
    B = img.shape[0]
    flat = img.reshape(B, -1) * 255.0
    # torch.histc bin index: floor((v - min) / (max - min) * bins), value==max goes to last bin
    idx = jnp.floor(flat / 255.0 * NUM_BINS).astype(jnp.int32)
    idx = jnp.clip(idx, 0, NUM_BINS - 1)
    idx = jax.lax.stop_gradient(idx)
    hist = jnp.zeros((B, NUM_BINS), dtype=jnp.float32).at[jnp.arange(B)[:, None], idx].add(1.0)
    hist = hist / jnp.sum(hist, axis=1, keepdims=True)
    # torch.stack(hist_list, dim=1) -> [num_bins, B]
    return hist.T


def setup_inputs(seed: int = 0) -> dict:
    key = jax.random.key(seed)
    k1, k2 = jax.random.split(key)
    x = jax.random.uniform(k1, (16, 3, 512, 512), dtype=jnp.float32)
    y = jax.random.uniform(k2, (16, 3, 512, 512), dtype=jnp.float32)
    return {"x": x, "y": y}


def reference(x, y):
    hist_x = _compute_histogram(x)
    hist_y = _compute_histogram(y)
    loss = jnp.sum(jnp.sqrt(hist_x) - jnp.sqrt(hist_y)) ** 2
    loss = jnp.clip(loss, 0.0, MARGIN)
    return loss

if __name__ == "__main__":
    import jax
    _d = setup_inputs()
    print(jax.jit(kernel)(*tuple(_d.values())))

</pallas_src>

<mosaic_0001>
#map = affine_map<(d0, d1) -> (0, 0, 0)>
module attributes {stable_mosaic.version = 14 : i64} {
  func.func @_sc_hist_body(%arg0: i32, %arg1: i32, %arg2: memref<16x1536x512xf32, #tpu.memory_space<hbm>>, %arg3: memref<16x1536x512xf32, #tpu.memory_space<hbm>>, %arg4: memref<2x16x256xf32, #tpu.memory_space<hbm>>, %arg5: memref<96x512xf32, #tpu.memory_space<vmem>>, %arg6: memref<96x512xf32, #tpu.memory_space<vmem>>, %arg7: memref<4096xf32, #tpu.memory_space<vmem>>, %arg8: memref<256xf32, #tpu.memory_space<vmem>>, %arg9: memref<!tpu.dma_semaphore, #tpu.memory_space<semaphore_mem>>, %arg10: memref<!tpu.dma_semaphore, #tpu.memory_space<semaphore_mem>>) attributes {dimension_semantics = [#tpu.dimension_semantics<core_parallel>, #tpu.dimension_semantics<subcore_parallel>], iteration_bounds = array<i64: 2, 16>, scalar_prefetch = 0 : i64, scratch_operands = 6 : i64, tpu.core_type = #tpu.core_type<sc_vector_subcore>, window_params = [{transform_indices = #map}, {transform_indices = #map}, {transform_indices = #map}]} {
    %mul3A = arith.constant 2 : i32
    %mul3A_0 = arith.muli %arg1, %mul3A : i32
    %add3A = arith.addi %mul3A_0, %arg0 : i32
    %jit3A = arith.constant 2 : i32
    %eq3A = arith.constant 0 : i32
    %eq3A_1 = arith.cmpi eq, %jit3A, %eq3A : i32
    %jit3A_2 = arith.constant 1 : i32
    %select_n3A = arith.select %eq3A_1, %jit3A_2, %jit3A : i32
    %rem3A = arith.remsi %add3A, %select_n3A : i32
    %ne3A = arith.constant 0 : i32
    %ne3A_3 = arith.cmpi ne, %rem3A, %ne3A : i32
    %lt3A = arith.constant 0 : i32
    %lt3A_4 = arith.cmpi slt, %rem3A, %lt3A : i32
    %lt3A_5 = arith.constant 0 : i32
    %lt3A_6 = arith.cmpi slt, %select_n3A, %lt3A_5 : i32
    %ne3A_7 = arith.xori %lt3A_4, %lt3A_6 : i1
    %and3A = arith.andi %ne3A_7, %ne3A_3 : i1
    %add3A_8 = arith.addi %rem3A, %select_n3A : i32
    %select_n3A_9 = arith.select %and3A, %add3A_8, %rem3A : i32
    %jit3A_10 = arith.constant 2 : i32
    %div3A = arith.divsi %add3A, %jit3A_10 : i32
    %sign3A = arith.constant 0 : i32
    %sign3A_11 = arith.cmpi sgt, %add3A, %sign3A : i32
    %sign3A_12 = arith.extui %sign3A_11 : i1 to i32
    %sign3A_13 = arith.constant 0 : i32
    %sign3A_14 = arith.cmpi slt, %add3A, %sign3A_13 : i32
    %sign3A_15 = arith.extui %sign3A_14 : i1 to i32
    %sign3A_16 = arith.subi %sign3A_12, %sign3A_15 : i32
    %sign3A_17 = arith.constant 0 : i32
    %sign3A_18 = arith.cmpi sgt, %jit3A_10, %sign3A_17 : i32
    %sign3A_19 = arith.extui %sign3A_18 : i1 to i32
    %sign3A_20 = arith.constant 0 : i32
    %sign3A_21 = arith.cmpi slt, %jit3A_10, %sign3A_20 : i32
    %sign3A_22 = arith.extui %sign3A_21 : i1 to i32
    %sign3A_23 = arith.subi %sign3A_19, %sign3A_22 : i32
    %ne3A_24 = arith.cmpi ne, %sign3A_16, %sign3A_23 : i32
    %rem3A_25 = arith.remsi %add3A, %jit3A_10 : i32
    %ne3A_26 = arith.constant 0 : i32
    %ne3A_27 = arith.cmpi ne, %rem3A_25, %ne3A_26 : i32
    %and3A_28 = arith.andi %ne3A_24, %ne3A_27 : i1
    %sub3A = arith.constant 1 : i32
    %sub3A_29 = arith.subi %div3A, %sub3A : i32
    %select_n3A_30 = arith.select %and3A_28, %sub3A_29, %div3A : i32
    %iota3A = tpu.iota {dimensions = array<i32: 0>} : vector<16xi32>
    %broadcast_in_dim3A = arith.constant 0.000000e+00 : f32
    %broadcast_in_dim3A_31 = vector.broadcast %broadcast_in_dim3A : f32 to vector<16xf32>
    %broadcast_in_dim3A_32 = arith.constant 1.000000e+00 : f32
    %broadcast_in_dim3A_33 = vector.broadcast %broadcast_in_dim3A_32 : f32 to vector<16xf32>
    %parallel_loop3A = arith.constant 0 : i32
    %parallel_loop3A_34 = arith.constant 256 : i32
    %parallel_loop3A_35 = arith.constant 1 : i32
    scf.for %parallel_loop3A_1456 = %parallel_loop3A to %parallel_loop3A_34 step %parallel_loop3A_35  : i32 {
      %parallel_loop3A_1457 = arith.constant 16 : i32
      %parallel_loop3A_1458 = arith.muli %parallel_loop3A_1456, %parallel_loop3A_1457 : i32
      %parallel_loop3A_1459 = arith.index_cast %parallel_loop3A_1458 : i32 to index
      %parallel_loop3A_1460 = tpu.vector_load %arg7[%parallel_loop3A_1459] {strides = array<i32>} : memref<4096xf32, #tpu.memory_space<vmem>>, vector<16xf32>,
      tpu.vector_store %arg7[%parallel_loop3A_1459], %broadcast_in_dim3A_31 {strides = array<i32>} : memref<4096xf32, #tpu.memory_space<vmem>>, vector<16xf32>,
    } {sc.loop_unroll_factor = 8 : i64, sc.parallel_access}
    %eq3A_36 = arith.constant 0 : i32
    %eq3A_37 = arith.cmpi eq, %select_n3A_9, %eq3A_36 : i32
    %convert_element_type3A = arith.extui %eq3A_37 : i1 to i32
    %cond3A = arith.constant 0 : i32
    %cond3A_38 = arith.cmpi ne, %convert_element_type3A, %cond3A : i32
    scf.if %cond3A_38 {
      %dma_start3A = arith.constant 0 : i32
      %dma_start3A_1456 = arith.constant 0 : i32
      %dma_start3A_1457 = tpu.memref_slice %arg2[%select_n3A_30, %dma_start3A, %dma_start3A_1456] : memref<16x1536x512xf32, #tpu.memory_space<hbm>> -> memref<1x96x512xf32, #tpu.memory_space<hbm>>
      %dma_start3A_1458 = tpu.memref_squeeze %dma_start3A_1457 : memref<1x96x512xf32, #tpu.memory_space<hbm>> -> memref<96x512xf32, #tpu.memory_space<hbm>>
      %dma_start3A_1459 = arith.constant 0 : i32
      %dma_start3A_1460 = arith.constant 0 : i32
      %dma_start3A_1461 = tpu.memref_slice %arg2[%select_n3A_30, %dma_start3A_1459, %dma_start3A_1460] : memref<16x1536x512xf32, #tpu.memory_space<hbm>> -> memref<1x96x512xf32, #tpu.memory_space<hbm>>
      %dma_start3A_1462 = tpu.memref_squeeze %dma_start3A_1461 : memref<1x96x512xf32, #tpu.memory_space<hbm>> -> memref<96x512xf32, #tpu.memory_space<hbm>>
      tpu.enqueue_dma source(%dma_start3A_1462 : memref<96x512xf32, #tpu.memory_space<hbm>>) target(%arg5 : memref<96x512xf32, #tpu.memory_space<vmem>>) target_semaphore(%arg9 : memref<!tpu.dma_semaphore, #tpu.memory_space<semaphore_mem>>)
    } else {
    }
    %eq3A_39 = arith.constant 1 : i32
    %eq3A_40 = arith.cmpi eq, %select_n3A_9, %eq3A_39 : i32
    %convert_element_type3A_41 = arith.extui %eq3A_40 : i1 to i32
    %cond3A_42 = arith.constant 0 : i32
    %cond3A_43 = arith.cmpi ne, %convert_element_type3A_41, %cond3A_42 : i32
    scf.if %cond3A_43 {
      %dma_start3A = arith.constant 0 : i32
      %dma_start3A_1456 = arith.constant 0 : i32
      %dma_start3A_1457 = tpu.memref_slice %arg3[%select_n3A_30, %dma_start3A, %dma_start3A_1456] : memref<16x1536x512xf32, #tpu.memory_space<hbm>> -> memref<1x96x512xf32, #tpu.memory_space<hbm>>
      %dma_start3A_1458 = tpu.memref_squeeze %dma_start3A_1457 : memref<1x96x512xf32, #tpu.memory_space<hbm>> -> memref<96x512xf32, #tpu.memory_space<hbm>>
      %dma_start3A_1459 = arith.constant 0 : i32
      %dma_start3A_1460 = arith.constant 0 : i32
      %dma_start3A_1461 = tpu.memref_slice %arg3[%select_n3A_30, %dma_start3A_1459, %dma_start3A_1460] : memref<16x1536x512xf32, #tpu.memory_space<hbm>> -> memref<1x96x512xf32, #tpu.memory_space<hbm>>
      %dma_start3A_1462 = tpu.memref_squeeze %dma_start3A_1461 : memref<1x96x512xf32, #tpu.memory_space<hbm>> -> memref<96x512xf32, #tpu.memory_space<hbm>>
      tpu.enqueue_dma source(%dma_start3A_1462 : memref<96x512xf32, #tpu.memory_space<hbm>>) target(%arg5 : memref<96x512xf32, #tpu.memory_space<vmem>>) target_semaphore(%arg9 : memref<!tpu.dma_semaphore, #tpu.memory_space<semaphore_mem>>)
    } else {
    }
    %scan3A = arith.constant 0 : i32
    %scan3A_44 = arith.constant 0 : i32
    %scan3A_45 = arith.constant 8 : i32
    %scan3A_46 = arith.addi %scan3A_44, %scan3A_45 : i32
    %scan3A_47 = arith.constant 1 : i32
    %scan3A_48 = scf.for %scan3A_1456 = %scan3A_44 to %scan3A_46 step %scan3A_47 iter_args(%scan3A_1457 = %scan3A) -> (i32)  : i32 {
      %mul3A_1458 = arith.constant 2 : i32
      %mul3A_1459 = arith.muli %scan3A_1456, %mul3A_1458 : i32
      %add3A_1460 = arith.constant 1 : i32
      %add3A_1461 = arith.addi %mul3A_1459, %add3A_1460 : i32
      %mul3A_1462 = arith.constant 96 : i32
      %mul3A_1463 = arith.muli %add3A_1461, %mul3A_1462 : i32
      %eq3A_1464 = arith.constant 0 : i32
      %eq3A_1465 = arith.cmpi eq, %select_n3A_9, %eq3A_1464 : i32
      %convert_element_type3A_1466 = arith.extui %eq3A_1465 : i1 to i32
      %cond3A_1467 = arith.constant 0 : i32
      %cond3A_1468 = arith.cmpi ne, %convert_element_type3A_1466, %cond3A_1467 : i32
      scf.if %cond3A_1468 {
        %dma_start3A = arith.constant 0 : i32
        %dma_start3A_1505 = tpu.memref_slice %arg2[%select_n3A_30, %mul3A_1463, %dma_start3A] : memref<16x1536x512xf32, #tpu.memory_space<hbm>> -> memref<1x96x512xf32, #tpu.memory_space<hbm>>
        %dma_start3A_1506 = tpu.memref_squeeze %dma_start3A_1505 : memref<1x96x512xf32, #tpu.memory_space<hbm>> -> memref<96x512xf32, #tpu.memory_space<hbm>>
        %dma_start3A_1507 = arith.constant 0 : i32
        %dma_start3A_1508 = tpu.memref_slice %arg2[%select_n3A_30, %mul3A_1463, %dma_start3A_1507] : memref<16x1536x512xf32, #tpu.memory_space<hbm>> -> memref<1x96x512xf32, #tpu.memory_space<hbm>>
        %dma_start3A_1509 = tpu.memref_squeeze %dma_start3A_1508 : memref<1x96x512xf32, #tpu.memory_space<hbm>> -> memref<96x512xf32, #tpu.memory_space<hbm>>
        tpu.enqueue_dma source(%dma_start3A_1509 : memref<96x512xf32, #tpu.memory_space<hbm>>) target(%arg6 : memref<96x512xf32, #tpu.memory_space<vmem>>) target_semaphore(%arg10 : memref<!tpu.dma_semaphore, #tpu.memory_space<semaphore_mem>>)
      } else {
      }
      %eq3A_1469 = arith.constant 1 : i32
      %eq3A_1470 = arith.cmpi eq, %select_n3A_9, %eq3A_1469 : i32
      %convert_element_type3A_1471 = arith.extui %eq3A_1470 : i1 to i32
      %cond3A_1472 = arith.constant 0 : i32
      %cond3A_1473 = arith.cmpi ne, %convert_element_type3A_1471, %cond3A_1472 : i32
      scf.if %cond3A_1473 {
        %dma_start3A = arith.constant 0 : i32
        %dma_start3A_1505 = tpu.memref_slice %arg3[%select_n3A_30, %mul3A_1463, %dma_start3A] : memref<16x1536x512xf32, #tpu.memory_space<hbm>> -> memref<1x96x512xf32, #tpu.memory_space<hbm>>
        %dma_start3A_1506 = tpu.memref_squeeze %dma_start3A_1505 : memref<1x96x512xf32, #tpu.memory_space<hbm>> -> memref<96x512xf32, #tpu.memory_space<hbm>>
        %dma_start3A_1507 = arith.constant 0 : i32
        %dma_start3A_1508 = tpu.memref_slice %arg3[%select_n3A_30, %mul3A_1463, %dma_start3A_1507] : memref<16x1536x512xf32, #tpu.memory_space<hbm>> -> memref<1x96x512xf32, #tpu.memory_space<hbm>>
        %dma_start3A_1509 = tpu.memref_squeeze %dma_start3A_1508 : memref<1x96x512xf32, #tpu.memory_space<hbm>> -> memref<96x512xf32, #tpu.memory_space<hbm>>
        tpu.enqueue_dma source(%dma_start3A_1509 : memref<96x512xf32, #tpu.memory_space<hbm>>) target(%arg6 : memref<96x512xf32, #tpu.memory_space<vmem>>) target_semaphore(%arg10 : memref<!tpu.dma_semaphore, #tpu.memory_space<semaphore_mem>>)
      } else {
      }
      %dma_wait3A = arith.constant 0 : i32
      %dma_wait3A_1474 = arith.constant 0 : i32
      %dma_wait3A_1475 = arith.constant 0 : i32
      %dma_wait3A_1476 = tpu.memref_slice %arg2[%dma_wait3A, %dma_wait3A_1474, %dma_wait3A_1475] : memref<16x1536x512xf32, #tpu.memory_space<hbm>> -> memref<1x96x512xf32, #tpu.memory_space<hbm>>
      %dma_wait3A_1477 = tpu.memref_squeeze %dma_wait3A_1476 : memref<1x96x512xf32, #tpu.memory_space<hbm>> -> memref<96x512xf32, #tpu.memory_space<hbm>>
      %dma_wait3A_1478 = arith.constant 0 : i32
      %dma_wait3A_1479 = arith.constant 0 : i32
      %dma_wait3A_1480 = tpu.memref_slice %arg2[%dma_wait3A, %dma_wait3A_1478, %dma_wait3A_1479] : memref<16x1536x512xf32, #tpu.memory_space<hbm>> -> memref<1x96x512xf32, #tpu.memory_space<hbm>>
      %dma_wait3A_1481 = tpu.memref_squeeze %dma_wait3A_1480 : memref<1x96x512xf32, #tpu.memory_space<hbm>> -> memref<96x512xf32, #tpu.memory_space<hbm>>
      tpu.wait_dma2 semaphore(%arg9 : memref<!tpu.dma_semaphore, #tpu.memory_space<semaphore_mem>>) src(%dma_wait3A_1481 : memref<96x512xf32, #tpu.memory_space<hbm>>) dst(%arg5 : memref<96x512xf32, #tpu.memory_space<vmem>>)
      %parallel_loop3A_1482 = arith.constant 0 : i32
      %parallel_loop3A_1483 = arith.constant 3072 : i32
      %parallel_loop3A_1484 = arith.constant 1 : i32
      scf.for %parallel_loop3A_1505 = %parallel_loop3A_1482 to %parallel_loop3A_1483 step %parallel_loop3A_1484  : i32 {
        %parallel_loop3A_1506 = arith.constant 32 : i32
        %parallel_loop3A_1507 = arith.divsi %parallel_loop3A_1505, %parallel_loop3A_1506 : i32
        %parallel_loop3A_1508 = arith.constant 0 : i32
        %parallel_loop3A_1509 = arith.cmpi sgt, %parallel_loop3A_1505, %parallel_loop3A_1508 : i32
        %parallel_loop3A_1510 = arith.extui %parallel_loop3A_1509 : i1 to i32
        %parallel_loop3A_1511 = arith.constant 0 : i32
        %parallel_loop3A_1512 = arith.cmpi slt, %parallel_loop3A_1505, %parallel_loop3A_1511 : i32
        %parallel_loop3A_1513 = arith.extui %parallel_loop3A_1512 : i1 to i32
        %parallel_loop3A_1514 = arith.subi %parallel_loop3A_1510, %parallel_loop3A_1513 : i32
        %parallel_loop3A_1515 = arith.constant 0 : i32
        %parallel_loop3A_1516 = arith.cmpi sgt, %parallel_loop3A_1506, %parallel_loop3A_1515 : i32
        %parallel_loop3A_1517 = arith.extui %parallel_loop3A_1516 : i1 to i32
        %parallel_loop3A_1518 = arith.constant 0 : i32
        %parallel_loop3A_1519 = arith.cmpi slt, %parallel_loop3A_1506, %parallel_loop3A_1518 : i32
        %parallel_loop3A_1520 = arith.extui %parallel_loop3A_1519 : i1 to i32
        %parallel_loop3A_1521 = arith.subi %parallel_loop3A_1517, %parallel_loop3A_1520 : i32
        %parallel_loop3A_1522 = arith.cmpi ne, %parallel_loop3A_1514, %parallel_loop3A_1521 : i32
        %parallel_loop3A_1523 = arith.remsi %parallel_loop3A_1505, %parallel_loop3A_1506 : i32
        %parallel_loop3A_1524 = arith.constant 0 : i32
        %parallel_loop3A_1525 = arith.cmpi ne, %parallel_loop3A_1523, %parallel_loop3A_1524 : i32
        %parallel_loop3A_1526 = arith.andi %parallel_loop3A_1522, %parallel_loop3A_1525 : i1
        %parallel_loop3A_1527 = arith.constant 1 : i32
        %parallel_loop3A_1528 = arith.subi %parallel_loop3A_1507, %parallel_loop3A_1527 : i32
        %parallel_loop3A_1529 = arith.select %parallel_loop3A_1526, %parallel_loop3A_1528, %parallel_loop3A_1507 : i32
        %parallel_loop3A_1530 = arith.constant 32 : i32
        %parallel_loop3A_1531 = arith.constant 0 : i32
        %parallel_loop3A_1532 = arith.cmpi eq, %parallel_loop3A_1530, %parallel_loop3A_1531 : i32
        %parallel_loop3A_1533 = arith.constant 1 : i32
        %parallel_loop3A_1534 = arith.select %parallel_loop3A_1532, %parallel_loop3A_1533, %parallel_loop3A_1530 : i32
        %parallel_loop3A_1535 = arith.remsi %parallel_loop3A_1505, %parallel_loop3A_1534 : i32
        %parallel_loop3A_1536 = arith.constant 0 : i32
        %parallel_loop3A_1537 = arith.cmpi ne, %parallel_loop3A_1535, %parallel_loop3A_1536 : i32
        %parallel_loop3A_1538 = arith.constant 0 : i32
        %parallel_loop3A_1539 = arith.cmpi slt, %parallel_loop3A_1535, %parallel_loop3A_1538 : i32
        %parallel_loop3A_1540 = arith.constant 0 : i32
        %parallel_loop3A_1541 = arith.cmpi slt, %parallel_loop3A_1534, %parallel_loop3A_1540 : i32
        %parallel_loop3A_1542 = arith.xori %parallel_loop3A_1539, %parallel_loop3A_1541 : i1
        %parallel_loop3A_1543 = arith.andi %parallel_loop3A_1542, %parallel_loop3A_1537 : i1
        %parallel_loop3A_1544 = arith.addi %parallel_loop3A_1535, %parallel_loop3A_1534 : i32
        %parallel_loop3A_1545 = arith.select %parallel_loop3A_1543, %parallel_loop3A_1544, %parallel_loop3A_1535 : i32
        %parallel_loop3A_1546 = arith.constant 16 : i32
        %parallel_loop3A_1547 = arith.muli %parallel_loop3A_1545, %parallel_loop3A_1546 : i32
        %parallel_loop3A_1548 = arith.index_cast %parallel_loop3A_1529 : i32 to index
        %parallel_loop3A_1549 = arith.index_cast %parallel_loop3A_1547 : i32 to index
        %parallel_loop3A_1550 = tpu.vector_load %arg5[%parallel_loop3A_1548, %parallel_loop3A_1549] {strides = array<i32>} : memref<96x512xf32, #tpu.memory_space<vmem>>, vector<16xf32>,
        %parallel_loop3A_1551 = arith.constant 2.550000e+02 : f32
        %parallel_loop3A_1552 = vector.broadcast %parallel_loop3A_1551 : f32 to vector<16xf32>
        %parallel_loop3A_1553 = arith.mulf %parallel_loop3A_1550, %parallel_loop3A_1552 : vector<16xf32>
        %parallel_loop3A_1554 = arith.constant 2.550000e+02 : f32
        %parallel_loop3A_1555 = vector.broadcast %parallel_loop3A_1554 : f32 to vector<16xf32>
        %parallel_loop3A_1556 = arith.divf %parallel_loop3A_1553, %parallel_loop3A_1555 : vector<16xf32>
        %parallel_loop3A_1557 = arith.constant 2.560000e+02 : f32
        %parallel_loop3A_1558 = vector.broadcast %parallel_loop3A_1557 : f32 to vector<16xf32>
        %parallel_loop3A_1559 = arith.mulf %parallel_loop3A_1556, %parallel_loop3A_1558 : vector<16xf32>
        %parallel_loop3A_1560 = arith.constant 2.555000e+02 : f32
        %parallel_loop3A_1561 = vector.broadcast %parallel_loop3A_1560 : f32 to vector<16xf32>
        %parallel_loop3A_1562 = arith.minimumf %parallel_loop3A_1559, %parallel_loop3A_1561 : vector<16xf32>
        %parallel_loop3A_1563 = arith.fptosi %parallel_loop3A_1562 : vector<16xf32> to vector<16xi32>
        %parallel_loop3A_1564 = arith.constant 16 : i32
        %parallel_loop3A_1565 = vector.broadcast %parallel_loop3A_1564 : i32 to vector<16xi32>
        %parallel_loop3A_1566 = arith.muli %parallel_loop3A_1563, %parallel_loop3A_1565 : vector<16xi32>
        %parallel_loop3A_1567 = arith.addi %parallel_loop3A_1566, %iota3A : vector<16xi32>
        tpu.vector_store_idx %arg7[%parallel_loop3A_1567], %broadcast_in_dim3A_33 {add = true} : memref<4096xf32, #tpu.memory_space<vmem>>[vector<16xi32>], vector<16xf32>,
      } {sc.loop_unroll_factor = 16 : i64, sc.parallel_access}
      %add3A_1485 = arith.constant 2 : i32
      %add3A_1486 = arith.addi %mul3A_1459, %add3A_1485 : i32
      %lt3A_1487 = arith.constant 16 : i32
      %lt3A_1488 = arith.cmpi slt, %add3A_1486, %lt3A_1487 : i32
      %convert_element_type3A_1489 = arith.extui %lt3A_1488 : i1 to i32
      %cond3A_1490 = arith.constant 0 : i32
      %cond3A_1491 = arith.cmpi ne, %convert_element_type3A_1489, %cond3A_1490 : i32
      scf.if %cond3A_1491 {
        %add3A_1505 = arith.constant 2 : i32
        %add3A_1506 = arith.addi %mul3A_1459, %add3A_1505 : i32
        %mul3A_1507 = arith.constant 96 : i32
        %mul3A_1508 = arith.muli %add3A_1506, %mul3A_1507 : i32
        %eq3A_1509 = arith.constant 0 : i32
        %eq3A_1510 = arith.cmpi eq, %select_n3A_9, %eq3A_1509 : i32
        %convert_element_type3A_1511 = arith.extui %eq3A_1510 : i1 to i32
        %cond3A_1512 = arith.constant 0 : i32
        %cond3A_1513 = arith.cmpi ne, %convert_element_type3A_1511, %cond3A_1512 : i32
        scf.if %cond3A_1513 {
          %dma_start3A = arith.constant 0 : i32
          %dma_start3A_1519 = tpu.memref_slice %arg2[%select_n3A_30, %mul3A_1508, %dma_start3A] : memref<16x1536x512xf32, #tpu.memory_space<hbm>> -> memref<1x96x512xf32, #tpu.memory_space<hbm>>
          %dma_start3A_1520 = tpu.memref_squeeze %dma_start3A_1519 : memref<1x96x512xf32, #tpu.memory_space<hbm>> -> memref<96x512xf32, #tpu.memory_space<hbm>>
          %dma_start3A_1521 = arith.constant 0 : i32
          %dma_start3A_1522 = tpu.memref_slice %arg2[%select_n3A_30, %mul3A_1508, %dma_start3A_1521] : memref<16x1536x512xf32, #tpu.memory_space<hbm>> -> memref<1x96x512xf32, #tpu.memory_space<hbm>>
          %dma_start3A_1523 = tpu.memref_squeeze %dma_start3A_1522 : memref<1x96x512xf32, #tpu.memory_space<hbm>> -> memref<96x512xf32, #tpu.memory_space<hbm>>
          tpu.enqueue_dma source(%dma_start3A_1523 : memref<96x512xf32, #tpu.memory_space<hbm>>) target(%arg5 : memref<96x512xf32, #tpu.memory_space<vmem>>) target_semaphore(%arg9 : memref<!tpu.dma_semaphore, #tpu.memory_space<semaphore_mem>>)
        } else {
        }
        %eq3A_1514 = arith.constant 1 : i32
        %eq3A_1515 = arith.cmpi eq, %select_n3A_9, %eq3A_1514 : i32
        %convert_element_type3A_1516 = arith.extui %eq3A_1515 : i1 to i32
        %cond3A_1517 = arith.constant 0 : i32
        %cond3A_1518 = arith.cmpi ne, %convert_element_type3A_1516, %cond3A_1517 : i32
        scf.if %cond3A_1518 {
          %dma_start3A = arith.constant 0 : i32
          %dma_start3A_1519 = tpu.memref_slice %arg3[%select_n3A_30, %mul3A_1508, %dma_start3A] : memref<16x1536x512xf32, #tpu.memory_space<hbm>> -> memref<1x96x512xf32, #tpu.memory_space<hbm>>
          %dma_start3A_1520 = tpu.memref_squeeze %dma_start3A_1519 : memref<1x96x512xf32, #tpu.memory_space<hbm>> -> memref<96x512xf32, #tpu.memory_space<hbm>>
          %dma_start3A_1521 = arith.constant 0 : i32
          %dma_start3A_1522 = tpu.memref_slice %arg3[%select_n3A_30, %mul3A_1508, %dma_start3A_1521] : memref<16x1536x512xf32, #tpu.memory_space<hbm>> -> memref<1x96x512xf32, #tpu.memory_space<hbm>>
          %dma_start3A_1523 = tpu.memref_squeeze %dma_start3A_1522 : memref<1x96x512xf32, #tpu.memory_space<hbm>> -> memref<96x512xf32, #tpu.memory_space<hbm>>
          tpu.enqueue_dma source(%dma_start3A_1523 : memref<96x512xf32, #tpu.memory_space<hbm>>) target(%arg5 : memref<96x512xf32, #tpu.memory_space<vmem>>) target_semaphore(%arg9 : memref<!tpu.dma_semaphore, #tpu.memory_space<semaphore_mem>>)
        } else {
        }
      } else {
      }
      %dma_wait3A_1492 = arith.constant 0 : i32
      %dma_wait3A_1493 = arith.constant 0 : i32
      %dma_wait3A_1494 = arith.constant 0 : i32
      %dma_wait3A_1495 = tpu.memref_slice %arg2[%dma_wait3A_1492, %dma_wait3A_1493, %dma_wait3A_1494] : memref<16x1536x512xf32, #tpu.memory_space<hbm>> -> memref<1x96x512xf32, #tpu.memory_space<hbm>>
      %dma_wait3A_1496 = tpu.memref_squeeze %dma_wait3A_1495 : memref<1x96x512xf32, #tpu.memory_space<hbm>> -> memref<96x512xf32, #tpu.memory_space<hbm>>
      %dma_wait3A_1497 = arith.constant 0 : i32
      %dma_wait3A_1498 = arith.constant 0 : i32
      %dma_wait3A_1499 = tpu.memref_slice %arg2[%dma_wait3A_1492, %dma_wait3A_1497, %dma_wait3A_1498] : memref<16x1536x512xf32, #tpu.memory_space<hbm>> -> memref<1x96x512xf32, #tpu.memory_space<hbm>>
      %dma_wait3A_1500 = tpu.memref_squeeze %dma_wait3A_1499 : memref<1x96x512xf32, #tpu.memory_space<hbm>> -> memref<96x512xf32, #tpu.memory_space<hbm>>
      tpu.wait_dma2 semaphore(%arg10 : memref<!tpu.dma_semaphore, #tpu.memory_space<semaphore_mem>>) src(%dma_wait3A_1500 : memref<96x512xf32, #tpu.memory_space<hbm>>) dst(%arg6 : memref<96x512xf32, #tpu.memory_space<vmem>>)
      %parallel_loop3A_1501 = arith.constant 0 : i32
      %parallel_loop3A_1502 = arith.constant 3072 : i32
      %parallel_loop3A_1503 = arith.constant 1 : i32
      scf.for %parallel_loop3A_1505 = %parallel_loop3A_1501 to %parallel_loop3A_1502 step %parallel_loop3A_1503  : i32 {
        %parallel_loop3A_1506 = arith.constant 32 : i32
        %parallel_loop3A_1507 = arith.divsi %parallel_loop3A_1505, %parallel_loop3A_1506 : i32
        %parallel_loop3A_1508 = arith.constant 0 : i32
        %parallel_loop3A_1509 = arith.cmpi sgt, %parallel_loop3A_1505, %parallel_loop3A_1508 : i32
        %parallel_loop3A_1510 = arith.extui %parallel_loop3A_1509 : i1 to i32
        %parallel_loop3A_1511 = arith.constant 0 : i32
        %parallel_loop3A_1512 = arith.cmpi slt, %parallel_loop3A_1505, %parallel_loop3A_1511 : i32
        %parallel_loop3A_1513 = arith.extui %parallel_loop3A_1512 : i1 to i32
        %parallel_loop3A_1514 = arith.subi %parallel_loop3A_1510, %parallel_loop3A_1513 : i32
        %parallel_loop3A_1515 = arith.constant 0 : i32
        %parallel_loop3A_1516 = arith.cmpi sgt, %parallel_loop3A_1506, %parallel_loop3A_1515 : i32
        %parallel_loop3A_1517 = arith.extui %parallel_loop3A_1516 : i1 to i32
        %parallel_loop3A_1518 = arith.constant 0 : i32
        %parallel_loop3A_1519 = arith.cmpi slt, %parallel_loop3A_1506, %parallel_loop3A_1518 : i32
        %parallel_loop3A_1520 = arith.extui %parallel_loop3A_1519 : i1 to i32
        %parallel_loop3A_1521 = arith.subi %parallel_loop3A_1517, %parallel_loop3A_1520 : i32
        %parallel_loop3A_1522 = arith.cmpi ne, %parallel_loop3A_1514, %parallel_loop3A_1521 : i32
        %parallel_loop3A_1523 = arith.remsi %parallel_loop3A_1505, %parallel_loop3A_1506 : i32
        %parallel_loop3A_1524 = arith.constant 0 : i32
        %parallel_loop3A_1525 = arith.cmpi ne, %parallel_loop3A_1523, %parallel_loop3A_1524 : i32
        %parallel_loop3A_1526 = arith.andi %parallel_loop3A_1522, %parallel_loop3A_1525 : i1
        %parallel_loop3A_1527 = arith.constant 1 : i32
        %parallel_loop3A_1528 = arith.subi %parallel_loop3A_1507, %parallel_loop3A_1527 : i32
        %parallel_loop3A_1529 = arith.select %parallel_loop3A_1526, %parallel_loop3A_1528, %parallel_loop3A_1507 : i32
        %parallel_loop3A_1530 = arith.constant 32 : i32
        %parallel_loop3A_1531 = arith.constant 0 : i32
        %parallel_loop3A_1532 = arith.cmpi eq, %parallel_loop3A_1530, %parallel_loop3A_1531 : i32
        %parallel_loop3A_1533 = arith.constant 1 : i32
        %parallel_loop3A_1534 = arith.select %parallel_loop3A_1532, %parallel_loop3A_1533, %parallel_loop3A_1530 : i32
        %parallel_loop3A_1535 = arith.remsi %parallel_loop3A_1505, %parallel_loop3A_1534 : i32
        %parallel_loop3A_1536 = arith.constant 0 : i32
        %parallel_loop3A_1537 = arith.cmpi ne, %parallel_loop3A_1535, %parallel_loop3A_1536 : i32
        %parallel_loop3A_1538 = arith.constant 0 : i32
        %parallel_loop3A_1539 = arith.cmpi slt, %parallel_loop3A_1535, %parallel_loop3A_1538 : i32
        %parallel_loop3A_1540 = arith.constant 0 : i32
        %parallel_loop3A_1541 = arith.cmpi slt, %parallel_loop3A_1534, %parallel_loop3A_1540 : i32
        %parallel_loop3A_1542 = arith.xori %parallel_loop3A_1539, %parallel_loop3A_1541 : i1
        %parallel_loop3A_1543 = arith.andi %parallel_loop3A_1542, %parallel_loop3A_1537 : i1
        %parallel_loop3A_1544 = arith.addi %parallel_loop3A_1535, %parallel_loop3A_1534 : i32
        %parallel_loop3A_1545 = arith.select %parallel_loop3A_1543, %parallel_loop3A_1544, %parallel_loop3A_1535 : i32
        %parallel_loop3A_1546 = arith.constant 16 : i32
        %parallel_loop3A_1547 = arith.muli %parallel_loop3A_1545, %parallel_loop3A_1546 : i32
        %parallel_loop3A_1548 = arith.index_cast %parallel_loop3A_1529 : i32 to index
        %parallel_loop3A_1549 = arith.index_cast %parallel_loop3A_1547 : i32 to index
        %parallel_loop3A_1550 = tpu.vector_load %arg6[%parallel_loop3A_1548, %parallel_loop3A_1549] {strides = array<i32>} : memref<96x512xf32, #tpu.memory_space<vmem>>, vector<16xf32>,
        %parallel_loop3A_1551 = arith.constant 2.550000e+02 : f32
        %parallel_loop3A_1552 = vector.broadcast %parallel_loop3A_1551 : f32 to vector<16xf32>
        %parallel_loop3A_1553 = arith.mulf %parallel_loop3A_1550, %parallel_loop3A_1552 : vector<16xf32>
        %parallel_loop3A_1554 = arith.constant 2.550000e+02 : f32
        %parallel_loop3A_1555 = vector.broadcast %parallel_loop3A_1554 : f32 to vector<16xf32>
        %parallel_loop3A_1556 = arith.divf %parallel_loop3A_1553, %parallel_loop3A_1555 : vector<16xf32>
        %parallel_loop3A_1557 = arith.constant 2.560000e+02 : f32
        %parallel_loop3A_1558 = vector.broadcast %parallel_loop3A_1557 : f32 to vector<16xf32>
        %parallel_loop3A_1559 = arith.mulf %parallel_loop3A_1556, %parallel_loop3A_1558 : vector<16xf32>
        %parallel_loop3A_1560 = arith.constant 2.555000e+02 : f32
        %parallel_loop3A_1561 = vector.broadcast %parallel_loop3A_1560 : f32 to vector<16xf32>
        %parallel_loop3A_1562 = arith.minimumf %parallel_loop3A_1559, %parallel_loop3A_1561 : vector<16xf32>
        %parallel_loop3A_1563 = arith.fptosi %parallel_loop3A_1562 : vector<16xf32> to vector<16xi32>
        %parallel_loop3A_1564 = arith.constant 16 : i32
        %parallel_loop3A_1565 = vector.broadcast %parallel_loop3A_1564 : i32 to vector<16xi32>
        %parallel_loop3A_1566 = arith.muli %parallel_loop3A_1563, %parallel_loop3A_1565 : vector<16xi32>
        %parallel_loop3A_1567 = arith.addi %parallel_loop3A_1566, %iota3A : vector<16xi32>
        tpu.vector_store_idx %arg7[%parallel_loop3A_1567], %broadcast_in_dim3A_33 {add = true} : memref<4096xf32, #tpu.memory_space<vmem>>[vector<16xi32>], vector<16xf32>,
      } {sc.loop_unroll_factor = 16 : i64, sc.parallel_access}
      %scan3A_1504 = arith.constant 0 : i32
      scf.yield %scan3A_1504 : i32
    }
    %scan3A_49 = arith.constant 8 : i32
    %add3A_50 = arith.constant 0 : i32
    %add3A_51 = vector.broadcast %add3A_50 : i32 to vector<16xi32>
    %add3A_52 = arith.addi %add3A_51, %iota3A : vector<16xi32>
    %mul3A_53 = arith.constant 16 : i32
    %mul3A_54 = vector.broadcast %mul3A_53 : i32 to vector<16xi32>
    %mul3A_55 = arith.muli %add3A_52, %mul3A_54 : vector<16xi32>
    %add3A_56 = arith.constant 0 : i32
    %add3A_57 = vector.broadcast %add3A_56 : i32 to vector<16xi32>
    %add3A_58 = arith.addi %mul3A_55, %add3A_57 : vector<16xi32>
    %gather3A = tpu.vector_load_idx %arg7[%add3A_58] : memref<4096xf32, #tpu.memory_space<vmem>>[vector<16xi32>], vector<16xf32>,
    %add3A_59 = arith.addf %broadcast_in_dim3A_31, %gather3A : vector<16xf32>
    %add3A_60 = arith.constant 1 : i32
    %add3A_61 = vector.broadcast %add3A_60 : i32 to vector<16xi32>
    %add3A_62 = arith.addi %mul3A_55, %add3A_61 : vector<16xi32>
    %gather3A_63 = tpu.vector_load_idx %arg7[%add3A_62] : memref<4096xf32, #tpu.memory_space<vmem>>[vector<16xi32>], vector<16xf32>,
    %add3A_64 = arith.addf %add3A_59, %gather3A_63 : vector<16xf32>
    %add3A_65 = arith.constant 2 : i32
    %add3A_66 = vector.broadcast %add3A_65 : i32 to vector<16xi32>
    %add3A_67 = arith.addi %mul3A_55, %add3A_66 : vector<16xi32>
    %gather3A_68 = tpu.vector_load_idx %arg7[%add3A_67] : memref<4096xf32, #tpu.memory_space<vmem>>[vector<16xi32>], vector<16xf32>,
    %add3A_69 = arith.addf %add3A_64, %gather3A_68 : vector<16xf32>
    %add3A_70 = arith.constant 3 : i32
    %add3A_71 = vector.broadcast %add3A_70 : i32 to vector<16xi32>
    %add3A_72 = arith.addi %mul3A_55, %add3A_71 : vector<16xi32>
    %gather3A_73 = tpu.vector_load_idx %arg7[%add3A_72] : memref<4096xf32, #tpu.memory_space<vmem>>[vector<16xi32>], vector<16xf32>,
    %add3A_74 = arith.addf %add3A_69, %gather3A_73 : vector<16xf32>
    %add3A_75 = arith.constant 4 : i32
    %add3A_76 = vector.broadcast %add3A_75 : i32 to vector<16xi32>
    %add3A_77 = arith.addi %mul3A_55, %add3A_76 : vector<16xi32>
    %gather3A_78 = tpu.vector_load_idx %arg7[%add3A_77] : memref<4096xf32, #tpu.memory_space<vmem>>[vector<16xi32>], vector<16xf32>,
    %add3A_79 = arith.addf %add3A_74, %gather3A_78 : vector<16xf32>
    %add3A_80 = arith.constant 5 : i32
    %add3A_81 = vector.broadcast %add3A_80 : i32 to vector<16xi32>
    %add3A_82 = arith.addi %mul3A_55, %add3A_81 : vector<16xi32>
    %gather3A_83 = tpu.vector_load_idx %arg7[%add3A_82] : memref<4096xf32, #tpu.memory_space<vmem>>[vector<16xi32>], vector<16xf32>,
    %add3A_84 = arith.addf %add3A_79, %gather3A_83 : vector<16xf32>
    %add3A_85 = arith.constant 6 : i32
    %add3A_86 = vector.broadcast %add3A_85 : i32 to vector<16xi32>
    %add3A_87 = arith.addi %mul3A_55, %add3A_86 : vector<16xi32>
    %gather3A_88 = tpu.vector_load_idx %arg7[%add3A_87] : memref<4096xf32, #tpu.memory_space<vmem>>[vector<16xi32>], vector<16xf32>,
    %add3A_89 = arith.addf %add3A_84, %gather3A_88 : vector<16xf32>
    %add3A_90 = arith.constant 7 : i32
    %add3A_91 = vector.broadcast %add3A_90 : i32 to vector<16xi32>
    %add3A_92 = arith.addi %mul3A_55, %add3A_91 : vector<16xi32>
    %gather3A_93 = tpu.vector_load_idx %arg7[%add3A_92] : memref<4096xf32, #tpu.memory_space<vmem>>[vector<16xi32>], vector<16xf32>,
    %add3A_94 = arith.addf %add3A_89, %gather3A_93 : vector<16xf32>
    %add3A_95 = arith.constant 8 : i32
    %add3A_96 = vector.broadcast %add3A_95 : i32 to vector<16xi32>
    %add3A_97 = arith.addi %mul3A_55, %add3A_96 : vector<16xi32>
    %gather3A_98 = tpu.vector_load_idx %arg7[%add3A_97] : memref<4096xf32, #tpu.memory_space<vmem>>[vector<16xi32>], vector<16xf32>,
    %add3A_99 = arith.addf %add3A_94, %gather3A_98 : vector<16xf32>
    %add3A_100 = arith.constant 9 : i32
    %add3A_101 = vector.broadcast %add3A_100 : i32 to vector<16xi32>
    %add3A_102 = arith.addi %mul3A_55, %add3A_101 : vector<16xi32>
    %gather3A_103 = tpu.vector_load_idx %arg7[%add3A_102] : memref<4096xf32, #tpu.memory_space<vmem>>[vector<16xi32>], vector<16xf32>,
    %add3A_104 = arith.addf %add3A_99, %gather3A_103 : vector<16xf32>
    %add3A_105 = arith.constant 10 : i32
    %add3A_106 = vector.broadcast %add3A_105 : i32 to vector<16xi32>
    %add3A_107 = arith.addi %mul3A_55, %add3A_106 : vector<16xi32>
    %gather3A_108 = tpu.vector_load_idx %arg7[%add3A_107] : memref<4096xf32, #tpu.memory_space<vmem>>[vector<16xi32>], vector<16xf32>,
    %add3A_109 = arith.addf %add3A_104, %gather3A_108 : vector<16xf32>
    %add3A_110 = arith.constant 11 : i32
    %add3A_111 = vector.broadcast %add3A_110 : i32 to vector<16xi32>
    %add3A_112 = arith.addi %mul3A_55, %add3A_111 : vector<16xi32>
    %gather3A_113 = tpu.vector_load_idx %arg7[%add3A_112] : memref<4096xf32, #tpu.memory_space<vmem>>[vector<16xi32>], vector<16xf32>,
    %add3A_114 = arith.addf %add3A_109, %gather3A_113 : vector<16xf32>
    %add3A_115 = arith.constant 12 : i32
    %add3A_116 = vector.broadcast %add3A_115 : i32 to vector<16xi32>
    %add3A_117 = arith.addi %mul3A_55, %add3A_116 : vector<16xi32>
    %gather3A_118 = tpu.vector_load_idx %arg7[%add3A_117] : memref<4096xf32, #tpu.memory_space<vmem>>[vector<16xi32>], vector<16xf32>,
    %add3A_119 = arith.addf %add3A_114, %gather3A_118 : vector<16xf32>
    %add3A_120 = arith.constant 13 : i32
    %add3A_121 = vector.broadcast %add3A_120 : i32 to vector<16xi32>
    %add3A_122 = arith.addi %mul3A_55, %add3A_121 : vector<16xi32>
    %gather3A_123 = tpu.vector_load_idx %arg7[%add3A_122] : memref<4096xf32, #tpu.memory_space<vmem>>[vector<16xi32>], vector<16xf32>,
    %add3A_124 = arith.addf %add3A_119, %gather3A_123 : vector<16xf32>
    %add3A_125 = arith.constant 14 : i32
    %add3A_126 = vector.broadcast %add3A_125 : i32 to vector<16xi32>
    %add3A_127 = arith.addi %mul3A_55, %add3A_126 : vector<16xi32>
    %gather3A_128 = tpu.vector_load_idx %arg7[%add3A_127] : memref<4096xf32, #tpu.memory_space<vmem>>[vector<16xi32>], vector<16xf32>,
    %add3A_129 = arith.addf %add3A_124, %gather3A_128 : vector<16xf32>
    %add3A_130 = arith.constant 15 : i32
    %add3A_131 = vector.broadcast %add3A_130 : i32 to vector<16xi32>
    %add3A_132 = arith.addi %mul3A_55, %add3A_131 : vector<16xi32>
    %gather3A_133 = tpu.vector_load_idx %arg7[%add3A_132] : memref<4096xf32, #tpu.memory_space<vmem>>[vector<16xi32>], vector<16xf32>,
    %add3A_134 = arith.addf %add3A_129, %gather3A_133 : vector<16xf32>
    %swap3A = arith.constant 0 : index
    %swap3A_135 = tpu.vector_load %arg8[%swap3A] {strides = array<i32>} : memref<256xf32, #tpu.memory_space<vmem>>, vector<16xf32>,
    tpu.vector_store %arg8[%swap3A], %add3A_134 {strides = array<i32>} : memref<256xf32, #tpu.memory_space<vmem>>, vector<16xf32>,
    %add3A_136 = arith.constant 16 : i32
    %add3A_137 = vector.broadcast %add3A_136 : i32 to vector<16xi32>
    %add3A_138 = arith.addi %add3A_137, %iota3A : vector<16xi32>
    %mul3A_139 = arith.constant 16 : i32
    %mul3A_140 = vector.broadcast %mul3A_139 : i32 to vector<16xi32>
    %mul3A_141 = arith.muli %add3A_138, %mul3A_140 : vector<16xi32>
    %add3A_142 = arith.constant 0 : i32
    %add3A_143 = vector.broadcast %add3A_142 : i32 to vector<16xi32>
    %add3A_144 = arith.addi %mul3A_141, %add3A_143 : vector<16xi32>
    %gather3A_145 = tpu.vector_load_idx %arg7[%add3A_144] : memref<4096xf32, #tpu.memory_space<vmem>>[vector<16xi32>], vector<16xf32>,
    %add3A_146 = arith.addf %broadcast_in_dim3A_31, %gather3A_145 : vector<16xf32>
    %add3A_147 = arith.constant 1 : i32
    %add3A_148 = vector.broadcast %add3A_147 : i32 to vector<16xi32>
    %add3A_149 = arith.addi %mul3A_141, %add3A_148 : vector<16xi32>
    %gather3A_150 = tpu.vector_load_idx %arg7[%add3A_149] : memref<4096xf32, #tpu.memory_space<vmem>>[vector<16xi32>], vector<16xf32>,
    %add3A_151 = arith.addf %add3A_146, %gather3A_150 : vector<16xf32>
    %add3A_152 = arith.constant 2 : i32
    %add3A_153 = vector.broadcast %add3A_152 : i32 to vector<16xi32>
    %add3A_154 = arith.addi %mul3A_141, %add3A_153 : vector<16xi32>
    %gather3A_155 = tpu.vector_load_idx %arg7[%add3A_154] : memref<4096xf32, #tpu.memory_space<vmem>>[vector<16xi32>], vector<16xf32>,
    %add3A_156 = arith.addf %add3A_151, %gather3A_155 : vector<16xf32>
    %add3A_157 = arith.constant 3 : i32
    %add3A_158 = vector.broadcast %add3A_157 : i32 to vector<16xi32>
    %add3A_159 = arith.addi %mul3A_141, %add3A_158 : vector<16xi32>
    %gather3A_160 = tpu.vector_load_idx %arg7[%add3A_159] : memref<4096xf32, #tpu.memory_space<vmem>>[vector<16xi32>], vector<16xf32>,
    %add3A_161 = arith.addf %add3A_156, %gather3A_160 : vector<16xf32>
    %add3A_162 = arith.constant 4 : i32
    %add3A_163 = vector.broadcast %add3A_162 : i32 to vector<16xi32>
    %add3A_164 = arith.addi %mul3A_141, %add3A_163 : vector<16xi32>
    %gather3A_165 = tpu.vector_load_idx %arg7[%add3A_164] : memref<4096xf32, #tpu.memory_space<vmem>>[vector<16xi32>], vector<16xf32>,
    %add3A_166 = arith.addf %add3A_161, %gather3A_165 : vector<16xf32>
    %add3A_167 = arith.constant 5 : i32
    %add3A_168 = vector.broadcast %add3A_167 : i32 to vector<16xi32>
    %add3A_169 = arith.addi %mul3A_141, %add3A_168 : vector<16xi32>
    %gather3A_170 = tpu.vector_load_idx %arg7[%add3A_169] : memref<4096xf32, #tpu.memory_space<vmem>>[vector<16xi32>], vector<16xf32>,
    %add3A_171 = arith.addf %add3A_166, %gather3A_170 : vector<16xf32>
    %add3A_172 = arith.constant 6 : i32
    %add3A_173 = vector.broadcast %add3A_172 : i32 to vector<16xi32>
    %add3A_174 = arith.addi %mul3A_141, %add3A_173 : vector<16xi32>
    %gather3A_175 = tpu.vector_load_idx %arg7[%add3A_174] : memref<4096xf32, #tpu.memory_space<vmem>>[vector<16xi32>], vector<16xf32>,
    %add3A_176 = arith.addf %add3A_171, %gather3A_175 : vector<16xf32>
    %add3A_177 = arith.constant 7 : i32
    %add3A_178 = vector.broadcast %add3A_177 : i32 to vector<16xi32>
    %add3A_179 = arith.addi %mul3A_141, %add3A_178 : vector<16xi32>
    %gather3A_180 = tpu.vector_load_idx %arg7[%add3A_179] : memref<4096xf32, #tpu.memory_space<vmem>>[vector<16xi32>], vector<16xf32>,
    %add3A_181 = arith.addf %add3A_176, %gather3A_180 : vector<16xf32>
    %add3A_182 = arith.constant 8 : i32
    %add3A_183 = vector.broadcast %add3A_182 : i32 to vector<16xi32>
    %add3A_184 = arith.addi %mul3A_141, %add3A_183 : vector<16xi32>
    %gather3A_185 = tpu.vector_load_idx %arg7[%add3A_184] : memref<4096xf32, #tpu.memory_space<vmem>>[vector<16xi32>], vector<16xf32>,
    %add3A_186 = arith.addf %add3A_181, %gather3A_185 : vector<16xf32>
    %add3A_187 = arith.constant 9 : i32
    %add3A_188 = vector.broadcast %add3A_187 : i32 to vector<16xi32>
    %add3A_189 = arith.addi %mul3A_141, %add3A_188 : vector<16xi32>
    %gather3A_190 = tpu.vector_load_idx %arg7[%add3A_189] : memref<4096xf32, #tpu.memory_space<vmem>>[vector<16xi32>], vector<16xf32>,
    %add3A_191 = arith.addf %add3A_186, %gather3A_190 : vector<16xf32>
    %add3A_192 = arith.constant 10 : i32
    %add3A_193 = vector.broadcast %add3A_192 : i32 to vector<16xi32>
    %add3A_194 = arith.addi %mul3A_141, %add3A_193 : vector<16xi32>
    %gather3A_195 = tpu.vector_load_idx %arg7[%add3A_194] : memref<4096xf32, #tpu.memory_space<vmem>>[vector<16xi32>], vector<16xf32>,
    %add3A_196 = arith.addf %add3A_191, %gather3A_195 : vector<16xf32>
    %add3A_197 = arith.constant 11 : i32
    %add3A_198 = vector.broadcast %add3A_197 : i32 to vector<16xi32>
    %add3A_199 = arith.addi %mul3A_141, %add3A_198 : vector<16xi32>
    %gather3A_200 = tpu.vector_load_idx %arg7[%add3A_199] : memref<4096xf32, #tpu.memory_space<vmem>>[vector<16xi32>], vector<16xf32>,
    %add3A_201 = arith.addf %add3A_196, %gather3A_200 : vector<16xf32>
    %add3A_202 = arith.constant 12 : i32
    %add3A_203 = vector.broadcast %add3A_202 : i32 to vector<16xi32>
    %add3A_204 = arith.addi %mul3A_141, %add3A_203 : vector<16xi32>
    %gather3A_205 = tpu.vector_load_idx %arg7[%add3A_204] : memref<4096xf32, #tpu.memory_space<vmem>>[vector<16xi32>], vector<16xf32>,
    %add3A_206 = arith.addf %add3A_201, %gather3A_205 : vector<16xf32>
    %add3A_207 = arith.constant 13 : i32
    %add3A_208 = vector.broadcast %add3A_207 : i32 to vector<16xi32>
    %add3A_209 = arith.addi %mul3A_141, %add3A_208 : vector<16xi32>
    %gather3A_210 = tpu.vector_load_idx %arg7[%add3A_209] : memref<4096xf32, #tpu.memory_space<vmem>>[vector<16xi32>], vector<16xf32>,
    %add3A_211 = arith.addf %add3A_206, %gather3A_210 : vector<16xf32>
    %add3A_212 = arith.constant 14 : i32
    %add3A_213 = vector.broadcast %add3A_212 : i32 to vector<16xi32>
    %add3A_214 = arith.addi %mul3A_141, %add3A_213 : vector<16xi32>
    %gather3A_215 = tpu.vector_load_idx %arg7[%add3A_214] : memref<4096xf32, #tpu.memory_space<vmem>>[vector<16xi32>], vector<16xf32>,
    %add3A_216 = arith.addf %add3A_211, %gather3A_215 : vector<16xf32>
    %add3A_217 = arith.constant 15 : i32
    %add3A_218 = vector.broadcast %add3A_217 : i32 to vector<16xi32>
    %add3A_219 = arith.addi %mul3A_141, %add3A_218 : vector<16xi32>
    %gather3A_220 = tpu.vector_load_idx %arg7[%add3A_219] : memref<4096xf32, #tpu.memory_space<vmem>>[vector<16xi32>], vector<16xf32>,
    %add3A_221 = arith.addf %add3A_216, %gather3A_220 : vector<16xf32>
    %swap3A_222 = arith.constant 16 : index
    %swap3A_223 = tpu.vector_load %arg8[%swap3A_222] {strides = array<i32>} : memref<256xf32, #tpu.memory_space<vmem>>, vector<16xf32>,
    tpu.vector_store %arg8[%swap3A_222], %add3A_221 {strides = array<i32>} : memref<256xf32, #tpu.memory_space<vmem>>, vector<16xf32>,
    %add3A_224 = arith.constant 32 : i32
    %add3A_225 = vector.broadcast %add3A_224 : i32 to vector<16xi32>
    %add3A_226 = arith.addi %add3A_225, %iota3A : vector<16xi32>
    %mul3A_227 = arith.constant 16 : i32
    %mul3A_228 = vector.broadcast %mul3A_227 : i32 to vector<16xi32>
    %mul3A_229 = arith.muli %add3A_226, %mul3A_228 : vector<16xi32>
    %add3A_230 = arith.constant 0 : i32
    %add3A_231 = vector.broadcast %add3A_230 : i32 to vector<16xi32>
    %add3A_232 = arith.addi %mul3A_229, %add3A_231 : vector<16xi32>
    %gather3A_233 = tpu.vector_load_idx %arg7[%add3A_232] : memref<4096xf32, #tpu.memory_space<vmem>>[vector<16xi32>], vector<16xf32>,
    %add3A_234 = arith.addf %broadcast_in_dim3A_31, %gather3A_233 : vector<16xf32>
    %add3A_235 = arith.constant 1 : i32
    %add3A_236 = vector.broadcast %add3A_235 : i32 to vector<16xi32>
    %add3A_237 = arith.addi %mul3A_229, %add3A_236 : vector<16xi32>
    %gather3A_238 = tpu.vector_load_idx %arg7[%add3A_237] : memref<4096xf32, #tpu.memory_space<vmem>>[vector<16xi32>], vector<16xf32>,
    %add3A_239 = arith.addf %add3A_234, %gather3A_238 : vector<16xf32>
    %add3A_240 = arith.constant 2 : i32
    %add3A_241 = vector.broadcast %add3A_240 : i32 to vector<16xi32>
    %add3A_242 = arith.addi %mul3A_229, %add3A_241 : vector<16xi32>
    %gather3A_243 = tpu.vector_load_idx %arg7[%add3A_242] : memref<4096xf32, #tpu.memory_space<vmem>>[vector<16xi32>], vector<16xf32>,
    %add3A_244 = arith.addf %add3A_239, %gather3A_243 : vector<16xf32>
    %add3A_245 = arith.constant 3 : i32
    %add3A_246 = vector.broadcast %add3A_245 : i32 to vector<16xi32>
    %add3A_247 = arith.addi %mul3A_229, %add3A_246 : vector<16xi32>
    %gather3A_248 = tpu.vector_load_idx %arg7[%add3A_247] : memref<4096xf32, #tpu.memory_space<vmem>>[vector<16xi32>], vector<16xf32>,
    %add3A_249 = arith.addf %add3A_244, %gather3A_248 : vector<16xf32>
    %add3A_250 = arith.constant 4 : i32
    %add3A_251 = vector.broadcast %add3A_250 : i32 to vector<16xi32>
    %add3A_252 = arith.addi %mul3A_229, %add3A_251 : vector<16xi32>
    %gather3A_253 = tpu.vector_load_idx %arg7[%add3A_252] : memref<4096xf32, #tpu.memory_space<vmem>>[vector<16xi32>], vector<16xf32>,
    %add3A_254 = arith.addf %add3A_249, %gather3A_253 : vector<16xf32>
    %add3A_255 = arith.constant 5 : i32
    %add3A_256 = vector.broadcast %add3A_255 : i32 to vector<16xi32>
    %add3A_257 = arith.addi %mul3A_229, %add3A_256 : vector<16xi32>
    %gather3A_258 = tpu.vector_load_idx %arg7[%add3A_257] : memref<4096xf32, #tpu.memory_space<vmem>>[vector<16xi32>], vector<16xf32>,
    %add3A_259 = arith.addf %add3A_254, %gather3A_258 : vector<16xf32>
    %add3A_260 = arith.constant 6 : i32
    %add3A_261 = vector.broadcast %add3A_260 : i32 to vector<16xi32>
    %add3A_262 = arith.addi %mul3A_229, %add3A_261 : vector<16xi32>
    %gather3A_263 = tpu.vector_load_idx %arg7[%add3A_262] : memref<4096xf32, #tpu.memory_space<vmem>>[vector<16xi32>], vector<16xf32>,
    %add3A_264 = arith.addf %add3A_259, %gather3A_263 : vector<16xf32>
    %add3A_265 = arith.constant 7 : i32
    %add3A_266 = vector.broadcast %add3A_265 : i32 to vector<16xi32>
    %add3A_267 = arith.addi %mul3A_229, %add3A_266 : vector<16xi32>
    %gather3A_268 = tpu.vector_load_idx %arg7[%add3A_267] : memref<4096xf32, #tpu.memory_space<vmem>>[vector<16xi32>], vector<16xf32>,
    %add3A_269 = arith.addf %add3A_264, %gather3A_268 : vector<16xf32>
    %add3A_270 = arith.constant 8 : i32
    %add3A_271 = vector.broadcast %add3A_270 : i32 to vector<16xi32>
    %add3A_272 = arith.addi %mul3A_229, %add3A_271 : vector<16xi32>
    %gather3A_273 = tpu.vector_load_idx %arg7[%add3A_272] : memref<4096xf32, #tpu.memory_space<vmem>>[vector<16xi32>], vector<16xf32>,
    %add3A_274 = arith.addf %add3A_269, %gather3A_273 : vector<16xf32>
    %add3A_275 = arith.constant 9 : i32
    %add3A_276 = vector.broadcast %add3A_275 : i32 to vector<16xi32>
    %add3A_277 = arith.addi %mul3A_229, %add3A_276 : vector<16xi32>
    %gather3A_278 = tpu.vector_load_idx %arg7[%add3A_277] : memref<4096xf32, #tpu.memory_space<vmem>>[vector<16xi32>], vector<16xf32>,
    %add3A_279 = arith.addf %add3A_274, %gather3A_278 : vector<16xf32>
    %add3A_280 = arith.constant 10 : i32
    %add3A_281 = vector.broadcast %add3A_280 : i32 to vector<16xi32>
    %add3A_282 = arith.addi %mul3A_229, %add3A_281 : vector<16xi32>
    %gather3A_283 = tpu.vector_load_idx %arg7[%add3A_282] : memref<4096xf32, #tpu.memory_space<vmem>>[vector<16xi32>], vector<16xf32>,
    %add3A_284 = arith.addf %add3A_279, %gather3A_283 : vector<16xf32>
    %add3A_285 = arith.constant 11 : i32
    %add3A_286 = vector.broadcast %add3A_285 : i32 to vector<16xi32>
    %add3A_287 = arith.addi %mul3A_229, %add3A_286 : vector<16xi32>
    %gather3A_288 = tpu.vector_load_idx %arg7[%add3A_287] : memref<4096xf32, #tpu.memory_space<vmem>>[vector<16xi32>], vector<16xf32>,
    %add3A_289 = arith.addf %add3A_284, %gather3A_288 : vector<16xf32>
    %add3A_290 = arith.constant 12 : i32
    %add3A_291 = vector.broadcast %add3A_290 : i32 to vector<16xi32>
    %add3A_292 = arith.addi %mul3A_229, %add3A_291 : vector<16xi32>
    %gather3A_293 = tpu.vector_load_idx %arg7[%add3A_292] : memref<4096xf32, #tpu.memory_space<vmem>>[vector<16xi32>], vector<16xf32>,
    %add3A_294 = arith.addf %add3A_289, %gather3A_293 : vector<16xf32>
    %add3A_295 = arith.constant 13 : i32
    %add3A_296 = vector.broadcast %add3A_295 : i32 to vector<16xi32>
    %add3A_297 = arith.addi %mul3A_229, %add3A_296 : vector<16xi32>
    %gather3A_298 = tpu.vector_load_idx %arg7[%add3A_297] : memref<4096xf32, #tpu.memory_space<vmem>>[vector<16xi32>], vector<16xf32>,
    %add3A_299 = arith.addf %add3A_294, %gather3A_298 : vector<16xf32>
    %add3A_300 = arith.constant 14 : i32
    %add3A_301 = vector.broadcast %add3A_300 : i32 to vector<16xi32>
    %add3A_302 = arith.addi %mul3A_229, %add3A_301 : vector<16xi32>
    %gather3A_303 = tpu.vector_load_idx %arg7[%add3A_302] : memref<4096xf32, #tpu.memory_space<vmem>>[vector<16xi32>], vector<16xf32>,
    %add3A_304 = arith.addf %add3A_299, %gather3A_303 : vector<16xf32>
    %add3A_305 = arith.constant 15 : i32
    %add3A_306 = vector.broadcast %add3A_305 : i32 to vector<16xi32>
    %add3A_307 = arith.addi %mul3A_229, %add3A_306 : vector<16xi32>
    %gather3A_308 = tpu.vector_load_idx %arg7[%add3A_307] : memref<4096xf32, #tpu.memory_space<vmem>>[vector<16xi32>], vector<16xf32>,
    %add3A_309 = arith.addf %add3A_304, %gather3A_308 : vector<16xf32>
    %swap3A_310 = arith.constant 32 : index
    %swap3A_311 = tpu.vector_load %arg8[%swap3A_310] {strides = array<i32>} : memref<256xf32, #tpu.memory_space<vmem>>, vector<16xf32>,
    tpu.vector_store %arg8[%swap3A_310], %add3A_309 {strides = array<i32>} : memref<256xf32, #tpu.memory_space<vmem>>, vector<16xf32>,
    %add3A_312 = arith.constant 48 : i32
    %add3A_313 = vector.broadcast %add3A_312 : i32 to vector<16xi32>
    %add3A_314 = arith.addi %add3A_313, %iota3A : vector<16xi32>
    %mul3A_315 = arith.constant 16 : i32
    %mul3A_316 = vector.broadcast %mul3A_315 : i32 to vector<16xi32>
    %mul3A_317 = arith.muli %add3A_314, %mul3A_316 : vector<16xi32>
    %add3A_318 = arith.constant 0 : i32
    %add3A_319 = vector.broadcast %add3A_318 : i32 to vector<16xi32>
    %add3A_320 = arith.addi %mul3A_317, %add3A_319 : vector<16xi32>
    %gather3A_321 = tpu.vector_load_idx %arg7[%add3A_320] : memref<4096xf32, #tpu.memory_space<vmem>>[vector<16xi32>], vector<16xf32>,
    %add3A_322 = arith.addf %broadcast_in_dim3A_31, %gather3A_321 : vector<16xf32>
    %add3A_323 = arith.constant 1 : i32
    %add3A_324 = vector.broadcast %add3A_323 : i32 to vector<16xi32>
    %add3A_325 = arith.addi %mul3A_317, %add3A_324 : vector<16xi32>
    %gather3A_326 = tpu.vector_load_idx %arg7[%add3A_325] : memref<4096xf32, #tpu.memory_space<vmem>>[vector<16xi32>], vector<16xf32>,
    %add3A_327 = arith.addf %add3A_322, %gather3A_326 : vector<16xf32>
    %add3A_328 = arith.constant 2 : i32
    %add3A_329 = vector.broadcast %add3A_328 : i32 to vector<16xi32>
    %add3A_330 = arith.addi %mul3A_317, %add3A_329 : vector<16xi32>
    %gather3A_331 = tpu.vector_load_idx %arg7[%add3A_330] : memref<4096xf32, #tpu.memory_space<vmem>>[vector<16xi32>], vector<16xf32>,
    %add3A_332 = arith.addf %add3A_327, %gather3A_331 : vector<16xf32>
    %add3A_333 = arith.constant 3 : i32
    %add3A_334 = vector.broadcast %add3A_333 : i32 to vector<16xi32>
    %add3A_335 = arith.addi %mul3A_317, %add3A_334 : vector<16xi32>
    %gather3A_336 = tpu.vector_load_idx %arg7[%add3A_335] : memref<4096xf32, #tpu.memory_space<vmem>>[vector<16xi32>], vector<16xf32>,
    %add3A_337 = arith.addf %add3A_332, %gather3A_336 : vector<16xf32>
    %add3A_338 = arith.constant 4 : i32
    %add3A_339 = vector.broadcast %add3A_338 : i32 to vector<16xi32>
    %add3A_340 = arith.addi %mul3A_317, %add3A_339 : vector<16xi32>
    %gather3A_341 = tpu.vector_load_idx %arg7[%add3A_340] : memref<4096xf32, #tpu.memory_space<vmem>>[vector<16xi32>], vector<16xf32>,
    %add3A_342 = arith.addf %add3A_337, %gather3A_341 : vector<16xf32>
    %add3A_343 = arith.constant 5 : i32
    %add3A_344 = vector.broadcast %add3A_343 : i32 to vector<16xi32>
    %add3A_345 = arith.addi %mul3A_317, %add3A_344 : vector<16xi32>
    %gather3A_346 = tpu.vector_load_idx %arg7[%add3A_345] : memref<4096xf32, #tpu.memory_space<vmem>>[vector<16xi32>], vector<16xf32>,
    %add3A_347 = arith.addf %add3A_342, %gather3A_346 : vector<16xf32>
    %add3A_348 = arith.constant 6 : i32
    %add3A_349 = vector.broadcast %add3A_348 : i32 to vector<16xi32>
    %add3A_350 = arith.addi %mul3A_317, %add3A_349 : vector<16xi32>
    %gather3A_351 = tpu.vector_load_idx %arg7[%add3A_350] : memref<4096xf32, #tpu.memory_space<vmem>>[vector<16xi32>], vector<16xf32>,
    %add3A_352 = arith.addf %add3A_347, %gather3A_351 : vector<16xf32>
    %add3A_353 = arith.constant 7 : i32
    %add3A_354 = vector.broadcast %add3A_353 : i32 to vector<16xi32>
    %add3A_355 = arith.addi %mul3A_317, %add3A_354 : vector<16xi32>
    %gather3A_356 = tpu.vector_load_idx %arg7[%add3A_355] : memref<4096xf32, #tpu.memory_space<vmem>>[vector<16xi32>], vector<16xf32>,
    %add3A_357 = arith.addf %add3A_352, %gather3A_356 : vector<16xf32>
    %add3A_358 = arith.constant 8 : i32
    %add3A_359 = vector.broadcast %add3A_358 : i32 to vector<16xi32>
    %add3A_360 = arith.addi %mul3A_317, %add3A_359 : vector<16xi32>
    %gather3A_361 = tpu.vector_load_idx %arg7[%add3A_360] : memref<4096xf32, #tpu.memory_space<vmem>>[vector<16xi32>], vector<16xf32>,
    %add3A_362 = arith.addf %add3A_357, %gather3A_361 : vector<16xf32>
    %add3A_363 = arith.constant 9 : i32
    %add3A_364 = vector.broadcast %add3A_363 : i32 to vector<16xi32>
    %add3A_365 = arith.addi %mul3A_317, %add3A_364 : vector<16xi32>
    %gather3A_366 = tpu.vector_load_idx %arg7[%add3A_365] : memref<4096xf32, #tpu.memory_space<vmem>>[vector<16xi32>], vector<16xf32>,
    %add3A_367 = arith.addf %add3A_362, %gather3A_366 : vector<16xf32>
    %add3A_368 = arith.constant 10 : i32
    %add3A_369 = vector.broadcast %add3A_368 : i32 to vector<16xi32>
    %add3A_370 = arith.addi %mul3A_317, %add3A_369 : vector<16xi32>
    %gather3A_371 = tpu.vector_load_idx %arg7[%add3A_370] : memref<4096xf32, #tpu.memory_space<vmem>>[vector<16xi32>], vector<16xf32>,
    %add3A_372 = arith.addf %add3A_367, %gather3A_371 : vector<16xf32>
    %add3A_373 = arith.constant 11 : i32
    %add3A_374 = vector.broadcast %add3A_373 : i32 to vector<16xi32>
    %add3A_375 = arith.addi %mul3A_317, %add3A_374 : vector<16xi32>
    %gather3A_376 = tpu.vector_load_idx %arg7[%add3A_375] : memref<4096xf32, #tpu.memory_space<vmem>>[vector<16xi32>], vector<16xf32>,
    %add3A_377 = arith.addf %add3A_372, %gather3A_376 : vector<16xf32>
    %add3A_378 = arith.constant 12 : i32
    %add3A_379 = vector.broadcast %add3A_378 : i32 to vector<16xi32>
    %add3A_380 = arith.addi %mul3A_317, %add3A_379 : vector<16xi32>
    %gather3A_381 = tpu.vector_load_idx %arg7[%add3A_380] : memref<4096xf32, #tpu.memory_space<vmem>>[vector<16xi32>], vector<16xf32>,
    %add3A_382 = arith.addf %add3A_377, %gather3A_381 : vector<16xf32>
    %add3A_383 = arith.constant 13 : i32
    %add3A_384 = vector.broadcast %add3A_383 : i32 to vector<16xi32>
    %add3A_385 = arith.addi %mul3A_317, %add3A_384 : vector<16xi32>
    %gather3A_386 = tpu.vector_load_idx %arg7[%add3A_385] : memref<4096xf32, #tpu.memory_space<vmem>>[vector<16xi32>], vector<16xf32>,
    %add3A_387 = arith.addf %add3A_382, %gather3A_386 : vector<16xf32>
    %add3A_388 = arith.constant 14 : i32
    %add3A_389 = vector.broadcast %add3A_388 : i32 to vector<16xi32>
    %add3A_390 = arith.addi %mul3A_317, %add3A_389 : vector<16xi32>
    %gather3A_391 = tpu.vector_load_idx %arg7[%add3A_390] : memref<4096xf32, #tpu.memory_space<vmem>>[vector<16xi32>], vector<16xf32>,
    %add3A_392 = arith.addf %add3A_387, %gather3A_391 : vector<16xf32>
    %add3A_393 = arith.constant 15 : i32
    %add3A_394 = vector.broadcast %add3A_393 : i32 to vector<16xi32>
    %add3A_395 = arith.addi %mul3A_317, %add3A_394 : vector<16xi32>
    %gather3A_396 = tpu.vector_load_idx %arg7[%add3A_395] : memref<4096xf32, #tpu.memory_space<vmem>>[vector<16xi32>], vector<16xf32>,
    %add3A_397 = arith.addf %add3A_392, %gather3A_396 : vector<16xf32>
    %swap3A_398 = arith.constant 48 : index
    %swap3A_399 = tpu.vector_load %arg8[%swap3A_398] {strides = array<i32>} : memref<256xf32, #tpu.memory_space<vmem>>, vector<16xf32>,
    tpu.vector_store %arg8[%swap3A_398], %add3A_397 {strides = array<i32>} : memref<256xf32, #tpu.memory_space<vmem>>, vector<16xf32>,
    %add3A_400 = arith.constant 64 : i32
    %add3A_401 = vector.broadcast %add3A_400 : i32 to vector<16xi32>
    %add3A_402 = arith.addi %add3A_401, %iota3A : vector<16xi32>
    %mul3A_403 = arith.constant 16 : i32
    %mul3A_404 = vector.broadcast %mul3A_403 : i32 to vector<16xi32>
    %mul3A_405 = arith.muli %add3A_402, %mul3A_404 : vector<16xi32>
    %add3A_406 = arith.constant 0 : i32
    %add3A_407 = vector.broadcast %add3A_406 : i32 to vector<16xi32>
    %add3A_408 = arith.addi %mul3A_405, %add3A_407 : vector<16xi32>
    %gather3A_409 = tpu.vector_load_idx %arg7[%add3A_408] : memref<4096xf32, #tpu.memory_space<vmem>>[vector<16xi32>], vector<16xf32>,
    %add3A_410 = arith.addf %broadcast_in_dim3A_31, %gather3A_409 : vector<16xf32>
    %add3A_411 = arith.constant 1 : i32
    %add3A_412 = vector.broadcast %add3A_411 : i32 to vector<16xi32>
    %add3A_413 = arith.addi %mul3A_405, %add3A_412 : vector<16xi32>
    %gather3A_414 = tpu.vector_load_idx %arg7[%add3A_413] : memref<4096xf32, #tpu.memory_space<vmem>>[vector<16xi32>], vector<16xf32>,
    %add3A_415 = arith.addf %add3A_410, %gather3A_414 : vector<16xf32>
    %add3A_416 = arith.constant 2 : i32
    %add3A_417 = vector.broadcast %add3A_416 : i32 to vector<16xi32>
    %add3A_418 = arith.addi %mul3A_405, %add3A_417 : vector<16xi32>
    %gather3A_419 = tpu.vector_load_idx %arg7[%add3A_418] : memref<4096xf32, #tpu.memory_space<vmem>>[vector<16xi32>], vector<16xf32>,
    %add3A_420 = arith.addf %add3A_415, %gather3A_419 : vector<16xf32>
    %add3A_421 = arith.constant 3 : i32
    %add3A_422 = vector.broadcast %add3A_421 : i32 to vector<16xi32>
    %add3A_423 = arith.addi %mul3A_405, %add3A_422 : vector<16xi32>
    %gather3A_424 = tpu.vector_load_idx %arg7[%add3A_423] : memref<4096xf32, #tpu.memory_space<vmem>>[vector<16xi32>], vector<16xf32>,
    %add3A_425 = arith.addf %add3A_420, %gather3A_424 : vector<16xf32>
    %add3A_426 = arith.constant 4 : i32
    %add3A_427 = vector.broadcast %add3A_426 : i32 to vector<16xi32>
    %add3A_428 = arith.addi %mul3A_405, %add3A_427 : vector<16xi32>
    %gather3A_429 = tpu.vector_load_idx %arg7[%add3A_428] : memref<4096xf32, #tpu.memory_space<vmem>>[vector<16xi32>], vector<16xf32>,
    %add3A_430 = arith.addf %add3A_425, %gather3A_429 : vector<16xf32>
    %add3A_431 = arith.constant 5 : i32
    %add3A_432 = vector.broadcast %add3A_431 : i32 to vector<16xi32>
    %add3A_433 = arith.addi %mul3A_405, %add3A_432 : vector<16xi32>
    %gather3A_434 = tpu.vector_load_idx %arg7[%add3A_433] : memref<4096xf32, #tpu.memory_space<vmem>>[vector<16xi32>], vector<16xf32>,
    %add3A_435 = arith.addf %add3A_430, %gather3A_434 : vector<16xf32>
    %add3A_436 = arith.constant 6 : i32
    %add3A_437 = vector.broadcast %add3A_436 : i32 to vector<16xi32>
    %add3A_438 = arith.addi %mul3A_405, %add3A_437 : vector<16xi32>
    %gather3A_439 = tpu.vector_load_idx %arg7[%add3A_438] : memref<4096xf32, #tpu.memory_space<vmem>>[vector<16xi32>], vector<16xf32>,
    %add3A_440 = arith.addf %add3A_435, %gather3A_439 : vector<16xf32>
    %add3A_441 = arith.constant 7 : i32
    %add3A_442 = vector.broadcast %add3A_441 : i32 to vector<16xi32>
    %add3A_443 = arith.addi %mul3A_405, %add3A_442 : vector<16xi32>
    %gather3A_444 = tpu.vector_load_idx %arg7[%add3A_443] : memref<4096xf32, #tpu.memory_space<vmem>>[vector<16xi32>], vector<16xf32>,
    %add3A_445 = arith.addf %add3A_440, %gather3A_444 : vector<16xf32>
    %add3A_446 = arith.constant 8 : i32
    %add3A_447 = vector.broadcast %add3A_446 : i32 to vector<16xi32>
    %add3A_448 = arith.addi %mul3A_405, %add3A_447 : vector<16xi32>
    %gather3A_449 = tpu.vector_load_idx %arg7[%add3A_448] : memref<4096xf32, #tpu.memory_space<vmem>>[vector<16xi32>], vector<16xf32>,
    %add3A_450 = arith.addf %add3A_445, %gather3A_449 : vector<16xf32>
    %add3A_451 = arith.constant 9 : i32
    %add3A_452 = vector.broadcast %add3A_451 : i32 to vector<16xi32>
    %add3A_453 = arith.addi %mul3A_405, %add3A_452 : vector<16xi32>
    %gather3A_454 = tpu.vector_load_idx %arg7[%add3A_453] : memref<4096xf32, #tpu.memory_space<vmem>>[vector<16xi32>], vector<16xf32>,
    %add3A_455 = arith.addf %add3A_450, %gather3A_454 : vector<16xf32>
    %add3A_456 = arith.constant 10 : i32
    %add3A_457 = vector.broadcast %add3A_456 : i32 to vector<16xi32>
    %add3A_458 = arith.addi %mul3A_405, %add3A_457 : vector<16xi32>
    %gather3A_459 = tpu.vector_load_idx %arg7[%add3A_458] : memref<4096xf32, #tpu.memory_space<vmem>>[vector<16xi32>], vector<16xf32>,
    %add3A_460 = arith.addf %add3A_455, %gather3A_459 : vector<16xf32>
    %add3A_461 = arith.constant 11 : i32
    %add3A_462 = vector.broadcast %add3A_461 : i32 to vector<16xi32>
    %add3A_463 = arith.addi %mul3A_405, %add3A_462 : vector<16xi32>
    %gather3A_464 = tpu.vector_load_idx %arg7[%add3A_463] : memref<4096xf32, #tpu.memory_space<vmem>>[vector<16xi32>], vector<16xf32>,
    %add3A_465 = arith.addf %add3A_460, %gather3A_464 : vector<16xf32>
    %add3A_466 = arith.constant 12 : i32
    %add3A_467 = vector.broadcast %add3A_466 : i32 to vector<16xi32>
    %add3A_468 = arith.addi %mul3A_405, %add3A_467 : vector<16xi32>
    %gather3A_469 = tpu.vector_load_idx %arg7[%add3A_468] : memref<4096xf32, #tpu.memory_space<vmem>>[vector<16xi32>], vector<16xf32>,
    %add3A_470 = arith.addf %add3A_465, %gather3A_469 : vector<16xf32>
    %add3A_471 = arith.constant 13 : i32
    %add3A_472 = vector.broadcast %add3A_471 : i32 to vector<16xi32>
    %add3A_473 = arith.addi %mul3A_405, %add3A_472 : vector<16xi32>
    %gather3A_474 = tpu.vector_load_idx %arg7[%add3A_473] : memref<4096xf32, #tpu.memory_space<vmem>>[vector<16xi32>], vector<16xf32>,
    %add3A_475 = arith.addf %add3A_470, %gather3A_474 : vector<16xf32>
    %add3A_476 = arith.constant 14 : i32
    %add3A_477 = vector.broadcast %add3A_476 : i32 to vector<16xi32>
    %add3A_478 = arith.addi %mul3A_405, %add3A_477 : vector<16xi32>
    %gather3A_479 = tpu.vector_load_idx %arg7[%add3A_478] : memref<4096xf32, #tpu.memory_space<vmem>>[vector<16xi32>], vector<16xf32>,
    %add3A_480 = arith.addf %add3A_475, %gather3A_479 : vector<16xf32>
    %add3A_481 = arith.constant 15 : i32
    %add3A_482 = vector.broadcast %add3A_481 : i32 to vector<16xi32>
    %add3A_483 = arith.addi %mul3A_405, %add3A_482 : vector<16xi32>
    %gather3A_484 = tpu.vector_load_idx %arg7[%add3A_483] : memref<4096xf32, #tpu.memory_space<vmem>>[vector<16xi32>], vector<16xf32>,
    %add3A_485 = arith.addf %add3A_480, %gather3A_484 : vector<16xf32>
    %swap3A_486 = arith.constant 64 : index
    %swap3A_487 = tpu.vector_load %arg8[%swap3A_486] {strides = array<i32>} : memref<256xf32, #tpu.memory_space<vmem>>, vector<16xf32>,
    tpu.vector_store %arg8[%swap3A_486], %add3A_485 {strides = array<i32>} : memref<256xf32, #tpu.memory_space<vmem>>, vector<16xf32>,
    %add3A_488 = arith.constant 80 : i32
    %add3A_489 = vector.broadcast %add3A_488 : i32 to vector<16xi32>
    %add3A_490 = arith.addi %add3A_489, %iota3A : vector<16xi32>
    %mul3A_491 = arith.constant 16 : i32
    %mul3A_492 = vector.broadcast %mul3A_491 : i32 to vector<16xi32>
    %mul3A_493 = arith.muli %add3A_490, %mul3A_492 : vector<16xi32>
    %add3A_494 = arith.constant 0 : i32
    %add3A_495 = vector.broadcast %add3A_494 : i32 to vector<16xi32>
    %add3A_496 = arith.addi %mul3A_493, %add3A_495 : vector<16xi32>
    %gather3A_497 = tpu.vector_load_idx %arg7[%add3A_496] : memref<4096xf32, #tpu.memory_space<vmem>>[vector<16xi32>], vector<16xf32>,
    %add3A_498 = arith.addf %broadcast_in_dim3A_31, %gather3A_497 : vector<16xf32>
    %add3A_499 = arith.constant 1 : i32
    %add3A_500 = vector.broadcast %add3A_499 : i32 to vector<16xi32>
    %add3A_501 = arith.addi %mul3A_493, %add3A_500 : vector<16xi32>
    %gather3A_502 = tpu.vector_load_idx %arg7[%add3A_501] : memref<4096xf32, #tpu.memory_space<vmem>>[vector<16xi32>], vector<16xf32>,
    %add3A_503 = arith.addf %add3A_498, %gather3A_502 : vector<16xf32>
    %add3A_504 = arith.constant 2 : i32
    %add3A_505 = vector.broadcast %add3A_504 : i32 to vector<16xi32>
    %add3A_506 = arith.addi %mul3A_493, %add3A_505 : vector<16xi32>
    %gather3A_507 = tpu.vector_load_idx %arg7[%add3A_506] : memref<4096xf32, #tpu.memory_space<vmem>>[vector<16xi32>], vector<16xf32>,
    %add3A_508 = arith.addf %add3A_503, %gather3A_507 : vector<16xf32>
    %add3A_509 = arith.constant 3 : i32
    %add3A_510 = vector.broadcast %add3A_509 : i32 to vector<16xi32>
    %add3A_511 = arith.addi %mul3A_493, %add3A_510 : vector<16xi32>
    %gather3A_512 = tpu.vector_load_idx %arg7[%add3A_511] : memref<4096xf32, #tpu.memory_space<vmem>>[vector<16xi32>], vector<16xf32>,
    %add3A_513 = arith.addf %add3A_508, %gather3A_512 : vector<16xf32>
    %add3A_514 = arith.constant 4 : i32
    %add3A_515 = vector.broadcast %add3A_514 : i32 to vector<16xi32>
    %add3A_516 = arith.addi %mul3A_493, %add3A_515 : vector<16xi32>
    %gather3A_517 = tpu.vector_load_idx %arg7[%add3A_516] : memref<4096xf32, #tpu.memory_space<vmem>>[vector<16xi32>], vector<16xf32>,
    %add3A_518 = arith.addf %add3A_513, %gather3A_517 : vector<16xf32>
    %add3A_519 = arith.constant 5 : i32
    %add3A_520 = vector.broadcast %add3A_519 : i32 to vector<16xi32>
    %add3A_521 = arith.addi %mul3A_493, %add3A_520 : vector<16xi32>
    %gather3A_522 = tpu.vector_load_idx %arg7[%add3A_521] : memref<4096xf32, #tpu.memory_space<vmem>>[vector<16xi32>], vector<16xf32>,
    %add3A_523 = arith.addf %add3A_518, %gather3A_522 : vector<16xf32>
    %add3A_524 = arith.constant 6 : i32
    %add3A_525 = vector.broadcast %add3A_524 : i32 to vector<16xi32>
    %add3A_526 = arith.addi %mul3A_493, %add3A_525 : vector<16xi32>
    %gather3A_527 = tpu.vector_load_idx %arg7[%add3A_526] : memref<4096xf32, #tpu.memory_space<vmem>>[vector<16xi32>], vector<16xf32>,
    %add3A_528 = arith.addf %add3A_523, %gather3A_527 : vector<16xf32>
    %add3A_529 = arith.constant 7 : i32
    %add3A_530 = vector.broadcast %add3A_529 : i32 to vector<16xi32>
    %add3A_531 = arith.addi %mul3A_493, %add3A_530 : vector<16xi32>
    %gather3A_532 = tpu.vector_load_idx %arg7[%add3A_531] : memref<4096xf32, #tpu.memory_space<vmem>>[vector<16xi32>], vector<16xf32>,
    %add3A_533 = arith.addf %add3A_528, %gather3A_532 : vector<16xf32>
    %add3A_534 = arith.constant 8 : i32
    %add3A_535 = vector.broadcast %add3A_534 : i32 to vector<16xi32>
    %add3A_536 = arith.addi %mul3A_493, %add3A_535 : vector<16xi32>
    %gather3A_537 = tpu.vector_load_idx %arg7[%add3A_536] : memref<4096xf32, #tpu.memory_space<vmem>>[vector<16xi32>], vector<16xf32>,
    %add3A_538 = arith.addf %add3A_533, %gather3A_537 : vector<16xf32>
    %add3A_539 = arith.constant 9 : i32
    %add3A_540 = vector.broadcast %add3A_539 : i32 to vector<16xi32>
    %add3A_541 = arith.addi %mul3A_493, %add3A_540 : vector<16xi32>
    %gather3A_542 = tpu.vector_load_idx %arg7[%add3A_541] : memref<4096xf32, #tpu.memory_space<vmem>>[vector<16xi32>], vector<16xf32>,
    %add3A_543 = arith.addf %add3A_538, %gather3A_542 : vector<16xf32>
    %add3A_544 = arith.constant 10 : i32
    %add3A_545 = vector.broadcast %add3A_544 : i32 to vector<16xi32>
    %add3A_546 = arith.addi %mul3A_493, %add3A_545 : vector<16xi32>
    %gather3A_547 = tpu.vector_load_idx %arg7[%add3A_546] : memref<4096xf32, #tpu.memory_space<vmem>>[vector<16xi32>], vector<16xf32>,
    %add3A_548 = arith.addf %add3A_543, %gather3A_547 : vector<16xf32>
    %add3A_549 = arith.constant 11 : i32
    %add3A_550 = vector.broadcast %add3A_549 : i32 to vector<16xi32>
    %add3A_551 = arith.addi %mul3A_493, %add3A_550 : vector<16xi32>
    %gather3A_552 = tpu.vector_load_idx %arg7[%add3A_551] : memref<4096xf32, #tpu.memory_space<vmem>>[vector<16xi32>], vector<16xf32>,
    %add3A_553 = arith.addf %add3A_548, %gather3A_552 : vector<16xf32>
    %add3A_554 = arith.constant 12 : i32
    %add3A_555 = vector.broadcast %add3A_554 : i32 to vector<16xi32>
    %add3A_556 = arith.addi %mul3A_493, %add3A_555 : vector<16xi32>
    %gather3A_557 = tpu.vector_load_idx %arg7[%add3A_556] : memref<4096xf32, #tpu.memory_space<vmem>>[vector<16xi32>], vector<16xf32>,
    %add3A_558 = arith.addf %add3A_553, %gather3A_557 : vector<16xf32>
    %add3A_559 = arith.constant 13 : i32
    %add3A_560 = vector.broadcast %add3A_559 : i32 to vector<16xi32>
    %add3A_561 = arith.addi %mul3A_493, %add3A_560 : vector<16xi32>
    %gather3A_562 = tpu.vector_load_idx %arg7[%add3A_561] : memref<4096xf32, #tpu.memory_space<vmem>>[vector<16xi32>], vector<16xf32>,
    %add3A_563 = arith.addf %add3A_558, %gather3A_562 : vector<16xf32>
    %add3A_564 = arith.constant 14 : i32
    %add3A_565 = vector.broadcast %add3A_564 : i32 to vector<16xi32>
    %add3A_566 = arith.addi %mul3A_493, %add3A_565 : vector<16xi32>
    %gather3A_567 = tpu.vector_load_idx %arg7[%add3A_566] : memref<4096xf32, #tpu.memory_space<vmem>>[vector<16xi32>], vector<16xf32>,
    %add3A_568 = arith.addf %add3A_563, %gather3A_567 : vector<16xf32>
    %add3A_569 = arith.constant 15 : i32
    %add3A_570 = vector.broadcast %add3A_569 : i32 to vector<16xi32>
    %add3A_571 = arith.addi %mul3A_493, %add3A_570 : vector<16xi32>
    %gather3A_572 = tpu.vector_load_idx %arg7[%add3A_571] : memref<4096xf32, #tpu.memory_space<vmem>>[vector<16xi32>], vector<16xf32>,
    %add3A_573 = arith.addf %add3A_568, %gather3A_572 : vector<16xf32>
    %swap3A_574 = arith.constant 80 : index
    %swap3A_575 = tpu.vector_load %arg8[%swap3A_574] {strides = array<i32>} : memref<256xf32, #tpu.memory_space<vmem>>, vector<16xf32>,
    tpu.vector_store %arg8[%swap3A_574], %add3A_573 {strides = array<i32>} : memref<256xf32, #tpu.memory_space<vmem>>, vector<16xf32>,
    %add3A_576 = arith.constant 96 : i32
    %add3A_577 = vector.broadcast %add3A_576 : i32 to vector<16xi32>
    %add3A_578 = arith.addi %add3A_577, %iota3A : vector<16xi32>
    %mul3A_579 = arith.constant 16 : i32
    %mul3A_580 = vector.broadcast %mul3A_579 : i32 to vector<16xi32>
    %mul3A_581 = arith.muli %add3A_578, %mul3A_580 : vector<16xi32>
    %add3A_582 = arith.constant 0 : i32
    %add3A_583 = vector.broadcast %add3A_582 : i32 to vector<16xi32>
    %add3A_584 = arith.addi %mul3A_581, %add3A_583 : vector<16xi32>
    %gather3A_585 = tpu.vector_load_idx %arg7[%add3A_584] : memref<4096xf32, #tpu.memory_space<vmem>>[vector<16xi32>], vector<16xf32>,
    %add3A_586 = arith.addf %broadcast_in_dim3A_31, %gather3A_585 : vector<16xf32>
    %add3A_587 = arith.constant 1 : i32
    %add3A_588 = vector.broadcast %add3A_587 : i32 to vector<16xi32>
    %add3A_589 = arith.addi %mul3A_581, %add3A_588 : vector<16xi32>
    %gather3A_590 = tpu.vector_load_idx %arg7[%add3A_589] : memref<4096xf32, #tpu.memory_space<vmem>>[vector<16xi32>], vector<16xf32>,
    %add3A_591 = arith.addf %add3A_586, %gather3A_590 : vector<16xf32>
    %add3A_592 = arith.constant 2 : i32
    %add3A_593 = vector.broadcast %add3A_592 : i32 to vector<16xi32>
    %add3A_594 = arith.addi %mul3A_581, %add3A_593 : vector<16xi32>
    %gather3A_595 = tpu.vector_load_idx %arg7[%add3A_594] : memref<4096xf32, #tpu.memory_space<vmem>>[vector<16xi32>], vector<16xf32>,
    %add3A_596 = arith.addf %add3A_591, %gather3A_595 : vector<16xf32>
    %add3A_597 = arith.constant 3 : i32
    %add3A_598 = vector.broadcast %add3A_597 : i32 to vector<16xi32>
    %add3A_599 = arith.addi %mul3A_581, %add3A_598 : vector<16xi32>
    %gather3A_600 = tpu.vector_load_idx %arg7[%add3A_599] : memref<4096xf32, #tpu.memory_space<vmem>>[vector<16xi32>], vector<16xf32>,
    %add3A_601 = arith.addf %add3A_596, %gather3A_600 : vector<16xf32>
    %add3A_602 = arith.constant 4 : i32
    %add3A_603 = vector.broadcast %add3A_602 : i32 to vector<16xi32>
    %add3A_604 = arith.addi %mul3A_581, %add3A_603 : vector<16xi32>
    %gather3A_605 = tpu.vector_load_idx %arg7[%add3A_604] : memref<4096xf32, #tpu.memory_space<vmem>>[vector<16xi32>], vector<16xf32>,
    %add3A_606 = arith.addf %add3A_601, %gather3A_605 : vector<16xf32>
    %add3A_607 = arith.constant 5 : i32
    %add3A_608 = vector.broadcast %add3A_607 : i32 to vector<16xi32>
    %add3A_609 = arith.addi %mul3A_581, %add3A_608 : vector<16xi32>
    %gather3A_610 = tpu.vector_load_idx %arg7[%add3A_609] : memref<4096xf32, #tpu.memory_space<vmem>>[vector<16xi32>], vector<16xf32>,
    %add3A_611 = arith.addf %add3A_606, %gather3A_610 : vector<16xf32>
    %add3A_612 = arith.constant 6 : i32
    %add3A_613 = vector.broadcast %add3A_612 : i32 to vector<16xi32>
    %add3A_614 = arith.addi %mul3A_581, %add3A_613 : vector<16xi32>
    %gather3A_615 = tpu.vector_load_idx %arg7[%add3A_614] : memref<4096xf32, #tpu.memory_space<vmem>>[vector<16xi32>], vector<16xf32>,
    %add3A_616 = arith.addf %add3A_611, %gather3A_615 : vector<16xf32>
    %add3A_617 = arith.constant 7 : i32
    %add3A_618 = vector.broadcast %add3A_617 : i32 to vector<16xi32>
    %add3A_619 = arith.addi %mul3A_581, %add3A_618 : vector<16xi32>
    %gather3A_620 = tpu.vector_load_idx %arg7[%add3A_619] : memref<4096xf32, #tpu.memory_space<vmem>>[vector<16xi32>], vector<16xf32>,
    %add3A_621 = arith.addf %add3A_616, %gather3A_620 : vector<16xf32>
    %add3A_622 = arith.constant 8 : i32
    %add3A_623 = vector.broadcast %add3A_622 : i32 to vector<16xi32>
    %add3A_624 = arith.addi %mul3A_581, %add3A_623 : vector<16xi32>
    %gather3A_625 = tpu.vector_load_idx %arg7[%add3A_624] : memref<4096xf32, #tpu.memory_space<vmem>>[vector<16xi32>], vector<16xf32>,
    %add3A_626 = arith.addf %add3A_621, %gather3A_625 : vector<16xf32>
    %add3A_627 = arith.constant 9 : i32
    %add3A_628 = vector.broadcast %add3A_627 : i32 to vector<16xi32>
    %add3A_629 = arith.addi %mul3A_581, %add3A_628 : vector<16xi32>
    %gather3A_630 = tpu.vector_load_idx %arg7[%add3A_629] : memref<4096xf32, #tpu.memory_space<vmem>>[vector<16xi32>], vector<16xf32>,
    %add3A_631 = arith.addf %add3A_626, %gather3A_630 : vector<16xf32>
    %add3A_632 = arith.constant 10 : i32
    %add3A_633 = vector.broadcast %add3A_632 : i32 to vector<16xi32>
    %add3A_634 = arith.addi %mul3A_581, %add3A_633 : vector<16xi32>
    %gather3A_635 = tpu.vector_load_idx %arg7[%add3A_634] : memref<4096xf32, #tpu.memory_space<vmem>>[vector<16xi32>], vector<16xf32>,
    %add3A_636 = arith.addf %add3A_631, %gather3A_635 : vector<16xf32>
    %add3A_637 = arith.constant 11 : i32
    %add3A_638 = vector.broadcast %add3A_637 : i32 to vector<16xi32>
    %add3A_639 = arith.addi %mul3A_581, %add3A_638 : vector<16xi32>
    %gather3A_640 = tpu.vector_load_idx %arg7[%add3A_639] : memref<4096xf32, #tpu.memory_space<vmem>>[vector<16xi32>], vector<16xf32>,
    %add3A_641 = arith.addf %add3A_636, %gather3A_640 : vector<16xf32>
    %add3A_642 = arith.constant 12 : i32
    %add3A_643 = vector.broadcast %add3A_642 : i32 to vector<16xi32>
    %add3A_644 = arith.addi %mul3A_581, %add3A_643 : vector<16xi32>
    %gather3A_645 = tpu.vector_load_idx %arg7[%add3A_644] : memref<4096xf32, #tpu.memory_space<vmem>>[vector<16xi32>], vector<16xf32>,
    %add3A_646 = arith.addf %add3A_641, %gather3A_645 : vector<16xf32>
    %add3A_647 = arith.constant 13 : i32
    %add3A_648 = vector.broadcast %add3A_647 : i32 to vector<16xi32>
    %add3A_649 = arith.addi %mul3A_581, %add3A_648 : vector<16xi32>
    %gather3A_650 = tpu.vector_load_idx %arg7[%add3A_649] : memref<4096xf32, #tpu.memory_space<vmem>>[vector<16xi32>], vector<16xf32>,
    %add3A_651 = arith.addf %add3A_646, %gather3A_650 : vector<16xf32>
    %add3A_652 = arith.constant 14 : i32
    %add3A_653 = vector.broadcast %add3A_652 : i32 to vector<16xi32>
    %add3A_654 = arith.addi %mul3A_581, %add3A_653 : vector<16xi32>
    %gather3A_655 = tpu.vector_load_idx %arg7[%add3A_654] : memref<4096xf32, #tpu.memory_space<vmem>>[vector<16xi32>], vector<16xf32>,
    %add3A_656 = arith.addf %add3A_651, %gather3A_655 : vector<16xf32>
    %add3A_657 = arith.constant 15 : i32
    %add3A_658 = vector.broadcast %add3A_657 : i32 to vector<16xi32>
    %add3A_659 = arith.addi %mul3A_581, %add3A_658 : vector<16xi32>
    %gather3A_660 = tpu.vector_load_idx %arg7[%add3A_659] : memref<4096xf32, #tpu.memory_space<vmem>>[vector<16xi32>], vector<16xf32>,
    %add3A_661 = arith.addf %add3A_656, %gather3A_660 : vector<16xf32>
    %swap3A_662 = arith.constant 96 : index
    %swap3A_663 = tpu.vector_load %arg8[%swap3A_662] {strides = array<i32>} : memref<256xf32, #tpu.memory_space<vmem>>, vector<16xf32>,
    tpu.vector_store %arg8[%swap3A_662], %add3A_661 {strides = array<i32>} : memref<256xf32, #tpu.memory_space<vmem>>, vector<16xf32>,
    %add3A_664 = arith.constant 112 : i32
    %add3A_665 = vector.broadcast %add3A_664 : i32 to vector<16xi32>
    %add3A_666 = arith.addi %add3A_665, %iota3A : vector<16xi32>
    %mul3A_667 = arith.constant 16 : i32
    %mul3A_668 = vector.broadcast %mul3A_667 : i32 to vector<16xi32>
    %mul3A_669 = arith.muli %add3A_666, %mul3A_668 : vector<16xi32>
    %add3A_670 = arith.constant 0 : i32
    %add3A_671 = vector.broadcast %add3A_670 : i32 to vector<16xi32>
    %add3A_672 = arith.addi %mul3A_669, %add3A_671 : vector<16xi32>
    %gather3A_673 = tpu.vector_load_idx %arg7[%add3A_672] : memref<4096xf32, #tpu.memory_space<vmem>>[vector<16xi32>], vector<16xf32>,
    %add3A_674 = arith.addf %broadcast_in_dim3A_31, %gather3A_673 : vector<16xf32>
    %add3A_675 = arith.constant 1 : i32
    %add3A_676 = vector.broadcast %add3A_675 : i32 to vector<16xi32>
    %add3A_677 = arith.addi %mul3A_669, %add3A_676 : vector<16xi32>
    %gather3A_678 = tpu.vector_load_idx %arg7[%add3A_677] : memref<4096xf32, #tpu.memory_space<vmem>>[vector<16xi32>], vector<16xf32>,
    %add3A_679 = arith.addf %add3A_674, %gather3A_678 : vector<16xf32>
    %add3A_680 = arith.constant 2 : i32
    %add3A_681 = vector.broadcast %add3A_680 : i32 to vector<16xi32>
    %add3A_682 = arith.addi %mul3A_669, %add3A_681 : vector<16xi32>
    %gather3A_683 = tpu.vector_load_idx %arg7[%add3A_682] : memref<4096xf32, #tpu.memory_space<vmem>>[vector<16xi32>], vector<16xf32>,
    %add3A_684 = arith.addf %add3A_679, %gather3A_683 : vector<16xf32>
    %add3A_685 = arith.constant 3 : i32
    %add3A_686 = vector.broadcast %add3A_685 : i32 to vector<16xi32>
    %add3A_687 = arith.addi %mul3A_669, %add3A_686 : vector<16xi32>
    %gather3A_688 = tpu.vector_load_idx %arg7[%add3A_687] : memref<4096xf32, #tpu.memory_space<vmem>>[vector<16xi32>], vector<16xf32>,
    %add3A_689 = arith.addf %add3A_684, %gather3A_688 : vector<16xf32>
    %add3A_690 = arith.constant 4 : i32
    %add3A_691 = vector.broadcast %add3A_690 : i32 to vector<16xi32>
    %add3A_692 = arith.addi %mul3A_669, %add3A_691 : vector<16xi32>
    %gather3A_693 = tpu.vector_load_idx %arg7[%add3A_692] : memref<4096xf32, #tpu.memory_space<vmem>>[vector<16xi32>], vector<16xf32>,
    %add3A_694 = arith.addf %add3A_689, %gather3A_693 : vector<16xf32>
    %add3A_695 = arith.constant 5 : i32
    %add3A_696 = vector.broadcast %add3A_695 : i32 to vector<16xi32>
    %add3A_697 = arith.addi %mul3A_669, %add3A_696 : vector<16xi32>
    %gather3A_698 = tpu.vector_load_idx %arg7[%add3A_697] : memref<4096xf32, #tpu.memory_space<vmem>>[vector<16xi32>], vector<16xf32>,
    %add3A_699 = arith.addf %add3A_694, %gather3A_698 : vector<16xf32>
    %add3A_700 = arith.constant 6 : i32
    %add3A_701 = vector.broadcast %add3A_700 : i32 to vector<16xi32>
    %add3A_702 = arith.addi %mul3A_669, %add3A_701 : vector<16xi32>
    %gather3A_703 = tpu.vector_load_idx %arg7[%add3A_702] : memref<4096xf32, #tpu.memory_space<vmem>>[vector<16xi32>], vector<16xf32>,
    %add3A_704 = arith.addf %add3A_699, %gather3A_703 : vector<16xf32>
    %add3A_705 = arith.constant 7 : i32
    %add3A_706 = vector.broadcast %add3A_705 : i32 to vector<16xi32>
    %add3A_707 = arith.addi %mul3A_669, %add3A_706 : vector<16xi32>
    %gather3A_708 = tpu.vector_load_idx %arg7[%add3A_707] : memref<4096xf32, #tpu.memory_space<vmem>>[vector<16xi32>], vector<16xf32>,
    %add3A_709 = arith.addf %add3A_704, %gather3A_708 : vector<16xf32>
    %add3A_710 = arith.constant 8 : i32
    %add3A_711 = vector.broadcast %add3A_710 : i32 to vector<16xi32>
    %add3A_712 = arith.addi %mul3A_669, %add3A_711 : vector<16xi32>
    %gather3A_713 = tpu.vector_load_idx %arg7[%add3A_712] : memref<4096xf32, #tpu.memory_space<vmem>>[vector<16xi32>], vector<16xf32>,
    %add3A_714 = arith.addf %add3A_709, %gather3A_713 : vector<16xf32>
    %add3A_715 = arith.constant 9 : i32
    %add3A_716 = vector.broadcast %add3A_715 : i32 to vector<16xi32>
    %add3A_717 = arith.addi %mul3A_669, %add3A_716 : vector<16xi32>
    %gather3A_718 = tpu.vector_load_idx %arg7[%add3A_717] : memref<4096xf32, #tpu.memory_space<vmem>>[vector<16xi32>], vector<16xf32>,
    %add3A_719 = arith.addf %add3A_714, %gather3A_718 : vector<16xf32>
    %add3A_720 = arith.constant 10 : i32
    %add3A_721 = vector.broadcast %add3A_720 : i32 to vector<16xi32>
    %add3A_722 = arith.addi %mul3A_669, %add3A_721 : vector<16xi32>
    %gather3A_723 = tpu.vector_load_idx %arg7[%add3A_722] : memref<4096xf32, #tpu.memory_space<vmem>>[vector<16xi32>], vector<16xf32>,
    %add3A_724 = arith.addf %add3A_719, %gather3A_723 : vector<16xf32>
    %add3A_725 = arith.constant 11 : i32
    %add3A_726 = vector.broadcast %add3A_725 : i32 to vector<16xi32>
    %add3A_727 = arith.addi %mul3A_669, %add3A_726 : vector<16xi32>
    %gather3A_728 = tpu.vector_load_idx %arg7[%add3A_727] : memref<4096xf32, #tpu.memory_space<vmem>>[vector<16xi32>], vector<16xf32>,
    %add3A_729 = arith.addf %add3A_724, %gather3A_728 : vector<16xf32>
    %add3A_730 = arith.constant 12 : i32
    %add3A_731 = vector.broadcast %add3A_730 : i32 to vector<16xi32>
    %add3A_732 = arith.addi %mul3A_669, %add3A_731 : vector<16xi32>
    %gather3A_733 = tpu.vector_load_idx %arg7[%add3A_732] : memref<4096xf32, #tpu.memory_space<vmem>>[vector<16xi32>], vector<16xf32>,
    %add3A_734 = arith.addf %add3A_729, %gather3A_733 : vector<16xf32>
    %add3A_735 = arith.constant 13 : i32
    %add3A_736 = vector.broadcast %add3A_735 : i32 to vector<16xi32>
    %add3A_737 = arith.addi %mul3A_669, %add3A_736 : vector<16xi32>
    %gather3A_738 = tpu.vector_load_idx %arg7[%add3A_737] : memref<4096xf32, #tpu.memory_space<vmem>>[vector<16xi32>], vector<16xf32>,
    %add3A_739 = arith.addf %add3A_734, %gather3A_738 : vector<16xf32>
    %add3A_740 = arith.constant 14 : i32
    %add3A_741 = vector.broadcast %add3A_740 : i32 to vector<16xi32>
    %add3A_742 = arith.addi %mul3A_669, %add3A_741 : vector<16xi32>
    %gather3A_743 = tpu.vector_load_idx %arg7[%add3A_742] : memref<4096xf32, #tpu.memory_space<vmem>>[vector<16xi32>], vector<16xf32>,
    %add3A_744 = arith.addf %add3A_739, %gather3A_743 : vector<16xf32>
    %add3A_745 = arith.constant 15 : i32
    %add3A_746 = vector.broadcast %add3A_745 : i32 to vector<16xi32>
    %add3A_747 = arith.addi %mul3A_669, %add3A_746 : vector<16xi32>
    %gather3A_748 = tpu.vector_load_idx %arg7[%add3A_747] : memref<4096xf32, #tpu.memory_space<vmem>>[vector<16xi32>], vector<16xf32>,
    %add3A_749 = arith.addf %add3A_744, %gather3A_748 : vector<16xf32>
    %swap3A_750 = arith.constant 112 : index
    %swap3A_751 = tpu.vector_load %arg8[%swap3A_750] {strides = array<i32>} : memref<256xf32, #tpu.memory_space<vmem>>, vector<16xf32>,
    tpu.vector_store %arg8[%swap3A_750], %add3A_749 {strides = array<i32>} : memref<256xf32, #tpu.memory_space<vmem>>, vector<16xf32>,
    %add3A_752 = arith.constant 128 : i32
    %add3A_753 = vector.broadcast %add3A_752 : i32 to vector<16xi32>
    %add3A_754 = arith.addi %add3A_753, %iota3A : vector<16xi32>
    %mul3A_755 = arith.constant 16 : i32
    %mul3A_756 = vector.broadcast %mul3A_755 : i32 to vector<16xi32>
    %mul3A_757 = arith.muli %add3A_754, %mul3A_756 : vector<16xi32>
    %add3A_758 = arith.constant 0 : i32
    %add3A_759 = vector.broadcast %add3A_758 : i32 to vector<16xi32>
    %add3A_760 = arith.addi %mul3A_757, %add3A_759 : vector<16xi32>
    %gather3A_761 = tpu.vector_load_idx %arg7[%add3A_760] : memref<4096xf32, #tpu.memory_space<vmem>>[vector<16xi32>], vector<16xf32>,
    %add3A_762 = arith.addf %broadcast_in_dim3A_31, %gather3A_761 : vector<16xf32>
    %add3A_763 = arith.constant 1 : i32
    %add3A_764 = vector.broadcast %add3A_763 : i32 to vector<16xi32>
    %add3A_765 = arith.addi %mul3A_757, %add3A_764 : vector<16xi32>
    %gather3A_766 = tpu.vector_load_idx %arg7[%add3A_765] : memref<4096xf32, #tpu.memory_space<vmem>>[vector<16xi32>], vector<16xf32>,
    %add3A_767 = arith.addf %add3A_762, %gather3A_766 : vector<16xf32>
    %add3A_768 = arith.constant 2 : i32
    %add3A_769 = vector.broadcast %add3A_768 : i32 to vector<16xi32>
    %add3A_770 = arith.addi %mul3A_757, %add3A_769 : vector<16xi32>
    %gather3A_771 = tpu.vector_load_idx %arg7[%add3A_770] : memref<4096xf32, #tpu.memory_space<vmem>>[vector<16xi32>], vector<16xf32>,
    %add3A_772 = arith.addf %add3A_767, %gather3A_771 : vector<16xf32>
    %add3A_773 = arith.constant 3 : i32
    %add3A_774 = vector.broadcast %add3A_773 : i32 to vector<16xi32>
    %add3A_775 = arith.addi %mul3A_757, %add3A_774 : vector<16xi32>
    %gather3A_776 = tpu.vector_load_idx %arg7[%add3A_775] : memref<4096xf32, #tpu.memory_space<vmem>>[vector<16xi32>], vector<16xf32>,
    %add3A_777 = arith.addf %add3A_772, %gather3A_776 : vector<16xf32>
    %add3A_778 = arith.constant 4 : i32
    %add3A_779 = vector.broadcast %add3A_778 : i32 to vector<16xi32>
    %add3A_780 = arith.addi %mul3A_757, %add3A_779 : vector<16xi32>
    %gather3A_781 = tpu.vector_load_idx %arg7[%add3A_780] : memref<4096xf32, #tpu.memory_space<vmem>>[vector<16xi32>], vector<16xf32>,
    %add3A_782 = arith.addf %add3A_777, %gather3A_781 : vector<16xf32>
    %add3A_783 = arith.constant 5 : i32
    %add3A_784 = vector.broadcast %add3A_783 : i32 to vector<16xi32>
    %add3A_785 = arith.addi %mul3A_757, %add3A_784 : vector<16xi32>
    %gather3A_786 = tpu.vector_load_idx %arg7[%add3A_785] : memref<4096xf32, #tpu.memory_space<vmem>>[vector<16xi32>], vector<16xf32>,
    %add3A_787 = arith.addf %add3A_782, %gather3A_786 : vector<16xf32>
    %add3A_788 = arith.constant 6 : i32
    %add3A_789 = vector.broadcast %add3A_788 : i32 to vector<16xi32>
    %add3A_790 = arith.addi %mul3A_757, %add3A_789 : vector<16xi32>
    %gather3A_791 = tpu.vector_load_idx %arg7[%add3A_790] : memref<4096xf32, #tpu.memory_space<vmem>>[vector<16xi32>], vector<16xf32>,
    %add3A_792 = arith.addf %add3A_787, %gather3A_791 : vector<16xf32>
    %add3A_793 = arith.constant 7 : i32
    %add3A_794 = vector.broadcast %add3A_793 : i32 to vector<16xi32>
    %add3A_795 = arith.addi %mul3A_757, %add3A_794 : vector<16xi32>
    %gather3A_796 = tpu.vector_load_idx %arg7[%add3A_795] : memref<4096xf32, #tpu.memory_space<vmem>>[vector<16xi32>], vector<16xf32>,
    %add3A_797 = arith.addf %add3A_792, %gather3A_796 : vector<16xf32>
    %add3A_798 = arith.constant 8 : i32
    %add3A_799 = vector.broadcast %add3A_798 : i32 to vector<16xi32>
    %add3A_800 = arith.addi %mul3A_757, %add3A_799 : vector<16xi32>
    %gather3A_801 = tpu.vector_load_idx %arg7[%add3A_800] : memref<4096xf32, #tpu.memory_space<vmem>>[vector<16xi32>], vector<16xf32>,
    %add3A_802 = arith.addf %add3A_797, %gather3A_801 : vector<16xf32>
    %add3A_803 = arith.constant 9 : i32
    %add3A_804 = vector.broadcast %add3A_803 : i32 to vector<16xi32>
    %add3A_805 = arith.addi %mul3A_757, %add3A_804 : vector<16xi32>
    %gather3A_806 = tpu.vector_load_idx %arg7[%add3A_805] : memref<4096xf32, #tpu.memory_space<vmem>>[vector<16xi32>], vector<16xf32>,
    %add3A_807 = arith.addf %add3A_802, %gather3A_806 : vector<16xf32>
    %add3A_808 = arith.constant 10 : i32
    %add3A_809 = vector.broadcast %add3A_808 : i32 to vector<16xi32>
    %add3A_810 = arith.addi %mul3A_757, %add3A_809 : vector<16xi32>
    %gather3A_811 = tpu.vector_load_idx %arg7[%add3A_810] : memref<4096xf32, #tpu.memory_space<vmem>>[vector<16xi32>], vector<16xf32>,
    %add3A_812 = arith.addf %add3A_807, %gather3A_811 : vector<16xf32>
    %add3A_813 = arith.constant 11 : i32
    %add3A_814 = vector.broadcast %add3A_813 : i32 to vector<16xi32>
    %add3A_815 = arith.addi %mul3A_757, %add3A_814 : vector<16xi32>
    %gather3A_816 = tpu.vector_load_idx %arg7[%add3A_815] : memref<4096xf32, #tpu.memory_space<vmem>>[vector<16xi32>], vector<16xf32>,
    %add3A_817 = arith.addf %add3A_812, %gather3A_816 : vector<16xf32>
    %add3A_818 = arith.constant 12 : i32
    %add3A_819 = vector.broadcast %add3A_818 : i32 to vector<16xi32>
    %add3A_820 = arith.addi %mul3A_757, %add3A_819 : vector<16xi32>
    %gather3A_821 = tpu.vector_load_idx %arg7[%add3A_820] : memref<4096xf32, #tpu.memory_space<vmem>>[vector<16xi32>], vector<16xf32>,
    %add3A_822 = arith.addf %add3A_817, %gather3A_821 : vector<16xf32>
    %add3A_823 = arith.constant 13 : i32
    %add3A_824 = vector.broadcast %add3A_823 : i32 to vector<16xi32>
    %add3A_825 = arith.addi %mul3A_757, %add3A_824 : vector<16xi32>
    %gather3A_826 = tpu.vector_load_idx %arg7[%add3A_825] : memref<4096xf32, #tpu.memory_space<vmem>>[vector<16xi32>], vector<16xf32>,
    %add3A_827 = arith.addf %add3A_822, %gather3A_826 : vector<16xf32>
    %add3A_828 = arith.constant 14 : i32
    %add3A_829 = vector.broadcast %add3A_828 : i32 to vector<16xi32>
    %add3A_830 = arith.addi %mul3A_757, %add3A_829 : vector<16xi32>
    %gather3A_831 = tpu.vector_load_idx %arg7[%add3A_830] : memref<4096xf32, #tpu.memory_space<vmem>>[vector<16xi32>], vector<16xf32>,
    %add3A_832 = arith.addf %add3A_827, %gather3A_831 : vector<16xf32>
    %add3A_833 = arith.constant 15 : i32
    %add3A_834 = vector.broadcast %add3A_833 : i32 to vector<16xi32>
    %add3A_835 = arith.addi %mul3A_757, %add3A_834 : vector<16xi32>
    %gather3A_836 = tpu.vector_load_idx %arg7[%add3A_835] : memref<4096xf32, #tpu.memory_space<vmem>>[vector<16xi32>], vector<16xf32>,
    %add3A_837 = arith.addf %add3A_832, %gather3A_836 : vector<16xf32>
    %swap3A_838 = arith.constant 128 : index
    %swap3A_839 = tpu.vector_load %arg8[%swap3A_838] {strides = array<i32>} : memref<256xf32, #tpu.memory_space<vmem>>, vector<16xf32>,
    tpu.vector_store %arg8[%swap3A_838], %add3A_837 {strides = array<i32>} : memref<256xf32, #tpu.memory_space<vmem>>, vector<16xf32>,
    %add3A_840 = arith.constant 144 : i32
    %add3A_841 = vector.broadcast %add3A_840 : i32 to vector<16xi32>
    %add3A_842 = arith.addi %add3A_841, %iota3A : vector<16xi32>
    %mul3A_843 = arith.constant 16 : i32
    %mul3A_844 = vector.broadcast %mul3A_843 : i32 to vector<16xi32>
    %mul3A_845 = arith.muli %add3A_842, %mul3A_844 : vector<16xi32>
    %add3A_846 = arith.constant 0 : i32
    %add3A_847 = vector.broadcast %add3A_846 : i32 to vector<16xi32>
    %add3A_848 = arith.addi %mul3A_845, %add3A_847 : vector<16xi32>
    %gather3A_849 = tpu.vector_load_idx %arg7[%add3A_848] : memref<4096xf32, #tpu.memory_space<vmem>>[vector<16xi32>], vector<16xf32>,
    %add3A_850 = arith.addf %broadcast_in_dim3A_31, %gather3A_849 : vector<16xf32>
    %add3A_851 = arith.constant 1 : i32
    %add3A_852 = vector.broadcast %add3A_851 : i32 to vector<16xi32>
    %add3A_853 = arith.addi %mul3A_845, %add3A_852 : vector<16xi32>
    %gather3A_854 = tpu.vector_load_idx %arg7[%add3A_853] : memref<4096xf32, #tpu.memory_space<vmem>>[vector<16xi32>], vector<16xf32>,
    %add3A_855 = arith.addf %add3A_850, %gather3A_854 : vector<16xf32>
    %add3A_856 = arith.constant 2 : i32
    %add3A_857 = vector.broadcast %add3A_856 : i32 to vector<16xi32>
    %add3A_858 = arith.addi %mul3A_845, %add3A_857 : vector<16xi32>
    %gather3A_859 = tpu.vector_load_idx %arg7[%add3A_858] : memref<4096xf32, #tpu.memory_space<vmem>>[vector<16xi32>], vector<16xf32>,
    %add3A_860 = arith.addf %add3A_855, %gather3A_859 : vector<16xf32>
    %add3A_861 = arith.constant 3 : i32
    %add3A_862 = vector.broadcast %add3A_861 : i32 to vector<16xi32>
    %add3A_863 = arith.addi %mul3A_845, %add3A_862 : vector<16xi32>
    %gather3A_864 = tpu.vector_load_idx %arg7[%add3A_863] : memref<4096xf32, #tpu.memory_space<vmem>>[vector<16xi32>], vector<16xf32>,
    %add3A_865 = arith.addf %add3A_860, %gather3A_864 : vector<16xf32>
    %add3A_866 = arith.constant 4 : i32
    %add3A_867 = vector.broadcast %add3A_866 : i32 to vector<16xi32>
    %add3A_868 = arith.addi %mul3A_845, %add3A_867 : vector<16xi32>
    %gather3A_869 = tpu.vector_load_idx %arg7[%add3A_868] : memref<4096xf32, #tpu.memory_space<vmem>>[vector<16xi32>], vector<16xf32>,
    %add3A_870 = arith.addf %add3A_865, %gather3A_869 : vector<16xf32>
    %add3A_871 = arith.constant 5 : i32
    %add3A_872 = vector.broadcast %add3A_871 : i32 to vector<16xi32>
    %add3A_873 = arith.addi %mul3A_845, %add3A_872 : vector<16xi32>
    %gather3A_874 = tpu.vector_load_idx %arg7[%add3A_873] : memref<4096xf32, #tpu.memory_space<vmem>>[vector<16xi32>], vector<16xf32>,
    %add3A_875 = arith.addf %add3A_870, %gather3A_874 : vector<16xf32>
    %add3A_876 = arith.constant 6 : i32
    %add3A_877 = vector.broadcast %add3A_876 : i32 to vector<16xi32>
    %add3A_878 = arith.addi %mul3A_845, %add3A_877 : vector<16xi32>
    %gather3A_879 = tpu.vector_load_idx %arg7[%add3A_878] : memref<4096xf32, #tpu.memory_space<vmem>>[vector<16xi32>], vector<16xf32>,
    %add3A_880 = arith.addf %add3A_875, %gather3A_879 : vector<16xf32>
    %add3A_881 = arith.constant 7 : i32
    %add3A_882 = vector.broadcast %add3A_881 : i32 to vector<16xi32>
    %add3A_883 = arith.addi %mul3A_845, %add3A_882 : vector<16xi32>
    %gather3A_884 = tpu.vector_load_idx %arg7[%add3A_883] : memref<4096xf32, #tpu.memory_space<vmem>>[vector<16xi32>], vector<16xf32>,
    %add3A_885 = arith.addf %add3A_880, %gather3A_884 : vector<16xf32>
    %add3A_886 = arith.constant 8 : i32
    %add3A_887 = vector.broadcast %add3A_886 : i32 to vector<16xi32>
    %add3A_888 = arith.addi %mul3A_845, %add3A_887 : vector<16xi32>
    %gather3A_889 = tpu.vector_load_idx %arg7[%add3A_888] : memref<4096xf32, #tpu.memory_space<vmem>>[vector<16xi32>], vector<16xf32>,
    %add3A_890 = arith.addf %add3A_885, %gather3A_889 : vector<16xf32>
    %add3A_891 = arith.constant 9 : i32
    %add3A_892 = vector.broadcast %add3A_891 : i32 to vector<16xi32>
    %add3A_893 = arith.addi %mul3A_845, %add3A_892 : vector<16xi32>
    %gather3A_894 = tpu.vector_load_idx %arg7[%add3A_893] : memref<4096xf32, #tpu.memory_space<vmem>>[vector<16xi32>], vector<16xf32>,
    %add3A_895 = arith.addf %add3A_890, %gather3A_894 : vector<16xf32>
    %add3A_896 = arith.constant 10 : i32
    %add3A_897 = vector.broadcast %add3A_896 : i32 to vector<16xi32>
    %add3A_898 = arith.addi %mul3A_845, %add3A_897 : vector<16xi32>
    %gather3A_899 = tpu.vector_load_idx %arg7[%add3A_898] : memref<4096xf32, #tpu.memory_space<vmem>>[vector<16xi32>], vector<16xf32>,
    %add3A_900 = arith.addf %add3A_895, %gather3A_899 : vector<16xf32>
    %add3A_901 = arith.constant 11 : i32
    %add3A_902 = vector.broadcast %add3A_901 : i32 to vector<16xi32>
    %add3A_903 = arith.addi %mul3A_845, %add3A_902 : vector<16xi32>
    %gather3A_904 = tpu.vector_load_idx %arg7[%add3A_903] : memref<4096xf32, #tpu.memory_space<vmem>>[vector<16xi32>], vector<16xf32>,
    %add3A_905 = arith.addf %add3A_900, %gather3A_904 : vector<16xf32>
    %add3A_906 = arith.constant 12 : i32
    %add3A_907 = vector.broadcast %add3A_906 : i32 to vector<16xi32>
    %add3A_908 = arith.addi %mul3A_845, %add3A_907 : vector<16xi32>
    %gather3A_909 = tpu.vector_load_idx %arg7[%add3A_908] : memref<4096xf32, #tpu.memory_space<vmem>>[vector<16xi32>], vector<16xf32>,
    %add3A_910 = arith.addf %add3A_905, %gather3A_909 : vector<16xf32>
    %add3A_911 = arith.constant 13 : i32
    %add3A_912 = vector.broadcast %add3A_911 : i32 to vector<16xi32>
    %add3A_913 = arith.addi %mul3A_845, %add3A_912 : vector<16xi32>
    %gather3A_914 = tpu.vector_load_idx %arg7[%add3A_913] : memref<4096xf32, #tpu.memory_space<vmem>>[vector<16xi32>], vector<16xf32>,
    %add3A_915 = arith.addf %add3A_910, %gather3A_914 : vector<16xf32>
    %add3A_916 = arith.constant 14 : i32
    %add3A_917 = vector.broadcast %add3A_916 : i32 to vector<16xi32>
    %add3A_918 = arith.addi %mul3A_845, %add3A_917 : vector<16xi32>
    %gather3A_919 = tpu.vector_load_idx %arg7[%add3A_918] : memref<4096xf32, #tpu.memory_space<vmem>>[vector<16xi32>], vector<16xf32>,
    %add3A_920 = arith.addf %add3A_915, %gather3A_919 : vector<16xf32>
    %add3A_921 = arith.constant 15 : i32
    %add3A_922 = vector.broadcast %add3A_921 : i32 to vector<16xi32>
    %add3A_923 = arith.addi %mul3A_845, %add3A_922 : vector<16xi32>
    %gather3A_924 = tpu.vector_load_idx %arg7[%add3A_923] : memref<4096xf32, #tpu.memory_space<vmem>>[vector<16xi32>], vector<16xf32>,
    %add3A_925 = arith.addf %add3A_920, %gather3A_924 : vector<16xf32>
    %swap3A_926 = arith.constant 144 : index
    %swap3A_927 = tpu.vector_load %arg8[%swap3A_926] {strides = array<i32>} : memref<256xf32, #tpu.memory_space<vmem>>, vector<16xf32>,
    tpu.vector_store %arg8[%swap3A_926], %add3A_925 {strides = array<i32>} : memref<256xf32, #tpu.memory_space<vmem>>, vector<16xf32>,
    %add3A_928 = arith.constant 160 : i32
    %add3A_929 = vector.broadcast %add3A_928 : i32 to vector<16xi32>
    %add3A_930 = arith.addi %add3A_929, %iota3A : vector<16xi32>
    %mul3A_931 = arith.constant 16 : i32
    %mul3A_932 = vector.broadcast %mul3A_931 : i32 to vector<16xi32>
    %mul3A_933 = arith.muli %add3A_930, %mul3A_932 : vector<16xi32>
    %add3A_934 = arith.constant 0 : i32
    %add3A_935 = vector.broadcast %add3A_934 : i32 to vector<16xi32>
    %add3A_936 = arith.addi %mul3A_933, %add3A_935 : vector<16xi32>
    %gather3A_937 = tpu.vector_load_idx %arg7[%add3A_936] : memref<4096xf32, #tpu.memory_space<vmem>>[vector<16xi32>], vector<16xf32>,
    %add3A_938 = arith.addf %broadcast_in_dim3A_31, %gather3A_937 : vector<16xf32>
    %add3A_939 = arith.constant 1 : i32
    %add3A_940 = vector.broadcast %add3A_939 : i32 to vector<16xi32>
    %add3A_941 = arith.addi %mul3A_933, %add3A_940 : vector<16xi32>
    %gather3A_942 = tpu.vector_load_idx %arg7[%add3A_941] : memref<4096xf32, #tpu.memory_space<vmem>>[vector<16xi32>], vector<16xf32>,
    %add3A_943 = arith.addf %add3A_938, %gather3A_942 : vector<16xf32>
    %add3A_944 = arith.constant 2 : i32
    %add3A_945 = vector.broadcast %add3A_944 : i32 to vector<16xi32>
    %add3A_946 = arith.addi %mul3A_933, %add3A_945 : vector<16xi32>
    %gather3A_947 = tpu.vector_load_idx %arg7[%add3A_946] : memref<4096xf32, #tpu.memory_space<vmem>>[vector<16xi32>], vector<16xf32>,
    %add3A_948 = arith.addf %add3A_943, %gather3A_947 : vector<16xf32>
    %add3A_949 = arith.constant 3 : i32
    %add3A_950 = vector.broadcast %add3A_949 : i32 to vector<16xi32>
    %add3A_951 = arith.addi %mul3A_933, %add3A_950 : vector<16xi32>
    %gather3A_952 = tpu.vector_load_idx %arg7[%add3A_951] : memref<4096xf32, #tpu.memory_space<vmem>>[vector<16xi32>], vector<16xf32>,
    %add3A_953 = arith.addf %add3A_948, %gather3A_952 : vector<16xf32>
    %add3A_954 = arith.constant 4 : i32
    %add3A_955 = vector.broadcast %add3A_954 : i32 to vector<16xi32>
    %add3A_956 = arith.addi %mul3A_933, %add3A_955 : vector<16xi32>
    %gather3A_957 = tpu.vector_load_idx %arg7[%add3A_956] : memref<4096xf32, #tpu.memory_space<vmem>>[vector<16xi32>], vector<16xf32>,
    %add3A_958 = arith.addf %add3A_953, %gather3A_957 : vector<16xf32>
    %add3A_959 = arith.constant 5 : i32
    %add3A_960 = vector.broadcast %add3A_959 : i32 to vector<16xi32>
    %add3A_961 = arith.addi %mul3A_933, %add3A_960 : vector<16xi32>
    %gather3A_962 = tpu.vector_load_idx %arg7[%add3A_961] : memref<4096xf32, #tpu.memory_space<vmem>>[vector<16xi32>], vector<16xf32>,
    %add3A_963 = arith.addf %add3A_958, %gather3A_962 : vector<16xf32>
    %add3A_964 = arith.constant 6 : i32
    %add3A_965 = vector.broadcast %add3A_964 : i32 to vector<16xi32>
    %add3A_966 = arith.addi %mul3A_933, %add3A_965 : vector<16xi32>
    %gather3A_967 = tpu.vector_load_idx %arg7[%add3A_966] : memref<4096xf32, #tpu.memory_space<vmem>>[vector<16xi32>], vector<16xf32>,
    %add3A_968 = arith.addf %add3A_963, %gather3A_967 : vector<16xf32>
    %add3A_969 = arith.constant 7 : i32
    %add3A_970 = vector.broadcast %add3A_969 : i32 to vector<16xi32>
    %add3A_971 = arith.addi %mul3A_933, %add3A_970 : vector<16xi32>
    %gather3A_972 = tpu.vector_load_idx %arg7[%add3A_971] : memref<4096xf32, #tpu.memory_space<vmem>>[vector<16xi32>], vector<16xf32>,
    %add3A_973 = arith.addf %add3A_968, %gather3A_972 : vector<16xf32>
    %add3A_974 = arith.constant 8 : i32
    %add3A_975 = vector.broadcast %add3A_974 : i32 to vector<16xi32>
    %add3A_976 = arith.addi %mul3A_933, %add3A_975 : vector<16xi32>
    %gather3A_977 = tpu.vector_load_idx %arg7[%add3A_976] : memref<4096xf32, #tpu.memory_space<vmem>>[vector<16xi32>], vector<16xf32>,
    %add3A_978 = arith.addf %add3A_973, %gather3A_977 : vector<16xf32>
    %add3A_979 = arith.constant 9 : i32
    %add3A_980 = vector.broadcast %add3A_979 : i32 to vector<16xi32>
    %add3A_981 = arith.addi %mul3A_933, %add3A_980 : vector<16xi32>
    %gather3A_982 = tpu.vector_load_idx %arg7[%add3A_981] : memref<4096xf32, #tpu.memory_space<vmem>>[vector<16xi32>], vector<16xf32>,
    %add3A_983 = arith.addf %add3A_978, %gather3A_982 : vector<16xf32>
    %add3A_984 = arith.constant 10 : i32
    %add3A_985 = vector.broadcast %add3A_984 : i32 to vector<16xi32>
    %add3A_986 = arith.addi %mul3A_933, %add3A_985 : vector<16xi32>
    %gather3A_987 = tpu.vector_load_idx %arg7[%add3A_986] : memref<4096xf32, #tpu.memory_space<vmem>>[vector<16xi32>], vector<16xf32>,
    %add3A_988 = arith.addf %add3A_983, %gather3A_987 : vector<16xf32>
    %add3A_989 = arith.constant 11 : i32
    %add3A_990 = vector.broadcast %add3A_989 : i32 to vector<16xi32>
    %add3A_991 = arith.addi %mul3A_933, %add3A_990 : vector<16xi32>
    %gather3A_992 = tpu.vector_load_idx %arg7[%add3A_991] : memref<4096xf32, #tpu.memory_space<vmem>>[vector<16xi32>], vector<16xf32>,
    %add3A_993 = arith.addf %add3A_988, %gather3A_992 : vector<16xf32>
    %add3A_994 = arith.constant 12 : i32
    %add3A_995 = vector.broadcast %add3A_994 : i32 to vector<16xi32>
    %add3A_996 = arith.addi %mul3A_933, %add3A_995 : vector<16xi32>
    %gather3A_997 = tpu.vector_load_idx %arg7[%add3A_996] : memref<4096xf32, #tpu.memory_space<vmem>>[vector<16xi32>], vector<16xf32>,
    %add3A_998 = arith.addf %add3A_993, %gather3A_997 : vector<16xf32>
    %add3A_999 = arith.constant 13 : i32
    %add3A_1000 = vector.broadcast %add3A_999 : i32 to vector<16xi32>
    %add3A_1001 = arith.addi %mul3A_933, %add3A_1000 : vector<16xi32>
    %gather3A_1002 = tpu.vector_load_idx %arg7[%add3A_1001] : memref<4096xf32, #tpu.memory_space<vmem>>[vector<16xi32>], vector<16xf32>,
    %add3A_1003 = arith.addf %add3A_998, %gather3A_1002 : vector<16xf32>
    %add3A_1004 = arith.constant 14 : i32
    %add3A_1005 = vector.broadcast %add3A_1004 : i32 to vector<16xi32>
    %add3A_1006 = arith.addi %mul3A_933, %add3A_1005 : vector<16xi32>
    %gather3A_1007 = tpu.vector_load_idx %arg7[%add3A_1006] : memref<4096xf32, #tpu.memory_space<vmem>>[vector<16xi32>], vector<16xf32>,
    %add3A_1008 = arith.addf %add3A_1003, %gather3A_1007 : vector<16xf32>
    %add3A_1009 = arith.constant 15 : i32
    %add3A_1010 = vector.broadcast %add3A_1009 : i32 to vector<16xi32>
    %add3A_1011 = arith.addi %mul3A_933, %add3A_1010 : vector<16xi32>
    %gather3A_1012 = tpu.vector_load_idx %arg7[%add3A_1011] : memref<4096xf32, #tpu.memory_space<vmem>>[vector<16xi32>], vector<16xf32>,
    %add3A_1013 = arith.addf %add3A_1008, %gather3A_1012 : vector<16xf32>
    %swap3A_1014 = arith.constant 160 : index
    %swap3A_1015 = tpu.vector_load %arg8[%swap3A_1014] {strides = array<i32>} : memref<256xf32, #tpu.memory_space<vmem>>, vector<16xf32>,
    tpu.vector_store %arg8[%swap3A_1014], %add3A_1013 {strides = array<i32>} : memref<256xf32, #tpu.memory_space<vmem>>, vector<16xf32>,
    %add3A_1016 = arith.constant 176 : i32
    %add3A_1017 = vector.broadcast %add3A_1016 : i32 to vector<16xi32>
    %add3A_1018 = arith.addi %add3A_1017, %iota3A : vector<16xi32>
    %mul3A_1019 = arith.constant 16 : i32
    %mul3A_1020 = vector.broadcast %mul3A_1019 : i32 to vector<16xi32>
    %mul3A_1021 = arith.muli %add3A_1018, %mul3A_1020 : vector<16xi32>
    %add3A_1022 = arith.constant 0 : i32
    %add3A_1023 = vector.broadcast %add3A_1022 : i32 to vector<16xi32>
    %add3A_1024 = arith.addi %mul3A_1021, %add3A_1023 : vector<16xi32>
    %gather3A_1025 = tpu.vector_load_idx %arg7[%add3A_1024] : memref<4096xf32, #tpu.memory_space<vmem>>[vector<16xi32>], vector<16xf32>,
    %add3A_1026 = arith.addf %broadcast_in_dim3A_31, %gather3A_1025 : vector<16xf32>
    %add3A_1027 = arith.constant 1 : i32
    %add3A_1028 = vector.broadcast %add3A_1027 : i32 to vector<16xi32>
    %add3A_1029 = arith.addi %mul3A_1021, %add3A_1028 : vector<16xi32>
    %gather3A_1030 = tpu.vector_load_idx %arg7[%add3A_1029] : memref<4096xf32, #tpu.memory_space<vmem>>[vector<16xi32>], vector<16xf32>,
    %add3A_1031 = arith.addf %add3A_1026, %gather3A_1030 : vector<16xf32>
    %add3A_1032 = arith.constant 2 : i32
    %add3A_1033 = vector.broadcast %add3A_1032 : i32 to vector<16xi32>
    %add3A_1034 = arith.addi %mul3A_1021, %add3A_1033 : vector<16xi32>
    %gather3A_1035 = tpu.vector_load_idx %arg7[%add3A_1034] : memref<4096xf32, #tpu.memory_space<vmem>>[vector<16xi32>], vector<16xf32>,
    %add3A_1036 = arith.addf %add3A_1031, %gather3A_1035 : vector<16xf32>
    %add3A_1037 = arith.constant 3 : i32
    %add3A_1038 = vector.broadcast %add3A_1037 : i32 to vector<16xi32>
    %add3A_1039 = arith.addi %mul3A_1021, %add3A_1038 : vector<16xi32>
    %gather3A_1040 = tpu.vector_load_idx %arg7[%add3A_1039] : memref<4096xf32, #tpu.memory_space<vmem>>[vector<16xi32>], vector<16xf32>,
    %add3A_1041 = arith.addf %add3A_1036, %gather3A_1040 : vector<16xf32>
    %add3A_1042 = arith.constant 4 : i32
    %add3A_1043 = vector.broadcast %add3A_1042 : i32 to vector<16xi32>
    %add3A_1044 = arith.addi %mul3A_1021, %add3A_1043 : vector<16xi32>
    %gather3A_1045 = tpu.vector_load_idx %arg7[%add3A_1044] : memref<4096xf32, #tpu.memory_space<vmem>>[vector<16xi32>], vector<16xf32>,
    %add3A_1046 = arith.addf %add3A_1041, %gather3A_1045 : vector<16xf32>
    %add3A_1047 = arith.constant 5 : i32
    %add3A_1048 = vector.broadcast %add3A_1047 : i32 to vector<16xi32>
    %add3A_1049 = arith.addi %mul3A_1021, %add3A_1048 : vector<16xi32>
    %gather3A_1050 = tpu.vector_load_idx %arg7[%add3A_1049] : memref<4096xf32, #tpu.memory_space<vmem>>[vector<16xi32>], vector<16xf32>,
    %add3A_1051 = arith.addf %add3A_1046, %gather3A_1050 : vector<16xf32>
    %add3A_1052 = arith.constant 6 : i32
    %add3A_1053 = vector.broadcast %add3A_1052 : i32 to vector<16xi32>
    %add3A_1054 = arith.addi %mul3A_1021, %add3A_1053 : vector<16xi32>
    %gather3A_1055 = tpu.vector_load_idx %arg7[%add3A_1054] : memref<4096xf32, #tpu.memory_space<vmem>>[vector<16xi32>], vector<16xf32>,
    %add3A_1056 = arith.addf %add3A_1051, %gather3A_1055 : vector<16xf32>
    %add3A_1057 = arith.constant 7 : i32
    %add3A_1058 = vector.broadcast %add3A_1057 : i32 to vector<16xi32>
    %add3A_1059 = arith.addi %mul3A_1021, %add3A_1058 : vector<16xi32>
    %gather3A_1060 = tpu.vector_load_idx %arg7[%add3A_1059] : memref<4096xf32, #tpu.memory_space<vmem>>[vector<16xi32>], vector<16xf32>,
    %add3A_1061 = arith.addf %add3A_1056, %gather3A_1060 : vector<16xf32>
    %add3A_1062 = arith.constant 8 : i32
    %add3A_1063 = vector.broadcast %add3A_1062 : i32 to vector<16xi32>
    %add3A_1064 = arith.addi %mul3A_1021, %add3A_1063 : vector<16xi32>
    %gather3A_1065 = tpu.vector_load_idx %arg7[%add3A_1064] : memref<4096xf32, #tpu.memory_space<vmem>>[vector<16xi32>], vector<16xf32>,
    %add3A_1066 = arith.addf %add3A_1061, %gather3A_1065 : vector<16xf32>
    %add3A_1067 = arith.constant 9 : i32
    %add3A_1068 = vector.broadcast %add3A_1067 : i32 to vector<16xi32>
    %add3A_1069 = arith.addi %mul3A_1021, %add3A_1068 : vector<16xi32>
    %gather3A_1070 = tpu.vector_load_idx %arg7[%add3A_1069] : memref<4096xf32, #tpu.memory_space<vmem>>[vector<16xi32>], vector<16xf32>,
    %add3A_1071 = arith.addf %add3A_1066, %gather3A_1070 : vector<16xf32>
    %add3A_1072 = arith.constant 10 : i32
    %add3A_1073 = vector.broadcast %add3A_1072 : i32 to vector<16xi32>
    %add3A_1074 = arith.addi %mul3A_1021, %add3A_1073 : vector<16xi32>
    %gather3A_1075 = tpu.vector_load_idx %arg7[%add3A_1074] : memref<4096xf32, #tpu.memory_space<vmem>>[vector<16xi32>], vector<16xf32>,
    %add3A_1076 = arith.addf %add3A_1071, %gather3A_1075 : vector<16xf32>
    %add3A_1077 = arith.constant 11 : i32
    %add3A_1078 = vector.broadcast %add3A_1077 : i32 to vector<16xi32>
    %add3A_1079 = arith.addi %mul3A_1021, %add3A_1078 : vector<16xi32>
    %gather3A_1080 = tpu.vector_load_idx %arg7[%add3A_1079] : memref<4096xf32, #tpu.memory_space<vmem>>[vector<16xi32>], vector<16xf32>,
    %add3A_1081 = arith.addf %add3A_1076, %gather3A_1080 : vector<16xf32>
    %add3A_1082 = arith.constant 12 : i32
    %add3A_1083 = vector.broadcast %add3A_1082 : i32 to vector<16xi32>
    %add3A_1084 = arith.addi %mul3A_1021, %add3A_1083 : vector<16xi32>
    %gather3A_1085 = tpu.vector_load_idx %arg7[%add3A_1084] : memref<4096xf32, #tpu.memory_space<vmem>>[vector<16xi32>], vector<16xf32>,
    %add3A_1086 = arith.addf %add3A_1081, %gather3A_1085 : vector<16xf32>
    %add3A_1087 = arith.constant 13 : i32
    %add3A_1088 = vector.broadcast %add3A_1087 : i32 to vector<16xi32>
    %add3A_1089 = arith.addi %mul3A_1021, %add3A_1088 : vector<16xi32>
    %gather3A_1090 = tpu.vector_load_idx %arg7[%add3A_1089] : memref<4096xf32, #tpu.memory_space<vmem>>[vector<16xi32>], vector<16xf32>,
    %add3A_1091 = arith.addf %add3A_1086, %gather3A_1090 : vector<16xf32>
    %add3A_1092 = arith.constant 14 : i32
    %add3A_1093 = vector.broadcast %add3A_1092 : i32 to vector<16xi32>
    %add3A_1094 = arith.addi %mul3A_1021, %add3A_1093 : vector<16xi32>
    %gather3A_1095 = tpu.vector_load_idx %arg7[%add3A_1094] : memref<4096xf32, #tpu.memory_space<vmem>>[vector<16xi32>], vector<16xf32>,
    %add3A_1096 = arith.addf %add3A_1091, %gather3A_1095 : vector<16xf32>
    %add3A_1097 = arith.constant 15 : i32
    %add3A_1098 = vector.broadcast %add3A_1097 : i32 to vector<16xi32>
    %add3A_1099 = arith.addi %mul3A_1021, %add3A_1098 : vector<16xi32>
    %gather3A_1100 = tpu.vector_load_idx %arg7[%add3A_1099] : memref<4096xf32, #tpu.memory_space<vmem>>[vector<16xi32>], vector<16xf32>,
    %add3A_1101 = arith.addf %add3A_1096, %gather3A_1100 : vector<16xf32>
    %swap3A_1102 = arith.constant 176 : index
    %swap3A_1103 = tpu.vector_load %arg8[%swap3A_1102] {strides = array<i32>} : memref<256xf32, #tpu.memory_space<vmem>>, vector<16xf32>,
    tpu.vector_store %arg8[%swap3A_1102], %add3A_1101 {strides = array<i32>} : memref<256xf32, #tpu.memory_space<vmem>>, vector<16xf32>,
    %add3A_1104 = arith.constant 192 : i32
    %add3A_1105 = vector.broadcast %add3A_1104 : i32 to vector<16xi32>
    %add3A_1106 = arith.addi %add3A_1105, %iota3A : vector<16xi32>
    %mul3A_1107 = arith.constant 16 : i32
    %mul3A_1108 = vector.broadcast %mul3A_1107 : i32 to vector<16xi32>
    %mul3A_1109 = arith.muli %add3A_1106, %mul3A_1108 : vector<16xi32>
    %add3A_1110 = arith.constant 0 : i32
    %add3A_1111 = vector.broadcast %add3A_1110 : i32 to vector<16xi32>
    %add3A_1112 = arith.addi %mul3A_1109, %add3A_1111 : vector<16xi32>
    %gather3A_1113 = tpu.vector_load_idx %arg7[%add3A_1112] : memref<4096xf32, #tpu.memory_space<vmem>>[vector<16xi32>], vector<16xf32>,
    %add3A_1114 = arith.addf %broadcast_in_dim3A_31, %gather3A_1113 : vector<16xf32>
    %add3A_1115 = arith.constant 1 : i32
    %add3A_1116 = vector.broadcast %add3A_1115 : i32 to vector<16xi32>
    %add3A_1117 = arith.addi %mul3A_1109, %add3A_1116 : vector<16xi32>
    %gather3A_1118 = tpu.vector_load_idx %arg7[%add3A_1117] : memref<4096xf32, #tpu.memory_space<vmem>>[vector<16xi32>], vector<16xf32>,
    %add3A_1119 = arith.addf %add3A_1114, %gather3A_1118 : vector<16xf32>
    %add3A_1120 = arith.constant 2 : i32
    %add3A_1121 = vector.broadcast %add3A_1120 : i32 to vector<16xi32>
    %add3A_1122 = arith.addi %mul3A_1109, %add3A_1121 : vector<16xi32>
    %gather3A_1123 = tpu.vector_load_idx %arg7[%add3A_1122] : memref<4096xf32, #tpu.memory_space<vmem>>[vector<16xi32>], vector<16xf32>,
    %add3A_1124 = arith.addf %add3A_1119, %gather3A_1123 : vector<16xf32>
    %add3A_1125 = arith.constant 3 : i32
    %add3A_1126 = vector.broadcast %add3A_1125 : i32 to vector<16xi32>
    %add3A_1127 = arith.addi %mul3A_1109, %add3A_1126 : vector<16xi32>
    %gather3A_1128 = tpu.vector_load_idx %arg7[%add3A_1127] : memref<4096xf32, #tpu.memory_space<vmem>>[vector<16xi32>], vector<16xf32>,
    %add3A_1129 = arith.addf %add3A_1124, %gather3A_1128 : vector<16xf32>
    %add3A_1130 = arith.constant 4 : i32
    %add3A_1131 = vector.broadcast %add3A_1130 : i32 to vector<16xi32>
    %add3A_1132 = arith.addi %mul3A_1109, %add3A_1131 : vector<16xi32>
    %gather3A_1133 = tpu.vector_load_idx %arg7[%add3A_1132] : memref<4096xf32, #tpu.memory_space<vmem>>[vector<16xi32>], vector<16xf32>,
    %add3A_1134 = arith.addf %add3A_1129, %gather3A_1133 : vector<16xf32>
    %add3A_1135 = arith.constant 5 : i32
    %add3A_1136 = vector.broadcast %add3A_1135 : i32 to vector<16xi32>
    %add3A_1137 = arith.addi %mul3A_1109, %add3A_1136 : vector<16xi32>
    %gather3A_1138 = tpu.vector_load_idx %arg7[%add3A_1137] : memref<4096xf32, #tpu.memory_space<vmem>>[vector<16xi32>], vector<16xf32>,
    %add3A_1139 = arith.addf %add3A_1134, %gather3A_1138 : vector<16xf32>
    %add3A_1140 = arith.constant 6 : i32
    %add3A_1141 = vector.broadcast %add3A_1140 : i32 to vector<16xi32>
    %add3A_1142 = arith.addi %mul3A_1109, %add3A_1141 : vector<16xi32>
    %gather3A_1143 = tpu.vector_load_idx %arg7[%add3A_1142] : memref<4096xf32, #tpu.memory_space<vmem>>[vector<16xi32>], vector<16xf32>,
    %add3A_1144 = arith.addf %add3A_1139, %gather3A_1143 : vector<16xf32>
    %add3A_1145 = arith.constant 7 : i32
    %add3A_1146 = vector.broadcast %add3A_1145 : i32 to vector<16xi32>
    %add3A_1147 = arith.addi %mul3A_1109, %add3A_1146 : vector<16xi32>
    %gather3A_1148 = tpu.vector_load_idx %arg7[%add3A_1147] : memref<4096xf32, #tpu.memory_space<vmem>>[vector<16xi32>], vector<16xf32>,
    %add3A_1149 = arith.addf %add3A_1144, %gather3A_1148 : vector<16xf32>
    %add3A_1150 = arith.constant 8 : i32
    %add3A_1151 = vector.broadcast %add3A_1150 : i32 to vector<16xi32>
    %add3A_1152 = arith.addi %mul3A_1109, %add3A_1151 : vector<16xi32>
    %gather3A_1153 = tpu.vector_load_idx %arg7[%add3A_1152] : memref<4096xf32, #tpu.memory_space<vmem>>[vector<16xi32>], vector<16xf32>,
    %add3A_1154 = arith.addf %add3A_1149, %gather3A_1153 : vector<16xf32>
    %add3A_1155 = arith.constant 9 : i32
    %add3A_1156 = vector.broadcast %add3A_1155 : i32 to vector<16xi32>
    %add3A_1157 = arith.addi %mul3A_1109, %add3A_1156 : vector<16xi32>
    %gather3A_1158 = tpu.vector_load_idx %arg7[%add3A_1157] : memref<4096xf32, #tpu.memory_space<vmem>>[vector<16xi32>], vector<16xf32>,
    %add3A_1159 = arith.addf %add3A_1154, %gather3A_1158 : vector<16xf32>
    %add3A_1160 = arith.constant 10 : i32
    %add3A_1161 = vector.broadcast %add3A_1160 : i32 to vector<16xi32>
    %add3A_1162 = arith.addi %mul3A_1109, %add3A_1161 : vector<16xi32>
    %gather3A_1163 = tpu.vector_load_idx %arg7[%add3A_1162] : memref<4096xf32, #tpu.memory_space<vmem>>[vector<16xi32>], vector<16xf32>,
    %add3A_1164 = arith.addf %add3A_1159, %gather3A_1163 : vector<16xf32>
    %add3A_1165 = arith.constant 11 : i32
    %add3A_1166 = vector.broadcast %add3A_1165 : i32 to vector<16xi32>
    %add3A_1167 = arith.addi %mul3A_1109, %add3A_1166 : vector<16xi32>
    %gather3A_1168 = tpu.vector_load_idx %arg7[%add3A_1167] : memref<4096xf32, #tpu.memory_space<vmem>>[vector<16xi32>], vector<16xf32>,
    %add3A_1169 = arith.addf %add3A_1164, %gather3A_1168 : vector<16xf32>
    %add3A_1170 = arith.constant 12 : i32
    %add3A_1171 = vector.broadcast %add3A_1170 : i32 to vector<16xi32>
    %add3A_1172 = arith.addi %mul3A_1109, %add3A_1171 : vector<16xi32>
    %gather3A_1173 = tpu.vector_load_idx %arg7[%add3A_1172] : memref<4096xf32, #tpu.memory_space<vmem>>[vector<16xi32>], vector<16xf32>,
    %add3A_1174 = arith.addf %add3A_1169, %gather3A_1173 : vector<16xf32>
    %add3A_1175 = arith.constant 13 : i32
    %add3A_1176 = vector.broadcast %add3A_1175 : i32 to vector<16xi32>
    %add3A_1177 = arith.addi %mul3A_1109, %add3A_1176 : vector<16xi32>
    %gather3A_1178 = tpu.vector_load_idx %arg7[%add3A_1177] : memref<4096xf32, #tpu.memory_space<vmem>>[vector<16xi32>], vector<16xf32>,
    %add3A_1179 = arith.addf %add3A_1174, %gather3A_1178 : vector<16xf32>
    %add3A_1180 = arith.constant 14 : i32
    %add3A_1181 = vector.broadcast %add3A_1180 : i32 to vector<16xi32>
    %add3A_1182 = arith.addi %mul3A_1109, %add3A_1181 : vector<16xi32>
    %gather3A_1183 = tpu.vector_load_idx %arg7[%add3A_1182] : memref<4096xf32, #tpu.memory_space<vmem>>[vector<16xi32>], vector<16xf32>,
    %add3A_1184 = arith.addf %add3A_1179, %gather3A_1183 : vector<16xf32>
    %add3A_1185 = arith.constant 15 : i32
    %add3A_1186 = vector.broadcast %add3A_1185 : i32 to vector<16xi32>
    %add3A_1187 = arith.addi %mul3A_1109, %add3A_1186 : vector<16xi32>
    %gather3A_1188 = tpu.vector_load_idx %arg7[%add3A_1187] : memref<4096xf32, #tpu.memory_space<vmem>>[vector<16xi32>], vector<16xf32>,
    %add3A_1189 = arith.addf %add3A_1184, %gather3A_1188 : vector<16xf32>
    %swap3A_1190 = arith.constant 192 : index
    %swap3A_1191 = tpu.vector_load %arg8[%swap3A_1190] {strides = array<i32>} : memref<256xf32, #tpu.memory_space<vmem>>, vector<16xf32>,
    tpu.vector_store %arg8[%swap3A_1190], %add3A_1189 {strides = array<i32>} : memref<256xf32, #tpu.memory_space<vmem>>, vector<16xf32>,
    %add3A_1192 = arith.constant 208 : i32
    %add3A_1193 = vector.broadcast %add3A_1192 : i32 to vector<16xi32>
    %add3A_1194 = arith.addi %add3A_1193, %iota3A : vector<16xi32>
    %mul3A_1195 = arith.constant 16 : i32
    %mul3A_1196 = vector.broadcast %mul3A_1195 : i32 to vector<16xi32>
    %mul3A_1197 = arith.muli %add3A_1194, %mul3A_1196 : vector<16xi32>
    %add3A_1198 = arith.constant 0 : i32
    %add3A_1199 = vector.broadcast %add3A_1198 : i32 to vector<16xi32>
    %add3A_1200 = arith.addi %mul3A_1197, %add3A_1199 : vector<16xi32>
    %gather3A_1201 = tpu.vector_load_idx %arg7[%add3A_1200] : memref<4096xf32, #tpu.memory_space<vmem>>[vector<16xi32>], vector<16xf32>,
    %add3A_1202 = arith.addf %broadcast_in_dim3A_31, %gather3A_1201 : vector<16xf32>
    %add3A_1203 = arith.constant 1 : i32
    %add3A_1204 = vector.broadcast %add3A_1203 : i32 to vector<16xi32>
    %add3A_1205 = arith.addi %mul3A_1197, %add3A_1204 : vector<16xi32>
    %gather3A_1206 = tpu.vector_load_idx %arg7[%add3A_1205] : memref<4096xf32, #tpu.memory_space<vmem>>[vector<16xi32>], vector<16xf32>,
    %add3A_1207 = arith.addf %add3A_1202, %gather3A_1206 : vector<16xf32>
    %add3A_1208 = arith.constant 2 : i32
    %add3A_1209 = vector.broadcast %add3A_1208 : i32 to vector<16xi32>
    %add3A_1210 = arith.addi %mul3A_1197, %add3A_1209 : vector<16xi32>
    %gather3A_1211 = tpu.vector_load_idx %arg7[%add3A_1210] : memref<4096xf32, #tpu.memory_space<vmem>>[vector<16xi32>], vector<16xf32>,
    %add3A_1212 = arith.addf %add3A_1207, %gather3A_1211 : vector<16xf32>
    %add3A_1213 = arith.constant 3 : i32
    %add3A_1214 = vector.broadcast %add3A_1213 : i32 to vector<16xi32>
    %add3A_1215 = arith.addi %mul3A_1197, %add3A_1214 : vector<16xi32>
    %gather3A_1216 = tpu.vector_load_idx %arg7[%add3A_1215] : memref<4096xf32, #tpu.memory_space<vmem>>[vector<16xi32>], vector<16xf32>,
    %add3A_1217 = arith.addf %add3A_1212, %gather3A_1216 : vector<16xf32>
    %add3A_1218 = arith.constant 4 : i32
    %add3A_1219 = vector.broadcast %add3A_1218 : i32 to vector<16xi32>
    %add3A_1220 = arith.addi %mul3A_1197, %add3A_1219 : vector<16xi32>
    %gather3A_1221 = tpu.vector_load_idx %arg7[%add3A_1220] : memref<4096xf32, #tpu.memory_space<vmem>>[vector<16xi32>], vector<16xf32>,
    %add3A_1222 = arith.addf %add3A_1217, %gather3A_1221 : vector<16xf32>
    %add3A_1223 = arith.constant 5 : i32
    %add3A_1224 = vector.broadcast %add3A_1223 : i32 to vector<16xi32>
    %add3A_1225 = arith.addi %mul3A_1197, %add3A_1224 : vector<16xi32>
    %gather3A_1226 = tpu.vector_load_idx %arg7[%add3A_1225] : memref<4096xf32, #tpu.memory_space<vmem>>[vector<16xi32>], vector<16xf32>,
    %add3A_1227 = arith.addf %add3A_1222, %gather3A_1226 : vector<16xf32>
    %add3A_1228 = arith.constant 6 : i32
    %add3A_1229 = vector.broadcast %add3A_1228 : i32 to vector<16xi32>
    %add3A_1230 = arith.addi %mul3A_1197, %add3A_1229 : vector<16xi32>
    %gather3A_1231 = tpu.vector_load_idx %arg7[%add3A_1230] : memref<4096xf32, #tpu.memory_space<vmem>>[vector<16xi32>], vector<16xf32>,
    %add3A_1232 = arith.addf %add3A_1227, %gather3A_1231 : vector<16xf32>
    %add3A_1233 = arith.constant 7 : i32
    %add3A_1234 = vector.broadcast %add3A_1233 : i32 to vector<16xi32>
    %add3A_1235 = arith.addi %mul3A_1197, %add3A_1234 : vector<16xi32>
    %gather3A_1236 = tpu.vector_load_idx %arg7[%add3A_1235] : memref<4096xf32, #tpu.memory_space<vmem>>[vector<16xi32>], vector<16xf32>,
    %add3A_1237 = arith.addf %add3A_1232, %gather3A_1236 : vector<16xf32>
    %add3A_1238 = arith.constant 8 : i32
    %add3A_1239 = vector.broadcast %add3A_1238 : i32 to vector<16xi32>
    %add3A_1240 = arith.addi %mul3A_1197, %add3A_1239 : vector<16xi32>
    %gather3A_1241 = tpu.vector_load_idx %arg7[%add3A_1240] : memref<4096xf32, #tpu.memory_space<vmem>>[vector<16xi32>], vector<16xf32>,
    %add3A_1242 = arith.addf %add3A_1237, %gather3A_1241 : vector<16xf32>
    %add3A_1243 = arith.constant 9 : i32
    %add3A_1244 = vector.broadcast %add3A_1243 : i32 to vector<16xi32>
    %add3A_1245 = arith.addi %mul3A_1197, %add3A_1244 : vector<16xi32>
    %gather3A_1246 = tpu.vector_load_idx %arg7[%add3A_1245] : memref<4096xf32, #tpu.memory_space<vmem>>[vector<16xi32>], vector<16xf32>,
    %add3A_1247 = arith.addf %add3A_1242, %gather3A_1246 : vector<16xf32>
    %add3A_1248 = arith.constant 10 : i32
    %add3A_1249 = vector.broadcast %add3A_1248 : i32 to vector<16xi32>
    %add3A_1250 = arith.addi %mul3A_1197, %add3A_1249 : vector<16xi32>
    %gather3A_1251 = tpu.vector_load_idx %arg7[%add3A_1250] : memref<4096xf32, #tpu.memory_space<vmem>>[vector<16xi32>], vector<16xf32>,
    %add3A_1252 = arith.addf %add3A_1247, %gather3A_1251 : vector<16xf32>
    %add3A_1253 = arith.constant 11 : i32
    %add3A_1254 = vector.broadcast %add3A_1253 : i32 to vector<16xi32>
    %add3A_1255 = arith.addi %mul3A_1197, %add3A_1254 : vector<16xi32>
    %gather3A_1256 = tpu.vector_load_idx %arg7[%add3A_1255] : memref<4096xf32, #tpu.memory_space<vmem>>[vector<16xi32>], vector<16xf32>,
    %add3A_1257 = arith.addf %add3A_1252, %gather3A_1256 : vector<16xf32>
    %add3A_1258 = arith.constant 12 : i32
    %add3A_1259 = vector.broadcast %add3A_1258 : i32 to vector<16xi32>
    %add3A_1260 = arith.addi %mul3A_1197, %add3A_1259 : vector<16xi32>
    %gather3A_1261 = tpu.vector_load_idx %arg7[%add3A_1260] : memref<4096xf32, #tpu.memory_space<vmem>>[vector<16xi32>], vector<16xf32>,
    %add3A_1262 = arith.addf %add3A_1257, %gather3A_1261 : vector<16xf32>
    %add3A_1263 = arith.constant 13 : i32
    %add3A_1264 = vector.broadcast %add3A_1263 : i32 to vector<16xi32>
    %add3A_1265 = arith.addi %mul3A_1197, %add3A_1264 : vector<16xi32>
    %gather3A_1266 = tpu.vector_load_idx %arg7[%add3A_1265] : memref<4096xf32, #tpu.memory_space<vmem>>[vector<16xi32>], vector<16xf32>,
    %add3A_1267 = arith.addf %add3A_1262, %gather3A_1266 : vector<16xf32>
    %add3A_1268 = arith.constant 14 : i32
    %add3A_1269 = vector.broadcast %add3A_1268 : i32 to vector<16xi32>
    %add3A_1270 = arith.addi %mul3A_1197, %add3A_1269 : vector<16xi32>
    %gather3A_1271 = tpu.vector_load_idx %arg7[%add3A_1270] : memref<4096xf32, #tpu.memory_space<vmem>>[vector<16xi32>], vector<16xf32>,
    %add3A_1272 = arith.addf %add3A_1267, %gather3A_1271 : vector<16xf32>
    %add3A_1273 = arith.constant 15 : i32
    %add3A_1274 = vector.broadcast %add3A_1273 : i32 to vector<16xi32>
    %add3A_1275 = arith.addi %mul3A_1197, %add3A_1274 : vector<16xi32>
    %gather3A_1276 = tpu.vector_load_idx %arg7[%add3A_1275] : memref<4096xf32, #tpu.memory_space<vmem>>[vector<16xi32>], vector<16xf32>,
    %add3A_1277 = arith.addf %add3A_1272, %gather3A_1276 : vector<16xf32>
    %swap3A_1278 = arith.constant 208 : index
    %swap3A_1279 = tpu.vector_load %arg8[%swap3A_1278] {strides = array<i32>} : memref<256xf32, #tpu.memory_space<vmem>>, vector<16xf32>,
    tpu.vector_store %arg8[%swap3A_1278], %add3A_1277 {strides = array<i32>} : memref<256xf32, #tpu.memory_space<vmem>>, vector<16xf32>,
    %add3A_1280 = arith.constant 224 : i32
    %add3A_1281 = vector.broadcast %add3A_1280 : i32 to vector<16xi32>
    %add3A_1282 = arith.addi %add3A_1281, %iota3A : vector<16xi32>
    %mul3A_1283 = arith.constant 16 : i32
    %mul3A_1284 = vector.broadcast %mul3A_1283 : i32 to vector<16xi32>
    %mul3A_1285 = arith.muli %add3A_1282, %mul3A_1284 : vector<16xi32>
    %add3A_1286 = arith.constant 0 : i32
    %add3A_1287 = vector.broadcast %add3A_1286 : i32 to vector<16xi32>
    %add3A_1288 = arith.addi %mul3A_1285, %add3A_1287 : vector<16xi32>
    %gather3A_1289 = tpu.vector_load_idx %arg7[%add3A_1288] : memref<4096xf32, #tpu.memory_space<vmem>>[vector<16xi32>], vector<16xf32>,
    %add3A_1290 = arith.addf %broadcast_in_dim3A_31, %gather3A_1289 : vector<16xf32>
    %add3A_1291 = arith.constant 1 : i32
    %add3A_1292 = vector.broadcast %add3A_1291 : i32 to vector<16xi32>
    %add3A_1293 = arith.addi %mul3A_1285, %add3A_1292 : vector<16xi32>
    %gather3A_1294 = tpu.vector_load_idx %arg7[%add3A_1293] : memref<4096xf32, #tpu.memory_space<vmem>>[vector<16xi32>], vector<16xf32>,
    %add3A_1295 = arith.addf %add3A_1290, %gather3A_1294 : vector<16xf32>
    %add3A_1296 = arith.constant 2 : i32
    %add3A_1297 = vector.broadcast %add3A_1296 : i32 to vector<16xi32>
    %add3A_1298 = arith.addi %mul3A_1285, %add3A_1297 : vector<16xi32>
    %gather3A_1299 = tpu.vector_load_idx %arg7[%add3A_1298] : memref<4096xf32, #tpu.memory_space<vmem>>[vector<16xi32>], vector<16xf32>,
    %add3A_1300 = arith.addf %add3A_1295, %gather3A_1299 : vector<16xf32>
    %add3A_1301 = arith.constant 3 : i32
    %add3A_1302 = vector.broadcast %add3A_1301 : i32 to vector<16xi32>
    %add3A_1303 = arith.addi %mul3A_1285, %add3A_1302 : vector<16xi32>
    %gather3A_1304 = tpu.vector_load_idx %arg7[%add3A_1303] : memref<4096xf32, #tpu.memory_space<vmem>>[vector<16xi32>], vector<16xf32>,
    %add3A_1305 = arith.addf %add3A_1300, %gather3A_1304 : vector<16xf32>
    %add3A_1306 = arith.constant 4 : i32
    %add3A_1307 = vector.broadcast %add3A_1306 : i32 to vector<16xi32>
    %add3A_1308 = arith.addi %mul3A_1285, %add3A_1307 : vector<16xi32>
    %gather3A_1309 = tpu.vector_load_idx %arg7[%add3A_1308] : memref<4096xf32, #tpu.memory_space<vmem>>[vector<16xi32>], vector<16xf32>,
    %add3A_1310 = arith.addf %add3A_1305, %gather3A_1309 : vector<16xf32>
    %add3A_1311 = arith.constant 5 : i32
    %add3A_1312 = vector.broadcast %add3A_1311 : i32 to vector<16xi32>
    %add3A_1313 = arith.addi %mul3A_1285, %add3A_1312 : vector<16xi32>
    %gather3A_1314 = tpu.vector_load_idx %arg7[%add3A_1313] : memref<4096xf32, #tpu.memory_space<vmem>>[vector<16xi32>], vector<16xf32>,
    %add3A_1315 = arith.addf %add3A_1310, %gather3A_1314 : vector<16xf32>
    %add3A_1316 = arith.constant 6 : i32
    %add3A_1317 = vector.broadcast %add3A_1316 : i32 to vector<16xi32>
    %add3A_1318 = arith.addi %mul3A_1285, %add3A_1317 : vector<16xi32>
    %gather3A_1319 = tpu.vector_load_idx %arg7[%add3A_1318] : memref<4096xf32, #tpu.memory_space<vmem>>[vector<16xi32>], vector<16xf32>,
    %add3A_1320 = arith.addf %add3A_1315, %gather3A_1319 : vector<16xf32>
    %add3A_1321 = arith.constant 7 : i32
    %add3A_1322 = vector.broadcast %add3A_1321 : i32 to vector<16xi32>
    %add3A_1323 = arith.addi %mul3A_1285, %add3A_1322 : vector<16xi32>
    %gather3A_1324 = tpu.vector_load_idx %arg7[%add3A_1323] : memref<4096xf32, #tpu.memory_space<vmem>>[vector<16xi32>], vector<16xf32>,
    %add3A_1325 = arith.addf %add3A_1320, %gather3A_1324 : vector<16xf32>
    %add3A_1326 = arith.constant 8 : i32
    %add3A_1327 = vector.broadcast %add3A_1326 : i32 to vector<16xi32>
    %add3A_1328 = arith.addi %mul3A_1285, %add3A_1327 : vector<16xi32>
    %gather3A_1329 = tpu.vector_load_idx %arg7[%add3A_1328] : memref<4096xf32, #tpu.memory_space<vmem>>[vector<16xi32>], vector<16xf32>,
    %add3A_1330 = arith.addf %add3A_1325, %gather3A_1329 : vector<16xf32>
    %add3A_1331 = arith.constant 9 : i32
    %add3A_1332 = vector.broadcast %add3A_1331 : i32 to vector<16xi32>
    %add3A_1333 = arith.addi %mul3A_1285, %add3A_1332 : vector<16xi32>
    %gather3A_1334 = tpu.vector_load_idx %arg7[%add3A_1333] : memref<4096xf32, #tpu.memory_space<vmem>>[vector<16xi32>], vector<16xf32>,
    %add3A_1335 = arith.addf %add3A_1330, %gather3A_1334 : vector<16xf32>
    %add3A_1336 = arith.constant 10 : i32
    %add3A_1337 = vector.broadcast %add3A_1336 : i32 to vector<16xi32>
    %add3A_1338 = arith.addi %mul3A_1285, %add3A_1337 : vector<16xi32>
    %gather3A_1339 = tpu.vector_load_idx %arg7[%add3A_1338] : memref<4096xf32, #tpu.memory_space<vmem>>[vector<16xi32>], vector<16xf32>,
    %add3A_1340 = arith.addf %add3A_1335, %gather3A_1339 : vector<16xf32>
    %add3A_1341 = arith.constant 11 : i32
    %add3A_1342 = vector.broadcast %add3A_1341 : i32 to vector<16xi32>
    %add3A_1343 = arith.addi %mul3A_1285, %add3A_1342 : vector<16xi32>
    %gather3A_1344 = tpu.vector_load_idx %arg7[%add3A_1343] : memref<4096xf32, #tpu.memory_space<vmem>>[vector<16xi32>], vector<16xf32>,
    %add3A_1345 = arith.addf %add3A_1340, %gather3A_1344 : vector<16xf32>
    %add3A_1346 = arith.constant 12 : i32
    %add3A_1347 = vector.broadcast %add3A_1346 : i32 to vector<16xi32>
    %add3A_1348 = arith.addi %mul3A_1285, %add3A_1347 : vector<16xi32>
    %gather3A_1349 = tpu.vector_load_idx %arg7[%add3A_1348] : memref<4096xf32, #tpu.memory_space<vmem>>[vector<16xi32>], vector<16xf32>,
    %add3A_1350 = arith.addf %add3A_1345, %gather3A_1349 : vector<16xf32>
    %add3A_1351 = arith.constant 13 : i32
    %add3A_1352 = vector.broadcast %add3A_1351 : i32 to vector<16xi32>
    %add3A_1353 = arith.addi %mul3A_1285, %add3A_1352 : vector<16xi32>
    %gather3A_1354 = tpu.vector_load_idx %arg7[%add3A_1353] : memref<4096xf32, #tpu.memory_space<vmem>>[vector<16xi32>], vector<16xf32>,
    %add3A_1355 = arith.addf %add3A_1350, %gather3A_1354 : vector<16xf32>
    %add3A_1356 = arith.constant 14 : i32
    %add3A_1357 = vector.broadcast %add3A_1356 : i32 to vector<16xi32>
    %add3A_1358 = arith.addi %mul3A_1285, %add3A_1357 : vector<16xi32>
    %gather3A_1359 = tpu.vector_load_idx %arg7[%add3A_1358] : memref<4096xf32, #tpu.memory_space<vmem>>[vector<16xi32>], vector<16xf32>,
    %add3A_1360 = arith.addf %add3A_1355, %gather3A_1359 : vector<16xf32>
    %add3A_1361 = arith.constant 15 : i32
    %add3A_1362 = vector.broadcast %add3A_1361 : i32 to vector<16xi32>
    %add3A_1363 = arith.addi %mul3A_1285, %add3A_1362 : vector<16xi32>
    %gather3A_1364 = tpu.vector_load_idx %arg7[%add3A_1363] : memref<4096xf32, #tpu.memory_space<vmem>>[vector<16xi32>], vector<16xf32>,
    %add3A_1365 = arith.addf %add3A_1360, %gather3A_1364 : vector<16xf32>
    %swap3A_1366 = arith.constant 224 : index
    %swap3A_1367 = tpu.vector_load %arg8[%swap3A_1366] {strides = array<i32>} : memref<256xf32, #tpu.memory_space<vmem>>, vector<16xf32>,
    tpu.vector_store %arg8[%swap3A_1366], %add3A_1365 {strides = array<i32>} : memref<256xf32, #tpu.memory_space<vmem>>, vector<16xf32>,
    %add3A_1368 = arith.constant 240 : i32
    %add3A_1369 = vector.broadcast %add3A_1368 : i32 to vector<16xi32>
    %add3A_1370 = arith.addi %add3A_1369, %iota3A : vector<16xi32>
    %mul3A_1371 = arith.constant 16 : i32
    %mul3A_1372 = vector.broadcast %mul3A_1371 : i32 to vector<16xi32>
    %mul3A_1373 = arith.muli %add3A_1370, %mul3A_1372 : vector<16xi32>
    %add3A_1374 = arith.constant 0 : i32
    %add3A_1375 = vector.broadcast %add3A_1374 : i32 to vector<16xi32>
    %add3A_1376 = arith.addi %mul3A_1373, %add3A_1375 : vector<16xi32>
    %gather3A_1377 = tpu.vector_load_idx %arg7[%add3A_1376] : memref<4096xf32, #tpu.memory_space<vmem>>[vector<16xi32>], vector<16xf32>,
    %add3A_1378 = arith.addf %broadcast_in_dim3A_31, %gather3A_1377 : vector<16xf32>
    %add3A_1379 = arith.constant 1 : i32
    %add3A_1380 = vector.broadcast %add3A_1379 : i32 to vector<16xi32>
    %add3A_1381 = arith.addi %mul3A_1373, %add3A_1380 : vector<16xi32>
    %gather3A_1382 = tpu.vector_load_idx %arg7[%add3A_1381] : memref<4096xf32, #tpu.memory_space<vmem>>[vector<16xi32>], vector<16xf32>,
    %add3A_1383 = arith.addf %add3A_1378, %gather3A_1382 : vector<16xf32>
    %add3A_1384 = arith.constant 2 : i32
    %add3A_1385 = vector.broadcast %add3A_1384 : i32 to vector<16xi32>
    %add3A_1386 = arith.addi %mul3A_1373, %add3A_1385 : vector<16xi32>
    %gather3A_1387 = tpu.vector_load_idx %arg7[%add3A_1386] : memref<4096xf32, #tpu.memory_space<vmem>>[vector<16xi32>], vector<16xf32>,
    %add3A_1388 = arith.addf %add3A_1383, %gather3A_1387 : vector<16xf32>
    %add3A_1389 = arith.constant 3 : i32
    %add3A_1390 = vector.broadcast %add3A_1389 : i32 to vector<16xi32>
    %add3A_1391 = arith.addi %mul3A_1373, %add3A_1390 : vector<16xi32>
    %gather3A_1392 = tpu.vector_load_idx %arg7[%add3A_1391] : memref<4096xf32, #tpu.memory_space<vmem>>[vector<16xi32>], vector<16xf32>,
    %add3A_1393 = arith.addf %add3A_1388, %gather3A_1392 : vector<16xf32>
    %add3A_1394 = arith.constant 4 : i32
    %add3A_1395 = vector.broadcast %add3A_1394 : i32 to vector<16xi32>
    %add3A_1396 = arith.addi %mul3A_1373, %add3A_1395 : vector<16xi32>
    %gather3A_1397 = tpu.vector_load_idx %arg7[%add3A_1396] : memref<4096xf32, #tpu.memory_space<vmem>>[vector<16xi32>], vector<16xf32>,
    %add3A_1398 = arith.addf %add3A_1393, %gather3A_1397 : vector<16xf32>
    %add3A_1399 = arith.constant 5 : i32
    %add3A_1400 = vector.broadcast %add3A_1399 : i32 to vector<16xi32>
    %add3A_1401 = arith.addi %mul3A_1373, %add3A_1400 : vector<16xi32>
    %gather3A_1402 = tpu.vector_load_idx %arg7[%add3A_1401] : memref<4096xf32, #tpu.memory_space<vmem>>[vector<16xi32>], vector<16xf32>,
    %add3A_1403 = arith.addf %add3A_1398, %gather3A_1402 : vector<16xf32>
    %add3A_1404 = arith.constant 6 : i32
    %add3A_1405 = vector.broadcast %add3A_1404 : i32 to vector<16xi32>
    %add3A_1406 = arith.addi %mul3A_1373, %add3A_1405 : vector<16xi32>
    %gather3A_1407 = tpu.vector_load_idx %arg7[%add3A_1406] : memref<4096xf32, #tpu.memory_space<vmem>>[vector<16xi32>], vector<16xf32>,
    %add3A_1408 = arith.addf %add3A_1403, %gather3A_1407 : vector<16xf32>
    %add3A_1409 = arith.constant 7 : i32
    %add3A_1410 = vector.broadcast %add3A_1409 : i32 to vector<16xi32>
    %add3A_1411 = arith.addi %mul3A_1373, %add3A_1410 : vector<16xi32>
    %gather3A_1412 = tpu.vector_load_idx %arg7[%add3A_1411] : memref<4096xf32, #tpu.memory_space<vmem>>[vector<16xi32>], vector<16xf32>,
    %add3A_1413 = arith.addf %add3A_1408, %gather3A_1412 : vector<16xf32>
    %add3A_1414 = arith.constant 8 : i32
    %add3A_1415 = vector.broadcast %add3A_1414 : i32 to vector<16xi32>
    %add3A_1416 = arith.addi %mul3A_1373, %add3A_1415 : vector<16xi32>
    %gather3A_1417 = tpu.vector_load_idx %arg7[%add3A_1416] : memref<4096xf32, #tpu.memory_space<vmem>>[vector<16xi32>], vector<16xf32>,
    %add3A_1418 = arith.addf %add3A_1413, %gather3A_1417 : vector<16xf32>
    %add3A_1419 = arith.constant 9 : i32
    %add3A_1420 = vector.broadcast %add3A_1419 : i32 to vector<16xi32>
    %add3A_1421 = arith.addi %mul3A_1373, %add3A_1420 : vector<16xi32>
    %gather3A_1422 = tpu.vector_load_idx %arg7[%add3A_1421] : memref<4096xf32, #tpu.memory_space<vmem>>[vector<16xi32>], vector<16xf32>,
    %add3A_1423 = arith.addf %add3A_1418, %gather3A_1422 : vector<16xf32>
    %add3A_1424 = arith.constant 10 : i32
    %add3A_1425 = vector.broadcast %add3A_1424 : i32 to vector<16xi32>
    %add3A_1426 = arith.addi %mul3A_1373, %add3A_1425 : vector<16xi32>
    %gather3A_1427 = tpu.vector_load_idx %arg7[%add3A_1426] : memref<4096xf32, #tpu.memory_space<vmem>>[vector<16xi32>], vector<16xf32>,
    %add3A_1428 = arith.addf %add3A_1423, %gather3A_1427 : vector<16xf32>
    %add3A_1429 = arith.constant 11 : i32
    %add3A_1430 = vector.broadcast %add3A_1429 : i32 to vector<16xi32>
    %add3A_1431 = arith.addi %mul3A_1373, %add3A_1430 : vector<16xi32>
    %gather3A_1432 = tpu.vector_load_idx %arg7[%add3A_1431] : memref<4096xf32, #tpu.memory_space<vmem>>[vector<16xi32>], vector<16xf32>,
    %add3A_1433 = arith.addf %add3A_1428, %gather3A_1432 : vector<16xf32>
    %add3A_1434 = arith.constant 12 : i32
    %add3A_1435 = vector.broadcast %add3A_1434 : i32 to vector<16xi32>
    %add3A_1436 = arith.addi %mul3A_1373, %add3A_1435 : vector<16xi32>
    %gather3A_1437 = tpu.vector_load_idx %arg7[%add3A_1436] : memref<4096xf32, #tpu.memory_space<vmem>>[vector<16xi32>], vector<16xf32>,
    %add3A_1438 = arith.addf %add3A_1433, %gather3A_1437 : vector<16xf32>
    %add3A_1439 = arith.constant 13 : i32
    %add3A_1440 = vector.broadcast %add3A_1439 : i32 to vector<16xi32>
    %add3A_1441 = arith.addi %mul3A_1373, %add3A_1440 : vector<16xi32>
    %gather3A_1442 = tpu.vector_load_idx %arg7[%add3A_1441] : memref<4096xf32, #tpu.memory_space<vmem>>[vector<16xi32>], vector<16xf32>,
    %add3A_1443 = arith.addf %add3A_1438, %gather3A_1442 : vector<16xf32>
    %add3A_1444 = arith.constant 14 : i32
    %add3A_1445 = vector.broadcast %add3A_1444 : i32 to vector<16xi32>
    %add3A_1446 = arith.addi %mul3A_1373, %add3A_1445 : vector<16xi32>
    %gather3A_1447 = tpu.vector_load_idx %arg7[%add3A_1446] : memref<4096xf32, #tpu.memory_space<vmem>>[vector<16xi32>], vector<16xf32>,
    %add3A_1448 = arith.addf %add3A_1443, %gather3A_1447 : vector<16xf32>
    %add3A_1449 = arith.constant 15 : i32
    %add3A_1450 = vector.broadcast %add3A_1449 : i32 to vector<16xi32>
    %add3A_1451 = arith.addi %mul3A_1373, %add3A_1450 : vector<16xi32>
    %gather3A_1452 = tpu.vector_load_idx %arg7[%add3A_1451] : memref<4096xf32, #tpu.memory_space<vmem>>[vector<16xi32>], vector<16xf32>,
    %add3A_1453 = arith.addf %add3A_1448, %gather3A_1452 : vector<16xf32>
    %swap3A_1454 = arith.constant 240 : index
    %swap3A_1455 = tpu.vector_load %arg8[%swap3A_1454] {strides = array<i32>} : memref<256xf32, #tpu.memory_space<vmem>>, vector<16xf32>,
    tpu.vector_store %arg8[%swap3A_1454], %add3A_1453 {strides = array<i32>} : memref<256xf32, #tpu.memory_space<vmem>>, vector<16xf32>,
    "tpu.region"() ({
      %run_scoped3A = tpu.sem_alloc : memref<!tpu.dma_semaphore, #tpu.memory_space<semaphore_mem>>
      %dma_start3A = arith.constant 0 : i32
      %dma_start3A_1456 = tpu.memref_slice %arg4[%select_n3A_9, %select_n3A_30, %dma_start3A] : memref<2x16x256xf32, #tpu.memory_space<hbm>> -> memref<1x1x256xf32, #tpu.memory_space<hbm>>
      %dma_start3A_1457 = tpu.memref_squeeze %dma_start3A_1456 : memref<1x1x256xf32, #tpu.memory_space<hbm>> -> memref<256xf32, #tpu.memory_space<hbm>>
      %dma_start3A_1458 = arith.constant 0 : i32
      %dma_start3A_1459 = tpu.memref_slice %arg4[%select_n3A_9, %select_n3A_30, %dma_start3A_1458] : memref<2x16x256xf32, #tpu.memory_space<hbm>> -> memref<1x1x256xf32, #tpu.memory_space<hbm>>
      %dma_start3A_1460 = tpu.memref_squeeze %dma_start3A_1459 : memref<1x1x256xf32, #tpu.memory_space<hbm>> -> memref<256xf32, #tpu.memory_space<hbm>>
      tpu.enqueue_dma source(%arg8 : memref<256xf32, #tpu.memory_space<vmem>>) target(%dma_start3A_1460 : memref<256xf32, #tpu.memory_space<hbm>>) target_semaphore(%run_scoped3A : memref<!tpu.dma_semaphore, #tpu.memory_space<semaphore_mem>>)
      %dma_wait3A = arith.constant 0 : i32
      %dma_wait3A_1461 = tpu.memref_slice %arg4[%select_n3A_9, %select_n3A_30, %dma_wait3A] : memref<2x16x256xf32, #tpu.memory_space<hbm>> -> memref<1x1x256xf32, #tpu.memory_space<hbm>>
      %dma_wait3A_1462 = tpu.memref_squeeze %dma_wait3A_1461 : memref<1x1x256xf32, #tpu.memory_space<hbm>> -> memref<256xf32, #tpu.memory_space<hbm>>
      %dma_wait3A_1463 = arith.constant 0 : i32
      %dma_wait3A_1464 = tpu.memref_slice %arg4[%select_n3A_9, %select_n3A_30, %dma_wait3A_1463] : memref<2x16x256xf32, #tpu.memory_space<hbm>> -> memref<1x1x256xf32, #tpu.memory_space<hbm>>
      %dma_wait3A_1465 = tpu.memref_squeeze %dma_wait3A_1464 : memref<1x1x256xf32, #tpu.memory_space<hbm>> -> memref<256xf32, #tpu.memory_space<hbm>>
      tpu.wait_dma2 semaphore(%run_scoped3A : memref<!tpu.dma_semaphore, #tpu.memory_space<semaphore_mem>>) src(%arg8 : memref<256xf32, #tpu.memory_space<vmem>>) dst(%dma_wait3A_1465 : memref<256xf32, #tpu.memory_space<hbm>>)
      tpu.yield
    }) : () -> ()
    return
  }
}

</mosaic_0001>

<sc_bundles>
// kernel: _sc_histograms.3.cloned.1.call-start
scs
__scs_entry_jumppad:
0x0: {  	(pc) =	sbr.rel $0x88, $3  }
0x1: {  	(tag) =	ssettag $0x0;
	lr =	simm.s32 $0x1  }
0x2: {  	[smem:$0x3F9F] =	sst lr;
	_ =	strace $0xD0000000  }
0x3: {  	_ = 	snop  }
0x4: {  	_ = 	snop  }
0x5: {  	_ = 	snop  }
0x6: {  	_ = 	snop  }
0x7: {  	_ = 	snop  }
__scs_overlays_trampoline_lowered:
0x8: {  	[smem:$0x3FAE] =	sst s0  }
0x9: {  	[smem:$0x3FAF] =	sst s1  }
0xa: {  	[smem:$0x3FB0] =	sst s2  }
0xb: {  	[smem:$0x3FB1] =	sst s3  }
0xc: {  	[smem:$0x3FB2] =	sst s4  }
0xd: {  	[smem:$0x3FB3] =	sst s5  }
0xe: {  	[smem:$0x3FB4] =	sst s6  }
0xf: {  	[smem:$0x3FB5] =	sst s7  }
0x10: {  	[smem:$0x3FB6] =	sst s8  }
0x11: {  	[smem:$0x3FB7] =	sst s9;
	s0 =	simm.s32 @!p0 $0x0  }
0x12: {  	s1 =	sld [smem:$0x3F9D];
	s0 =	simm.s32 @p0 $0x1  }
0x13: {  	[smem:$0x3FB8] =	sst s0;
	s0 =	simm.s32 @!p1 $0x0  }
0x14: {  	s2 =	sld [smem:$0x3F9C];
	s0 =	simm.s32 @p1 $0x1  }
0x15: {  	[smem:$0x3FB9] =	sst s0;
	s0 =	simm.s32 @!p2 $0x0  }
0x16: {  	s3 =	sld [smem:$0x3FDB];
	s0 =	simm.s32 @p2 $0x1  }
0x17: {  	s4 =	simm.s32 $0x1BF5;
	[smem:$0x3FBB] =	sst s0  }
0x18: {  	s0 =	sld [smem:$0x3F9E];
	_ =	swait.ge [sflag:s4], $0x0  }
0x19: {  	s7 =	sld [smem:$0x3F9F]  }
0x1a: {  	s8 =	sadd.s32 $0xFFFFE003, lr  }
0x1b: {  	s9 =	sadd.s32 $0xFFFFFEF7, lr;
	s5 =	simm.s32 $0xFFFFFFFF;
	p2 =	slt.u32 s8, $0xFFFFF086  }
0x1c: {  	p1 =	slt.u32 s9, $0xF7A;
	s5 =	simm.s32 @!p2 $0x0  }
0x1d: {  	s5 =	simm.s32 @p1 $0x1;
	p0 =	seq.s32 s7, s2  }
0x1e: {  	s7 =	smul.u32 @!p0 $0xF7A, s2;
	p2 =	seq.s32 @!p0 s5, $0x0  }
0x1f: {  	s9 =	smul.u32 $0xF7A, s1;
	s8 =	simm.s32 @!p0 $0x1BF5;
	p2 =	por !p2, p0  }
0x20: {  	[sflag:s8] =	ssyncset.s32 @!p0 $0xFFFFF086;
	s6 =	sadd.s32 @!p0 s3, s7;
	s7 =	simm.s32 @!p0 $0x108  }
0x21: {  	s3 =	sadd.s32 s3, s9;
	s6 =	sadd.s32 @!p0 $0x88, s6;
	s7 =	simm.s32 @p2 $0x1082  }
0x22: {  	[simem:s7], [sflag:s8] =	dma.local @!p0 [hbm:s6], $0xF7A  }
0x23: {  	s9 =	sor.u32 $0xD0000000, s2;
	s6 =	simm.s32 $0x108;
	_ =	swait.ge @!p0 [sflag:s8], $0x0  }
0x24: {  	s3 =	sadd.s32 $0x88, s3;
	s6 =	simm.s32 @!p1 $0x1082;
	[sflag:s4] =	ssyncset.s32 $0xFFFFF086  }
0x25: {  	[simem:s6], [sflag:s4] =	dma.local [hbm:s3], $0xF7A  }
0x26: {  	[smem:$0x3F9F] =	sst s1;
	(tag) =	ssettag s2;
	_ =	strace s9  }
0x27: {  	s1 =	sld [smem:$0x3FAF]  }
0x28: {  	s2 =	sld [smem:$0x3FB0]  }
0x29: {  	s4 =	sld [smem:$0x3FB2]  }
0x2a: {  	p0 =	seq.s32 s5, $0x0;
	s5 =	sld [smem:$0x3FB3]  }
0x2b: {  	s6 =	sld [smem:$0x3FB4]  }
0x2c: {  	s7 =	sld [smem:$0x3FB5]  }
0x2d: {  	s3 =	simm.s32 $0x108;
	s8 =	sld [smem:$0x3FB6]  }
0x2e: {  	s3 =	simm.s32 @!p0 $0x1082;
	s9 =	sld [smem:$0x3FB7]  }
0x2f: {  	lr =	sadd.s32 s0, s3;
	s0 =	sld [smem:$0x3FAE]  }
0x30: {  	s3 =	sld [smem:$0x3FB1]  }
0x31: {  	[smem:$0x3FBA] =	sst s10  }
0x32: {  	s10 =	sld [smem:$0x3FB8];
	_ =	sdelay $0x3  }
0x33: {  	p0 =	seq.s32 s10, $0x1;
	s10 =	sld [smem:$0x3FBA];
	_ =	sdelay $0x3  }
0x34: {  	[smem:$0x3FBA] =	sst s10  }
0x35: {  	s10 =	sld [smem:$0x3FB9];
	_ =	sdelay $0x3  }
0x36: {  	p1 =	seq.s32 s10, $0x1;
	s10 =	sld [smem:$0x3FBA];
	_ =	sdelay $0x3  }
0x37: {  	[smem:$0x3FBA] =	sst s10  }
0x38: {  	s10 =	sld [smem:$0x3FBB]  }
0x39: {  	_ = 	snop;
	(pc) =	sbr.ind lr, $3  }
0x3a: {  	_ = 	snop  }
0x3b: {  	_ = 	snop  }
0x3c: {  	p2 =	seq.s32 s10, $0x1;
	s10 =	sld [smem:$0x3FBA]  }
0x3d: {  	_ =	shalt  }
0x3e: {  	_ =	shalt  }
0x3f: {  	_ =	shalt  }
0x40: {  	_ =	shalt  }
0x41: {  	_ =	shalt  }
0x42: {  	_ =	shalt  }
0x43: {  	_ =	shalt  }
0x44: {  	_ =	shalt  }
0x45: {  	_ =	shalt  }
0x46: {  	_ =	shalt  }
0x47: {  	_ =	shalt  }
0x48: {  	_ =	shalt  }
0x49: {  	_ =	shalt  }
0x4a: {  	_ =	shalt  }
0x4b: {  	_ =	shalt  }
0x4c: {  	_ =	shalt  }
0x4d: {  	_ =	shalt  }
0x4e: {  	_ =	shalt  }
0x4f: {  	_ =	shalt  }
0x50: {  	_ =	shalt  }
0x51: {  	_ =	shalt  }
0x52: {  	_ =	shalt  }
0x53: {  	_ =	shalt  }
0x54: {  	_ =	shalt  }
0x55: {  	_ =	shalt  }
0x56: {  	_ =	shalt  }
0x57: {  	_ =	shalt  }
0x58: {  	_ =	shalt  }
0x59: {  	_ =	shalt  }
0x5a: {  	_ =	shalt  }
0x5b: {  	_ =	shalt  }
0x5c: {  	_ =	shalt  }
0x5d: {  	_ =	shalt  }
0x5e: {  	_ =	shalt  }
0x5f: {  	_ =	shalt  }
0x60: {  	_ =	shalt  }
0x61: {  	_ =	shalt  }
0x62: {  	_ =	shalt  }
0x63: {  	_ =	shalt  }
0x64: {  	_ =	shalt  }
0x65: {  	_ =	shalt  }
0x66: {  	_ =	shalt  }
0x67: {  	_ =	shalt  }
0x68: {  	_ =	shalt  }
0x69: {  	_ =	shalt  }
0x6a: {  	_ =	shalt  }
0x6b: {  	_ =	shalt  }
0x6c: {  	_ =	shalt  }
0x6d: {  	_ =	shalt  }
0x6e: {  	_ =	shalt  }
0x6f: {  	_ =	shalt  }
0x70: {  	_ =	shalt  }
0x71: {  	_ =	shalt  }
0x72: {  	_ =	shalt  }
0x73: {  	_ =	shalt  }
0x74: {  	_ =	shalt  }
0x75: {  	_ =	shalt  }
0x76: {  	_ =	shalt  }
0x77: {  	_ =	shalt  }
0x78: {  	_ =	shalt  }
0x79: {  	_ =	shalt  }
0x7a: {  	_ =	shalt  }
0x7b: {  	_ =	shalt  }
0x7c: {  	_ =	shalt  }
0x7d: {  	_ =	shalt  }
0x7e: {  	_ =	shalt  }
0x7f: {  	_ =	shalt  }
0x80: {  	_ =	shalt  }
0x81: {  	_ =	shalt  }
0x82: {  	_ =	shalt  }
0x83: {  	_ =	shalt  }
0x84: {  	_ =	shalt  }
0x85: {  	_ =	shalt  }
0x86: {  	_ =	shalt  }
0x87: {  	_ =	shalt  }
.Lfunc_end0:
.L_simem_size_0:
called_computation_lowered:
.L_overlay_start_0:
0x88: {  	s2 =	sld [smem:$0x3FD9]  }
0x89: {  	s3 =	sld [smem:$0x3FFE];
	_ =	sdelay $0x1  }
0x8a: {  	s1 =	srdreg.scid  }
0x8b: {  	s0 =	sand.u32 $0x1, s1  }
0x8c: {  	s18 =	sshll.u32 s0, $0xA;
	s2 =	sadd.s32 s3, s2  }
0x8d: {  	s2 =	sadd.s32 s2, s18  }
0x8e: {  	[smem:$0x3FC6] =	sst s2  }
0x8f: {  	_ = 	snop  }
0x90: {  	s2 =	sld [smem:$0x3FC9]  }
0x91: {  	s19 =	sld [smem:$0x3FC8]  }
0x92: {  	s4 =	sld [smem:$0x3FD0];
	(tm) =	ssettm $0x1  }
0x93: {  	s5 =	sld [smem:$0x3FFB];
	_ =	sdelay $0x3  }
0x94: {  	_ =	strace s5  }
0x95: {  	s5 =	sld [smem:$0x3FFC];
	_ =	sdelay $0x3  }
0x96: {  	_ =	strace s5  }
0x97: {  	s5 =	sld [smem:$0x3FFD];
	_ =	sdelay $0x3  }
0x98: {  	_ =	strace s5  }
0x99: {  	_ =	strace $0x8FFFFFFF  }
0x9a: {  	s20 =	sld [smem:$0x3FDB];
	_ =	sdelay $0x1  }
0x9b: {  	s6 =	simm.s32 $_scs_section_size  }
0x9c: {  	s7 =	simm.s32 $_size__tile_overlayer_lowered;
	s8 =	simm.s32 $_tile_overlayer_lowered  }
0x9d: {  	s23 =	simm.s32 $0x1BFF;
	s22 =	sshll.u32 s8, $0x1;
	s5 =	sadd.s32 s6, s20  }
0x9e: {  	s9 =	simm.s32 $0x0;
	s21 =	sshll.u32 s7, $0x1;
	s7 =	sadd.s32 s22, s5  }
0x9f: {  	[timem:s9], [sflag:s23] =	dma.local [hbm:s7], s21  }
0xa0: {  	_ =	swait.ge [sflag:s23], s21  }
0xa1: {  	s6 =	ssub.s32 $0x0, s21;
	[sflag:s23] =	ssyncset.done $0x0  }
0xa2: {  	[sflag:s23] =	ssyncadd.s32 s6;
	_ =	sdelay $0x1  }
0xa3: {  	s24 =	simm.s32 $0x1B8B  }
0xa4: {  	_ =	swait.ge [sflag:s24], $0x1  }
0xa5: {  	[sflag:s24] =	ssyncset.done $0x0  }
0xa6: {  	s25 =	simm.s32 $0x1B8E;
	[sflag:s24] =	ssyncadd.s32 $0xFFFFFFFF  }
0xa7: {  	s26 =	simm.s32 $execute0_lowered;
	[smem:$0x3FD2] =	sst s25  }
0xa8: {  	s6 =	sshll.u32 s26, $0x1;
	_ =	strace $0x80000046;
	[dreg:$0x1] =	wrdreg $0xFFFFFFFF  }
0xa9: {  	s28 =	simm.s32 $_size_execute0_lowered;
	s5 =	sadd.s32 s5, s6;
	[dreg:$0x0] =	wrdreg $0x0  }
0xaa: {  	s6 =	sshll.u32 s28, $0x1;
	[dreg:$0x2] =	wrdreg s5  }
0xab: {  	[dreg:$0x3] =	wrdreg s6  }
0xac: {  	[dreg:$0x4] =	wrdreg $0xC0  }
0xad: {  	_ =	task [dreg:s9], $0x5FFFF  }
0xae: {  	[dreg:$0x1] =	wrdreg $0xFFFFFFFF  }
0xaf: {  	[dreg:$0x0] =	wrdreg $0x60  }
0xb0: {  	[dreg:$0x2] =	wrdreg s2  }
0xb1: {  	[dreg:$0x3] =	wrdreg s19  }
0xb2: {  	[dreg:$0x4] =	wrdreg s4  }
0xb3: {  	[dreg:$0x5] =	wrdreg $0x9  }
0xb4: {  	_ =	task.clear_ibuf [dreg:s9], $0x6FFFF;
	_ =	strace $0x90000046  }
0xb5: {  	s29 =	simm.s32 $0x9;
	_ =	strace $0x80000048  }
0xb6: {  	_ =	swait.ge [sflag:s29], $0x1  }
0xb7: {  	[sflag:s29] =	ssyncadd.s32 $0xFFFFFFFF  }
0xb8: {  	_ =	strace $0x90000048  }
0xb9: {  	_ =	sfence  }
0xba: {  	s30 =	sld [smem:$0x0];
	_ =	sdelay $0x2  }
0xbb: {  	s31 =	sshll.u32 s1, $0xD;
	s1 =	sshrl.u32 s1, $0x2  }
0xbc: {  	s3 =	sand.u32 $0x4000, s31;
	s1 =	sadd.s32 s1, s30  }
0xbd: {  	s0 =	sor.u32 s3, s0;
	s1 =	sshll.u32 s1, $0x11  }
0xbe: {  	s0 =	sor.u32 s1, s0  }
0xbf: {  	s0 =	sadd.s32 $0x8F2B, s0  }
0xc0: {  	[sflag:s0] =	ssyncadd.remote.s32 $0x1  }
0xc1: {  	_ =	sfence.sel $0xFFFF  }
0xc2: {  	[dreg:$0x0] =	wrdreg $0xFFFFFFFF;
	(pc) =	sbr.abs _section_cstart, $3  }
0xc3: {  	[dreg:$0x1] =	wrdreg $0xFFFFFFFF  }
0xc4: {  	_ =	task.clear_ibuf [dreg:s9], $0x2FFFF;
	_ =	strace $0x9FFFFFFF  }
0xc5: {  	(tm) =	ssettm $0x7FFFFFFF  }
tec
execute0_lowered:
.L_overlay_start_1:
0x0: {  	(tag) =	ssettag $0x1  }
0x1: {  	s9 =	rddreg [dreg:$0x0];
	v0 =	vlaneseq.u32  }
0x2: {  	s1 =	rddreg [dreg:$0x1];
	v1 =	vmul.u32 $0x10, v0  }
0x3: {  	s6 =	rddreg [dreg:$0x2];
	s2 =	simm.s32 $0x0  }
0x4: {  	[smem:$0x7FF] =	sst s2;
	v4 =	vor.u32 $0x1, v1  }
0x5: {  	s0 =	rddreg [dreg:$0x3];
	_ =	strace $0x80000047;
	[tilespmem:$0x1FDC0] =	vst v4;
	v4 =	vor.u32 $0x2, v1  }
0x6: {  	[tilespmem:$0x1FDD0] =	vst v4;
	v4 =	vor.u32 $0x3, v1  }
0x7: {  	[tilespmem:$0x1FDE0] =	vst v4;
	v4 =	vor.u32 $0x4, v1  }
0x8: {  	[tilespmem:$0x1FDF0] =	vst v4;
	v4 =	vor.u32 $0x5, v1  }
0x9: {  	[tilespmem:$0x1FE00] =	vst v4;
	v4 =	vor.u32 $0x6, v1  }
0xa: {  	[tilespmem:$0x1FE10] =	vst v4;
	v4 =	vor.u32 $0x7, v1  }
0xb: {  	[tilespmem:$0x1FE20] =	vst v4;
	v4 =	vor.u32 $0x8, v1  }
0xc: {  	[tilespmem:$0x1FE30] =	vst v4;
	v4 =	vor.u32 $0x9, v1  }
0xd: {  	[tilespmem:$0x1FE40] =	vst v4;
	v4 =	vor.u32 $0xA, v1  }
0xe: {  	[tilespmem:$0x1FE50] =	vst v4;
	v4 =	vor.u32 $0xB, v1  }
0xf: {  	[tilespmem:$0x1FE60] =	vst v4;
	v4 =	vor.u32 $0xC, v1  }
0x10: {  	[tilespmem:$0x1FE70] =	vst v4;
	v4 =	vor.u32 $0xD, v1  }
0x11: {  	[tilespmem:$0x1FE80] =	vst v4;
	v4 =	vor.u32 $0xE, v1  }
0x12: {  	[tilespmem:$0x1FE90] =	vst v4;
	v4 =	vor.u32 $0xF, v1  }
0x13: {  	[tilespmem:$0x1FEA0] =	vst v4;
	v4 =	vor.u32 $0x100, v1  }
0x14: {  	[tilespmem:$0x1FEB0] =	vst v4;
	v4 =	vor.u32 $0x101, v1  }
0x15: {  	[tilespmem:$0x1FEC0] =	vst v4;
	v4 =	vor.u32 $0x102, v1  }
0x16: {  	[tilespmem:$0x1FED0] =	vst v4;
	v4 =	vor.u32 $0x103, v1  }
0x17: {  	[tilespmem:$0x1FEE0] =	vst v4;
	v4 =	vor.u32 $0x104, v1  }
0x18: {  	[tilespmem:$0x1FEF0] =	vst v4;
	v4 =	vor.u32 $0x105, v1  }
0x19: {  	[tilespmem:$0x1FF00] =	vst v4;
	v4 =	vor.u32 $0x106, v1  }
0x1a: {  	s4 =	srdreg.scid;
	[tilespmem:$0x1FF10] =	vst v4;
	v4 =	vor.u32 $0x107, v1  }
0x1b: {  	s3 =	stileid.u32;
	s5 =	sand.u32 $0x1, s4;
	[tilespmem:$0x1FF20] =	vst v4;
	v4 =	vor.u32 $0x108, v1  }
0x1c: {  	v2 =	vimm.f32 $2.550000000e+02;
	v3 =	vimm.f32 $1.000000000e+00;
	s13 =	simm.s32 $0x80;
	s14 =	simm.s32 $0x400;
	s4 =	sor.u32 s5, s3;
	[tilespmem:$0x1FF30] =	vst v4;
	v4 =	vor.u32 $0x109, v1  }
0x1d: {  	s15 =	simm.s32 $0x19000;
	p0 =	seq.s32 s5, $0x1;
	(erf) = vrcp.f32 v2;
	p1 =	seq.s32 s4, $0x0;
	v40 =	vor.u32 $0x205, v1;
	[tilespmem:$0x1FF40] =	vst v4;
	v4 =	vor.u32 $0x10A, v1  }
0x1e: {  	s16 =	simm.s32 $0x3;
	s7 =	ssub.s32 $0x2, s5;
	v41 =	vor.u32 $0x206, v1;
	v42 =	vor.u32 $0x207, v1;
	p0 =	por !p1, !p0;
	[tilespmem:$0x1FF50] =	vst v4;
	v4 =	vor.u32 $0x10B, v1  }
0x1f: {  	s4 =	simm.s32 $0x1;
	s8 =	sshrl.u32 s7, $0x1;
	v43 =	vor.u32 $0x208, v1;
	v44 =	vor.u32 $0x209, v1;
	p0 =	por !p0, !p0;
	[tilespmem:$0x1FF60] =	vst v4;
	v4 =	vor.u32 $0x10C, v1  }
0x20: {  	s30 =	sshll.u32 s5, $0xC;
	v45 =	vor.u32 $0x20A, v1;
	v46 =	vor.u32 $0x20B, v1;
	s7 =	ssub.s32 s7, s8;
	s4 =	simm.s32 @!p0 $0x0;
	[tilespmem:$0x1FF70] =	vst v4;
	v4 =	vor.u32 $0x10D, v1  }
0x21: {  	v47 =	vor.u32 $0x20C, v1;
	v48 =	vor.u32 $0x20D, v1;
	s7 =	smax.u32 s7, $0x1;
	p0 =	seq.s32 s5, $0x0;
	s10 =	ssub.s32 s3, s4;
	[tilespmem:$0x1FF80] =	vst v4;
	v4 =	vor.u32 $0x10E, v1  }
0x22: {  	v49 =	vor.u32 $0x20E, v1;
	v50 =	vor.u32 $0x20F, v1;
	s4 =	sshll.u32 s10, $0x8;
	s11 =	sshll.u32 s10, $0x7;
	s12 =	smul.u32 $0xC0000, s10;
	[tilespmem:$0x1FF90] =	vst v4;
	v4 =	vor.u32 $0x10F, v1  }
0x23: {  	v2 =	vimm.f32 $0.0e+00;
	v51 =	vor.u32 $0x300, v1;
	s10 =	smul.u32 $0x18000, s10;
	s4 =	sand.u32 $0xFFFFF800, s4;
	s11 =	sand.u32 $0x380, s11;
	[tilespmem:$0x1FFA0] =	vst v4;
	v4 =	vor.u32 $0x200, v1  }
0x24: {  	v52 =	vor.u32 $0x301, v1;
	v53 =	vor.u32 $0x302, v1;
	s8 =	sadd.s32 s30, s4;
	s4 =	simm.s32 $0x1;
	s31 =	sshrl.u32 s12, $0x3;
	[tilespmem:$0x1FFB0] =	vst v4;
	v4 =	vor.u32 $0x201, v1  }
0x25: {  	v54 =	vor.u32 $0x303, v1;
	v55 =	vor.u32 $0x304, v1;
	s10 =	sadd.s32 s9, s10;
	s8 =	sor.u32 s11, s8;
	s5 =	sadd.s32 s1, s31;
	[tilespmem:$0x1FFC0] =	vst v4;
	v4 =	vor.u32 $0x202, v1  }
0x26: {  	v56 =	vor.u32 $0x305, v1;
	v57 =	vor.u32 $0x306, v1;
	s1 =	smov.u32 @p0 s9;
	s9 =	sor.u32 $0x18000, s12;
	s11 =	simm.s32 $0x18000;
	[tilespmem:$0x1FFD0] =	vst v4;
	v4 =	vor.u32 $0x203, v1  }
0x27: {  	v58 =	vor.u32 $0x307, v1;
	v59 =	vor.u32 $0x308, v1;
	s8 =	sshrl.u32 s8, $0x3;
	s5 =	smov.u32 @p0 s10;
	s10 =	simm.s32 $0xC000;
	[tilespmem:$0x1FFE0] =	vst v4;
	v4 =	vor.u32 $0x204, v1  }
0x28: {  	v61 =	vor.u32 $0x309, v1;
	v62 =	vor.u32 $0x30A, v1;
	v63 =	vor.u32 $0x30B, v1;
	v60 =	vpop (erf);
	s6 =	sadd.s32 s6, s8;
	s8 =	sor.u32 $0xC000, s12;
	s12 =	simm.s32 $0x2;
	[tilespmem:$0x1FFF0] =	vst v4  }
.LBB2_1:
0x29: {  	s17 =	simm.s32 $0x18040  }
0x2a: {  	[tilespmem:s17+$0xFFFFFFC0] =	vst v2  }
0x2b: {  	[tilespmem:s17+$0x30] =	vst v2  }
0x2c: {  	[tilespmem:s17+$0x20] =	vst v2  }
0x2d: {  	[tilespmem:s17+$0x10] =	vst v2  }
0x2e: {  	[tilespmem:s17+$0x0] =	vst v2  }
0x2f: {  	[tilespmem:s17+$0xFFFFFFF0] =	vst v2  }
0x30: {  	s18 =	simm.s32 $0x0;
	[tilespmem:s17+$0xFFFFFFE0] =	vst v2  }
.LBB2_2:
0x31: {  	s18 =	sadd.s32 $0x8, s18;
	[tilespmem:s17+$0xFFFFFFD0] =	vst v2;
	s17 =	sadd.s32 $0x80, s17  }
0x32: {  	[tilespmem:s17+$0xFFFFFFC0] =	vst v2;
	p0 =	slt.u32 s18, $0xF8  }
0x33: {  	[tilespmem:s17+$0x30] =	vst v2  }
.Ltmp0:
0x34: {  	[tilespmem:s17+$0x20] =	vst v2;
	(pc) =	sbr.rel @p0 .LBB2_2-.Ltmp0, $4  }
0x35: {  	[tilespmem:s17+$0x10] =	vst v2  }
0x36: {  	[tilespmem:s17+$0x0] =	vst v2  }
0x37: {  	[tilespmem:s17+$0xFFFFFFF0] =	vst v2  }
0x38: {  	[tilespmem:s17+$0xFFFFFFE0] =	vst v2  }
0x39: {  	[tilespmem:s17+$0xFFFFFFD0] =	vst v2;
	s17 =	simm.s32 $0x0;
	s18 =	simm.s32 $0x0  }
0x3a: {  	[tilespmem:s17], [sflag:$0x1] =	stream.linear.gather [hbm4b:s5+s17], $0xC000, $0x38;
	[tilespmem:$0x19100] =	vst v63  }
.LBB2_4:
0x3b: {  	s19 =	smul.u32 $0x18000, s18;
	_ =	sdelay $0x1  }
0x3c: {  	s20 =	sadd.s32 s8, s19  }
0x3d: {  	s20 =	sshrl.u32 s20, $0x3  }
0x3e: {  	s29 =	simm.s32 $0x0;
	s21 =	sand.u32 $0x800, s17;
	s20 =	sadd.s32 s1, s20  }
0x3f: {  	[tilespmem:s10], [sflag:$0x2] =	stream.linear.gather [hbm4b:s20+s17], $0xC000, $0x38;
	[tilespmem:$0x19100] =	vst v63  }
0x40: {  	s22 =	simm.s32 $0x0;
	s20 =	sand.u32 $0xF000, s29;
	_ =	swait.ge [sflag:s4], $0xC000  }
0x41: {  	s22 =	sand.u32 $0x380, s22;
	s20 =	sor.u32 s21, s20;
	[sflag:s4] =	ssyncset.done $0x0  }
0x42: {  	s20 =	sor.u32 s22, s20;
	[sflag:s4] =	ssyncadd.s32 $0xFFFF4000  }
0x43: {  	v4 =	vld [tilespmem:s20+$0x470]  }
0x44: {  	v5 =	vld [tilespmem:s20+$0x0]  }
0x45: {  	v6 =	vld [tilespmem:s20+$0x10]  }
0x46: {  	v7 =	vld [tilespmem:s20+$0x20]  }
0x47: {  	v8 =	vld [tilespmem:s20+$0x30]  }
0x48: {  	v9 =	vld [tilespmem:s20+$0x40]  }
0x49: {  	v10 =	vld [tilespmem:s20+$0x50]  }
0x4a: {  	v11 =	vld [tilespmem:s20+$0x60]  }
0x4b: {  	v12 =	vld [tilespmem:s20+$0x70]  }
0x4c: {  	v13 =	vld [tilespmem:s20+$0x400]  }
0x4d: {  	v14 =	vld [tilespmem:s20+$0x410]  }
0x4e: {  	v15 =	vld [tilespmem:s20+$0x420]  }
0x4f: {  	v16 =	vld [tilespmem:s20+$0x430];
	v4 =	vmul.f32 $2.550000000e+02, v4  }
0x50: {  	v17 =	vld [tilespmem:s20+$0x440];
	v5 =	vmul.f32 $2.550000000e+02, v5;
	v6 =	vmul.f32 $2.550000000e+02, v6  }
0x51: {  	v18 =	vld [tilespmem:s20+$0x450];
	v7 =	vmul.f32 $2.550000000e+02, v7;
	v8 =	vmul.f32 $2.550000000e+02, v8  }
0x52: {  	v19 =	vld [tilespmem:s20+$0x460];
	v9 =	vmul.f32 $2.550000000e+02, v9;
	v10 =	vmul.f32 $2.550000000e+02, v10  }
0x53: {  	v11 =	vmul.f32 $2.550000000e+02, v11;
	v12 =	vmul.f32 $2.550000000e+02, v12  }
0x54: {  	v13 =	vmul.f32 $2.550000000e+02, v13;
	v14 =	vmul.f32 $2.550000000e+02, v14  }
0x55: {  	v15 =	vmul.f32 $2.550000000e+02, v15;
	v16 =	vmul.f32 $2.550000000e+02, v16  }
0x56: {  	v17 =	vmul.f32 $2.550000000e+02, v17;
	v18 =	vmul.f32 $2.550000000e+02, v18  }
0x57: {  	v19 =	vmul.f32 $2.550000000e+02, v19;
	v4 =	vmul.f32 v4, v60  }
0x58: {  	v5 =	vmul.f32 v5, v60;
	v6 =	vmul.f32 v6, v60  }
0x59: {  	v7 =	vmul.f32 v7, v60;
	v8 =	vmul.f32 v8, v60  }
0x5a: {  	v9 =	vmul.f32 v9, v60;
	v10 =	vmul.f32 v10, v60  }
0x5b: {  	v11 =	vmul.f32 v11, v60;
	v12 =	vmul.f32 v12, v60  }
0x5c: {  	v13 =	vmul.f32 v13, v60;
	v14 =	vmul.f32 v14, v60  }
0x5d: {  	s30 =	simm.s32 $0x100;
	s20 =	simm.s32 $0x800;
	v15 =	vmul.f32 v15, v60;
	v16 =	vmul.f32 v16, v60  }
0x5e: {  	s23 =	simm.s32 $0x40;
	s21 =	sand.u32 $0xF000, s30;
	s31 =	sand.u32 $0x800, s20;
	v17 =	vmul.f32 v17, v60;
	v18 =	vmul.f32 v18, v60  }
0x5f: {  	s23 =	sand.u32 $0x380, s23;
	s21 =	sor.u32 s31, s21;
	v19 =	vmul.f32 v19, v60;
	v4 =	vmul.f32 $2.560000000e+02, v4  }
0x60: {  	s21 =	sor.u32 s23, s21;
	v5 =	vmul.f32 $2.560000000e+02, v5;
	v6 =	vmul.f32 $2.560000000e+02, v6  }
0x61: {  	v25 =	vld [tilespmem:s21+$0x40];
	v7 =	vmul.f32 $2.560000000e+02, v7;
	v8 =	vmul.f32 $2.560000000e+02, v8  }
0x62: {  	v26 =	vld [tilespmem:s21+$0x50];
	v9 =	vmul.f32 $2.560000000e+02, v9;
	v10 =	vmul.f32 $2.560000000e+02, v10  }
0x63: {  	v34 =	vld [tilespmem:s21+$0x420];
	v11 =	vmul.f32 $2.560000000e+02, v11;
	v12 =	vmul.f32 $2.560000000e+02, v12  }
0x64: {  	v13 =	vmul.f32 $2.560000000e+02, v13;
	v14 =	vmul.f32 $2.560000000e+02, v14  }
0x65: {  	v15 =	vmul.f32 $2.560000000e+02, v15;
	v16 =	vmul.f32 $2.560000000e+02, v16  }
0x66: {  	v17 =	vmul.f32 $2.560000000e+02, v17;
	v18 =	vmul.f32 $2.560000000e+02, v18  }
0x67: {  	v19 =	vmul.f32 $2.560000000e+02, v19;
	v25 =	vmul.f32 $2.550000000e+02, v25  }
0x68: {  	v26 =	vmul.f32 $2.550000000e+02, v26;
	v34 =	vmul.f32 $2.550000000e+02, v34  }
0x69: {  	v4 =	vmin.f32 v4, $2.555000000e+02;
	v5 =	vmin.f32 v5, $2.555000000e+02;
	v6 =	vmin.f32 v6, $2.555000000e+02  }
0x6a: {  	v7 =	vmin.f32 v7, $2.555000000e+02;
	v8 =	vmin.f32 v8, $2.555000000e+02;
	v9 =	vmin.f32 v9, $2.555000000e+02  }
0x6b: {  	v10 =	vmin.f32 v10, $2.555000000e+02;
	v11 =	vmin.f32 v11, $2.555000000e+02;
	v26 =	vmul.f32 v26, v60  }
0x6c: {  	v12 =	vmin.f32 v12, $2.555000000e+02;
	v4 =	vtrunc.f32 v4;
	v5 =	vtrunc.f32 v5  }
0x6d: {  	v13 =	vmin.f32 v13, $2.555000000e+02;
	v6 =	vtrunc.f32 v6;
	v7 =	vtrunc.f32 v7  }
0x6e: {  	v14 =	vmin.f32 v14, $2.555000000e+02;
	v8 =	vtrunc.f32 v8;
	v9 =	vtrunc.f32 v9  }
0x6f: {  	v15 =	vmin.f32 v15, $2.555000000e+02;
	v10 =	vtrunc.f32 v10;
	v11 =	vtrunc.f32 v11  }
0x70: {  	v16 =	vmin.f32 v16, $2.555000000e+02;
	v12 =	vtrunc.f32 v12;
	v13 =	vtrunc.f32 v13  }
0x71: {  	v17 =	vmin.f32 v17, $2.555000000e+02;
	v14 =	vtrunc.f32 v14;
	v15 =	vtrunc.f32 v15  }
0x72: {  	v18 =	vmin.f32 v18, $2.555000000e+02;
	v16 =	vtrunc.f32 v16;
	v17 =	vtrunc.f32 v17  }
0x73: {  	v19 =	vmin.f32 v19, $2.555000000e+02;
	v18 =	vtrunc.f32 v18;
	v5 =	vcvt.f32.s32 v5  }
0x74: {  	v19 =	vtrunc.f32 v19;
	v6 =	vcvt.f32.s32 v6  }
0x75: {  	v4 =	vcvt.f32.s32 v4;
	v8 =	vcvt.f32.s32 v8;
	v21 =	vshll.u32 v5, $0x4;
	v5 =	vld [tilespmem:s21+$0x0]  }
0x76: {  	v7 =	vcvt.f32.s32 v7;
	v13 =	vcvt.f32.s32 v13;
	v22 =	vshll.u32 v6, $0x4;
	v6 =	vld [tilespmem:s21+$0x10]  }
0x77: {  	v9 =	vcvt.f32.s32 v9;
	v10 =	vcvt.f32.s32 v10;
	v24 =	vshll.u32 v8, $0x4;
	v8 =	vld [tilespmem:s21+$0x30]  }
0x78: {  	v11 =	vcvt.f32.s32 v11;
	v4 =	vshll.u32 v4, $0x4;
	v30 =	vshll.u32 v13, $0x4;
	v13 =	vld [tilespmem:s21+$0x400]  }
0x79: {  	v12 =	vcvt.f32.s32 v12;
	v14 =	vcvt.f32.s32 v14;
	v20 =	vor.u32 v0, v4;
	v4 =	vld [tilespmem:s21+$0x470]  }
0x7a: {  	v15 =	vcvt.f32.s32 v15;
	v16 =	vcvt.f32.s32 v16;
	v23 =	vshll.u32 v7, $0x4;
	v7 =	vld [tilespmem:s21+$0x20]  }
0x7b: {  	v27 =	vld [tilespmem:s21+$0x60];
	v17 =	vcvt.f32.s32 v17;
	v18 =	vcvt.f32.s32 v18  }
0x7c: {  	v29 =	vld [tilespmem:s21+$0x70];
	v19 =	vcvt.f32.s32 v19;
	v9 =	vshll.u32 v9, $0x4;
	v5 =	vmul.f32 $2.550000000e+02, v5  }
0x7d: {  	v10 =	vshll.u32 v10, $0x4;
	v6 =	vmul.f32 $2.550000000e+02, v6;
	v8 =	vmul.f32 $2.550000000e+02, v8  }
0x7e: {  	v11 =	vshll.u32 v11, $0x4;
	v13 =	vmul.f32 $2.550000000e+02, v13;
	v4 =	vmul.f32 $2.550000000e+02, v4  }
0x7f: {  	v31 =	vshll.u32 v14, $0x4;
	v28 =	vmul.f32 v5, v60;
	v5 =	vmul.f32 $2.550000000e+02, v7  }
0x80: {  	v14 =	vmul.f32 v6, v60;
	v6 =	vshll.u32 v15, $0x4;
	v15 =	vmul.f32 $2.550000000e+02, v27  }
0x81: {  	v7 =	vshll.u32 v16, $0x4;
	v16 =	vmul.f32 $2.550000000e+02, v29;
	v13 =	vmul.f32 v13, v60  }
0x82: {  	v12 =	vshll.u32 v12, $0x4;
	v4 =	vmul.f32 v4, v60;
	v33 =	vmul.f32 v5, v60  }
0x83: {  	v27 =	vld [tilespmem:s21+$0x430];
	v5 =	vshll.u32 v17, $0x4;
	v17 =	vmul.f32 v8, v60;
	v15 =	vmul.f32 v15, v60  }
0x84: {  	v32 =	vld [tilespmem:s21+$0x410];
	v21 =	vor.u32 v0, v21;
	v16 =	vmul.f32 v16, v60;
	v4 =	vmul.f32 $2.560000000e+02, v4  }
0x85: {  	v9 =	vor.u32 v0, v9;
	v14 =	vmul.f32 $2.560000000e+02, v14;
	v13 =	vmul.f32 $2.560000000e+02, v13  }
0x86: {  	v36 =	vld [tilespmem:s21+$0x450];
	v17 =	vmul.f32 $2.560000000e+02, v17;
	v16 =	vmul.f32 $2.560000000e+02, v16;
	v4 =	vmin.f32 v4, $2.555000000e+02  }
0x87: {  	v29 =	vld [tilespmem:s21+$0x440];
	v14 =	vmin.f32 v14, $2.555000000e+02;
	v15 =	vmul.f32 $2.560000000e+02, v15;
	v4 =	vtrunc.f32 v4  }
0x88: {  	v27 =	vmul.f32 $2.550000000e+02, v27;
	v39 =	vmin.f32 v16, $2.555000000e+02;
	v35 =	vcvt.f32.s32 v4  }
0x89: {  	v4 =	vshll.u32 v18, $0x4;
	v18 =	vmul.f32 v25, v60;
	v25 =	vmul.f32 $2.550000000e+02, v32;
	v32 =	vld [tilespmem:s21+$0x460]  }
0x8a: {  	[tilespmem:v9+s11+$0x0] =	vst.idx.add.f32.msk $0xffff, v3;
	v27 =	vmul.f32 v27, v60;
	v9 =	vtrunc.f32 v39;
	v8 =	vshll.u32 v35, $0x4  }
0x8b: {  	v18 =	vmul.f32 $2.560000000e+02, v18;
	v35 =	vor.u32 v0, v8;
	v8 =	vshll.u32 v19, $0x4  }
0x8c: {  	v19 =	vmul.f32 $2.550000000e+02, v29;
	v29 =	vmul.f32 $2.550000000e+02, v36;
	v36 =	vor.u32 v0, v22  }
0x8d: {  	v22 =	vmul.f32 v25, v60;
	v37 =	vmin.f32 v18, $2.555000000e+02;
	v18 =	vmul.f32 $2.560000000e+02, v27  }
0x8e: {  	v25 =	vmul.f32 $2.550000000e+02, v32;
	v32 =	vor.u32 v0, v23;
	v23 =	vmul.f32 v34, v60  }
0x8f: {  	v19 =	vmul.f32 v19, v60;
	v34 =	vor.u32 v0, v24;
	v24 =	vmul.f32 $2.560000000e+02, v28  }
0x90: {  	v29 =	vmul.f32 v29, v60;
	v28 =	vmul.f32 $2.560000000e+02, v33;
	v33 =	vor.u32 v0, v10  }
0x91: {  	v25 =	vmul.f32 v25, v60;
	v10 =	vmin.f32 v24, $2.555000000e+02;
	v24 =	vmul.f32 $2.560000000e+02, v26  }
0x92: {  	v26 =	vmin.f32 v28, $2.555000000e+02;
	v28 =	vmin.f32 v17, $2.555000000e+02;
	v17 =	vmul.f32 $2.560000000e+02, v22  }
0x93: {  	v27 =	vor.u32 v0, v11;
	v22 =	vmul.f32 $2.560000000e+02, v23;
	v19 =	vmul.f32 $2.560000000e+02, v19  }
0x94: {  	[tilespmem:v20+s11+$0x0] =	vst.idx.add.f32.msk $0xffff, v3;
	v20 =	vmul.f32 $2.560000000e+02, v29;
	v29 =	vmin.f32 v15, $2.555000000e+02;
	v15 =	vtrunc.f32 v14  }
0x95: {  	[tilespmem:v21+s11+$0x0] =	vst.idx.add.f32.msk $0xffff, v3;
	v23 =	vmin.f32 v13, $2.555000000e+02;
	v14 =	vtrunc.f32 v37;
	v13 =	vtrunc.f32 v28  }
0x96: {  	[tilespmem:v35+s11+$0x0] =	vst.idx.add.f32.msk $0xffff, v3;
	v11 =	vtrunc.f32 v29;
	v38 =	vmin.f32 v24, $2.555000000e+02;
	v25 =	vmul.f32 $2.560000000e+02, v25  }
0x97: {  	[tilespmem:v36+s11+$0x0] =	vst.idx.add.f32.msk $0xffff, v3;
	v24 =	vmin.f32 v17, $2.555000000e+02;
	v21 =	vmin.f32 v22, $2.555000000e+02;
	v22 =	vmin.f32 v18, $2.555000000e+02  }
0x98: {  	v19 =	vmin.f32 v19, $2.555000000e+02;
	v17 =	vtrunc.f32 v26;
	v26 =	vor.u32 v0, v12;
	[tilespmem:v32+s11+$0x0] =	vst.idx.add.f32.msk $0xffff, v3  }
0x99: {  	v20 =	vmin.f32 v20, $2.555000000e+02;
	[tilespmem:v34+s11+$0x0] =	vst.idx.add.f32.msk $0xffff, v3;
	v16 =	vmin.f32 v25, $2.555000000e+02;
	v25 =	vor.u32 v0, v30  }
0x9a: {  	s21 =	simm.s32 $0x10;
	v18 =	vtrunc.f32 v10;
	v12 =	vor.u32 v0, v31;
	v10 =	vtrunc.f32 v38;
	[tilespmem:v33+s11+$0x0] =	vst.idx.add.f32.msk $0xffff, v3  }
.LBB2_5:
0x9b: {  	s21 =	sadd.s32 $0x10, s21;
	v23 =	vtrunc.f32 v23;
	v24 =	vtrunc.f32 v24;
	v28 =	vor.u32 v0, v6  }
0x9c: {  	v6 =	vtrunc.f32 v21;
	v21 =	vtrunc.f32 v22;
	s20 =	sadd.s32 $0x800, s20;
	v22 =	vor.u32 v0, v7;
	s22 =	sshll.u32 s21, $0x4;
	p0 =	slt.u32 s21, $0xBF0;
	[tilespmem:v27+s11+$0x0] =	vst.idx.add.f32.msk $0xffff, v3  }
0x9d: {  	v7 =	vtrunc.f32 v19;
	v19 =	vtrunc.f32 v20;
	v20 =	vor.u32 v0, v5;
	s23 =	sand.u32 $0x800, s20;
	s24 =	sshll.u32 s21, $0x2;
	s22 =	sand.u32 $0xF000, s22;
	[tilespmem:v26+s11+$0x0] =	vst.idx.add.f32.msk $0xffff, v3  }
0x9e: {  	v5 =	vcvt.f32.s32 v18;
	v16 =	vtrunc.f32 v16;
	v18 =	vor.u32 v0, v4;
	s24 =	sand.u32 $0x380, s24;
	s22 =	sor.u32 s23, s22;
	[tilespmem:v25+s11+$0x0] =	vst.idx.add.f32.msk $0xffff, v3  }
0x9f: {  	v4 =	vcvt.f32.s32 v15;
	v15 =	vcvt.f32.s32 v17;
	v17 =	vor.u32 v0, v8;
	s22 =	sor.u32 s24, s22;
	[tilespmem:v12+s11+$0x0] =	vst.idx.add.f32.msk $0xffff, v3  }
0xa0: {  	v25 =	vshll.u32 v5, $0x4;
	v5 =	vcvt.f32.s32 v13;
	v12 =	vcvt.f32.s32 v14;
	v8 =	vld [tilespmem:s22+$0x470]  }
0xa1: {  	v14 =	vshll.u32 v4, $0x4;
	v4 =	vcvt.f32.s32 v10;
	v10 =	vcvt.f32.s32 v11;
	v13 =	vld [tilespmem:s22+$0x0]  }
0xa2: {  	v23 =	vcvt.f32.s32 v23;
	v15 =	vshll.u32 v15, $0x4;
	v26 =	vcvt.f32.s32 v9;
	v11 =	vld [tilespmem:s22+$0x10]  }
0xa3: {  	v6 =	vcvt.f32.s32 v6;
	v29 =	vshll.u32 v5, $0x4;
	v5 =	vcvt.f32.s32 v24;
	v27 =	vld [tilespmem:s22+$0x20]  }
0xa4: {  	v21 =	vcvt.f32.s32 v21;
	v31 =	vcvt.f32.s32 v7;
	v30 =	vshll.u32 v12, $0x4;
	v24 =	vld [tilespmem:s22+$0x30]  }
0xa5: {  	v32 =	vshll.u32 v4, $0x4;
	v4 =	vcvt.f32.s32 v19;
	v7 =	vld [tilespmem:s22+$0x40];
	v8 =	vmul.f32 $2.550000000e+02, v8  }
0xa6: {  	v16 =	vcvt.f32.s32 v16;
	v9 =	vshll.u32 v10, $0x4;
	v12 =	vmul.f32 $2.550000000e+02, v13;
	v13 =	vld [tilespmem:s22+$0x50]  }
0xa7: {  	v10 =	vshll.u32 v26, $0x4;
	v19 =	vmul.f32 $2.550000000e+02, v11;
	v33 =	vld [tilespmem:s22+$0x60];
	v8 =	vmul.f32 v8, v60  }
0xa8: {  	v11 =	vshll.u32 v23, $0x4;
	v26 =	vmul.f32 v12, v60;
	v27 =	vmul.f32 $2.550000000e+02, v27;
	v34 =	vld [tilespmem:s22+$0x70]  }
0xa9: {  	v12 =	vshll.u32 v5, $0x4;
	v23 =	vmul.f32 $2.550000000e+02, v24;
	v24 =	vld [tilespmem:s22+$0x400];
	v8 =	vmul.f32 $2.560000000e+02, v8  }
0xaa: {  	v6 =	vshll.u32 v6, $0x4;
	v19 =	vmul.f32 v19, v60;
	v35 =	vmul.f32 $2.550000000e+02, v7;
	v36 =	vld [tilespmem:s22+$0x410]  }
0xab: {  	v27 =	vmul.f32 v27, v60;
	v13 =	vmul.f32 $2.550000000e+02, v13;
	v37 =	vld [tilespmem:s22+$0x420];
	v5 =	vmin.f32 v8, $2.555000000e+02  }
0xac: {  	v7 =	vshll.u32 v21, $0x4;
	v8 =	vmul.f32 $2.550000000e+02, v33;
	v33 =	vld [tilespmem:s22+$0x430];
	v5 =	vtrunc.f32 v5  }
0xad: {  	v21 =	vmul.f32 $2.550000000e+02, v34;
	v34 =	vld [tilespmem:s22+$0x440];
	v38 =	vcvt.f32.s32 v5;
	v5 =	vshll.u32 v31, $0x4  }
0xae: {  	v4 =	vshll.u32 v4, $0x4;
	v23 =	vmul.f32 v23, v60;
	v24 =	vmul.f32 $2.550000000e+02, v24;
	v31 =	vld [tilespmem:s22+$0x450]  }
0xaf: {  	v35 =	vmul.f32 v35, v60;
	v36 =	vmul.f32 $2.550000000e+02, v36;
	v39 =	vld [tilespmem:s22+$0x460];
	v38 =	vshll.u32 v38, $0x4  }
0xb0: {  	v13 =	vmul.f32 v13, v60;
	v37 =	vmul.f32 $2.550000000e+02, v37;
	v38 =	vor.u32 v0, v38;
	[tilespmem:v28+s11+$0x0] =	vst.idx.add.f32.msk $0xffff, v3  }
0xb1: {  	v28 =	vmul.f32 v8, v60;
	v8 =	vshll.u32 v16, $0x4;
	v33 =	vmul.f32 $2.550000000e+02, v33;
	[tilespmem:v22+s11+$0x0] =	vst.idx.add.f32.msk $0xffff, v3  }
0xb2: {  	v16 =	vmul.f32 v21, v60;
	v22 =	vor.u32 v0, v25;
	v21 =	vmul.f32 $2.550000000e+02, v34;
	[tilespmem:v20+s11+$0x0] =	vst.idx.add.f32.msk $0xffff, v3  }
0xb3: {  	v14 =	vor.u32 v0, v14;
	v20 =	vmul.f32 v24, v60;
	v24 =	vmul.f32 $2.550000000e+02, v31;
	[tilespmem:v18+s11+$0x0] =	vst.idx.add.f32.msk $0xffff, v3  }
0xb4: {  	v15 =	vor.u32 v0, v15;
	v18 =	vmul.f32 v36, v60;
	v25 =	vmul.f32 $2.550000000e+02, v39;
	[tilespmem:v17+s11+$0x0] =	vst.idx.add.f32.msk $0xffff, v3  }
0xb5: {  	v31 =	vmul.f32 v33, v60;
	v17 =	vmul.f32 v37, v60;
	[tilespmem:v38+s11+$0x0] =	vst.idx.add.f32.msk $0xffff, v3  }
0xb6: {  	v29 =	vor.u32 v0, v29;
	v21 =	vmul.f32 v21, v60;
	v24 =	vmul.f32 v24, v60  }
0xb7: {  	v26 =	vmul.f32 $2.560000000e+02, v26;
	v25 =	vmul.f32 v25, v60;
	[tilespmem:v22+s11+$0x0] =	vst.idx.add.f32.msk $0xffff, v3;
	v22 =	vor.u32 v0, v30  }
0xb8: {  	v19 =	vmul.f32 $2.560000000e+02, v19;
	v27 =	vmul.f32 $2.560000000e+02, v27;
	[tilespmem:v14+s11+$0x0] =	vst.idx.add.f32.msk $0xffff, v3;
	v14 =	vor.u32 v0, v32  }
0xb9: {  	v26 =	vmin.f32 v26, $2.555000000e+02;
	v23 =	vmul.f32 $2.560000000e+02, v23;
	v30 =	vmul.f32 $2.560000000e+02, v35;
	[tilespmem:v15+s11+$0x0] =	vst.idx.add.f32.msk $0xffff, v3  }
0xba: {  	v13 =	vmul.f32 $2.560000000e+02, v13;
	v15 =	vmin.f32 v19, $2.555000000e+02;
	v19 =	vmul.f32 $2.560000000e+02, v28  }
0xbb: {  	v16 =	vmul.f32 $2.560000000e+02, v16;
	v20 =	vmul.f32 $2.560000000e+02, v20;
	v28 =	vmin.f32 v27, $2.555000000e+02;
	[tilespmem:v29+s11+$0x0] =	vst.idx.add.f32.msk $0xffff, v3  }
0xbc: {  	v18 =	vmul.f32 $2.560000000e+02, v18;
	v17 =	vmul.f32 $2.560000000e+02, v17;
	v29 =	vmin.f32 v23, $2.555000000e+02;
	[tilespmem:v22+s11+$0x0] =	vst.idx.add.f32.msk $0xffff, v3  }
0xbd: {  	v30 =	vmin.f32 v30, $2.555000000e+02;
	v27 =	vmul.f32 $2.560000000e+02, v21;
	v22 =	vmul.f32 $2.560000000e+02, v31;
	[tilespmem:v14+s11+$0x0] =	vst.idx.add.f32.msk $0xffff, v3  }
0xbe: {  	v31 =	vmin.f32 v13, $2.555000000e+02;
	v13 =	vmul.f32 $2.560000000e+02, v24;
	v14 =	vmul.f32 $2.560000000e+02, v25  }
0xbf: {  	v33 =	vmin.f32 v16, $2.555000000e+02;
	v32 =	vmin.f32 v19, $2.555000000e+02;
	v23 =	vmin.f32 v20, $2.555000000e+02  }
0xc0: {  	v21 =	vmin.f32 v17, $2.555000000e+02;
	v24 =	vmin.f32 v18, $2.555000000e+02;
	v22 =	vmin.f32 v22, $2.555000000e+02  }
.Ltmp1:
0xc1: {  	v19 =	vmin.f32 v27, $2.555000000e+02;
	v20 =	vmin.f32 v13, $2.555000000e+02;
	v16 =	vmin.f32 v14, $2.555000000e+02;
	(pc) =	sbr.rel @p0 .LBB2_5-.Ltmp1, $4  }
0xc2: {  	v15 =	vtrunc.f32 v15;
	v27 =	vor.u32 v0, v9;
	v18 =	vtrunc.f32 v26  }
0xc3: {  	v17 =	vtrunc.f32 v28;
	v26 =	vor.u32 v0, v10;
	v13 =	vtrunc.f32 v29  }
0xc4: {  	v10 =	vtrunc.f32 v31;
	v25 =	vor.u32 v0, v11;
	v14 =	vtrunc.f32 v30  }
0xc5: {  	v12 =	vor.u32 v0, v12;
	v9 =	vtrunc.f32 v33;
	v11 =	vtrunc.f32 v32  }
0xc6: {  	_ =	sdelay $0x1  }
0xc7: {  	v23 =	vtrunc.f32 v23  }
0xc8: {  	v24 =	vtrunc.f32 v24;
	v6 =	vor.u32 v0, v6;
	v21 =	vtrunc.f32 v21  }
0xc9: {  	v22 =	vtrunc.f32 v22;
	[tilespmem:v27+s11+$0x0] =	vst.idx.add.f32.msk $0xffff, v3;
	v7 =	vor.u32 v0, v7;
	v19 =	vtrunc.f32 v19  }
0xca: {  	v20 =	vtrunc.f32 v20;
	[tilespmem:v26+s11+$0x0] =	vst.idx.add.f32.msk $0xffff, v3;
	v5 =	vor.u32 v0, v5;
	v18 =	vcvt.f32.s32 v18  }
0xcb: {  	v16 =	vtrunc.f32 v16;
	[tilespmem:v25+s11+$0x0] =	vst.idx.add.f32.msk $0xffff, v3;
	v4 =	vor.u32 v0, v4;
	v15 =	vcvt.f32.s32 v15  }
0xcc: {  	v17 =	vcvt.f32.s32 v17;
	[tilespmem:v12+s11+$0x0] =	vst.idx.add.f32.msk $0xffff, v3;
	v8 =	vor.u32 v0, v8;
	v12 =	vshll.u32 v18, $0x4  }
0xcd: {  	v13 =	vcvt.f32.s32 v13;
	v15 =	vshll.u32 v15, $0x4;
	[tilespmem:v6+s11+$0x0] =	vst.idx.add.f32.msk $0xffff, v3;
	v6 =	vor.u32 v0, v12  }
0xce: {  	v12 =	vcvt.f32.s32 v14;
	v14 =	vshll.u32 v17, $0x4;
	[tilespmem:v7+s11+$0x0] =	vst.idx.add.f32.msk $0xffff, v3;
	v7 =	vor.u32 v0, v15  }
0xcf: {  	v10 =	vcvt.f32.s32 v10;
	v13 =	vshll.u32 v13, $0x4;
	[tilespmem:v5+s11+$0x0] =	vst.idx.add.f32.msk $0xffff, v3;
	v5 =	vor.u32 v0, v14  }
0xd0: {  	v11 =	vcvt.f32.s32 v11;
	[tilespmem:v4+s11+$0x0] =	vst.idx.add.f32.msk $0xffff, v3;
	v4 =	vor.u32 v0, v13;
	v12 =	vshll.u32 v12, $0x4  }
0xd1: {  	v9 =	vcvt.f32.s32 v9;
	v10 =	vshll.u32 v10, $0x4;
	[tilespmem:v8+s11+$0x0] =	vst.idx.add.f32.msk $0xffff, v3;
	v8 =	vor.u32 v0, v12  }
0xd2: {  	v11 =	vshll.u32 v11, $0x4;
	v12 =	vcvt.f32.s32 v23;
	[tilespmem:v6+s11+$0x0] =	vst.idx.add.f32.msk $0xffff, v3;
	v6 =	vor.u32 v0, v10  }
0xd3: {  	v9 =	vshll.u32 v9, $0x4;
	v10 =	vcvt.f32.s32 v24;
	[tilespmem:v7+s11+$0x0] =	vst.idx.add.f32.msk $0xffff, v3;
	v7 =	vor.u32 v0, v11  }
0xd4: {  	v11 =	vcvt.f32.s32 v21;
	v12 =	vshll.u32 v12, $0x4;
	[tilespmem:v5+s11+$0x0] =	vst.idx.add.f32.msk $0xffff, v3;
	v5 =	vor.u32 v0, v9  }
0xd5: {  	[tilespmem:v4+s11+$0x0] =	vst.idx.add.f32.msk $0xffff, v3;
	v9 =	vcvt.f32.s32 v22;
	v4 =	vor.u32 v0, v12;
	v10 =	vshll.u32 v10, $0x4  }
0xd6: {  	v12 =	vcvt.f32.s32 v19;
	v11 =	vshll.u32 v11, $0x4;
	[tilespmem:v8+s11+$0x0] =	vst.idx.add.f32.msk $0xffff, v3;
	v8 =	vor.u32 v0, v10  }
0xd7: {  	v10 =	vcvt.f32.s32 v20;
	v9 =	vshll.u32 v9, $0x4;
	[tilespmem:v6+s11+$0x0] =	vst.idx.add.f32.msk $0xffff, v3;
	v6 =	vor.u32 v0, v11  }
0xd8: {  	v12 =	vshll.u32 v12, $0x4;
	v11 =	vcvt.f32.s32 v16;
	[tilespmem:v7+s11+$0x0] =	vst.idx.add.f32.msk $0xffff, v3;
	v7 =	vor.u32 v0, v9  }
0xd9: {  	v9 =	vshll.u32 v10, $0x4;
	[tilespmem:v5+s11+$0x0] =	vst.idx.add.f32.msk $0xffff, v3;
	v5 =	vor.u32 v0, v12  }
0xda: {  	[tilespmem:v4+s11+$0x0] =	vst.idx.add.f32.msk $0xffff, v3;
	v4 =	vor.u32 v0, v9;
	v10 =	vshll.u32 v11, $0x4  }
0xdb: {  	[tilespmem:v8+s11+$0x0] =	vst.idx.add.f32.msk $0xffff, v3;
	v8 =	vor.u32 v0, v10  }
0xdc: {  	[tilespmem:v6+s11+$0x0] =	vst.idx.add.f32.msk $0xffff, v3  }
0xdd: {  	p0 =	seq.s32 s18, $0x7;
	[tilespmem:v7+s11+$0x0] =	vst.idx.add.f32.msk $0xffff, v3  }
0xde: {  	s19 =	sadd.s32 @!p0 s9, s19;
	[tilespmem:v5+s11+$0x0] =	vst.idx.add.f32.msk $0xffff, v3  }
0xdf: {  	s28 =	simm.s32 $0x0;
	s29 =	simm.s32 $0x0;
	s19 =	sshrl.u32 @!p0 s19, $0x3;
	[tilespmem:v4+s11+$0x0] =	vst.idx.add.f32.msk $0xffff, v3  }
0xe0: {  	s21 =	simm.s32 $0x0;
	s20 =	simm.s32 @!p0 $0x0;
	s19 =	sadd.s32 @!p0 s1, s19;
	[tilespmem:v8+s11+$0x0] =	vst.idx.add.f32.msk $0xffff, v3  }
0xe1: {  	[tilespmem:s20], [sflag:$0x1] =	stream.linear.gather @!p0 [hbm4b:s19+s20], $0xC000, $0x38;
	[tilespmem:$0x19100] =	vst v63  }
0xe2: {  	s20 =	sand.u32 $0xF000, s29;
	s19 =	sand.u32 $0x800, s28;
	_ =	swait.ge [sflag:s12], $0xC000  }
0xe3: {  	s21 =	sand.u32 $0x380, s21;
	s19 =	sor.u32 s19, s20;
	[sflag:s12] =	ssyncset.done $0x0  }
0xe4: {  	s19 =	sor.u32 s21, s19;
	[sflag:s12] =	ssyncadd.s32 $0xFFFF4000  }
0xe5: {  	v4 =	vld [tilespmem:s19+$0xC470]  }
0xe6: {  	v5 =	vld [tilespmem:s19+$0xC000]  }
0xe7: {  	v6 =	vld [tilespmem:s19+$0xC010]  }
0xe8: {  	v7 =	vld [tilespmem:s19+$0xC020]  }
0xe9: {  	v8 =	vld [tilespmem:s19+$0xC030]  }
0xea: {  	v9 =	vld [tilespmem:s19+$0xC040]  }
0xeb: {  	v10 =	vld [tilespmem:s19+$0xC050]  }
0xec: {  	v11 =	vld [tilespmem:s19+$0xC060]  }
0xed: {  	v12 =	vld [tilespmem:s19+$0xC070]  }
0xee: {  	v13 =	vld [tilespmem:s19+$0xC400]  }
0xef: {  	v14 =	vld [tilespmem:s19+$0xC410]  }
0xf0: {  	v15 =	vld [tilespmem:s19+$0xC420]  }
0xf1: {  	v16 =	vld [tilespmem:s19+$0xC430];
	v4 =	vmul.f32 $2.550000000e+02, v4  }
0xf2: {  	v17 =	vld [tilespmem:s19+$0xC440];
	v5 =	vmul.f32 $2.550000000e+02, v5;
	v6 =	vmul.f32 $2.550000000e+02, v6  }
0xf3: {  	v18 =	vld [tilespmem:s19+$0xC450];
	v7 =	vmul.f32 $2.550000000e+02, v7;
	v8 =	vmul.f32 $2.550000000e+02, v8  }
0xf4: {  	v19 =	vld [tilespmem:s19+$0xC460];
	v9 =	vmul.f32 $2.550000000e+02, v9;
	v10 =	vmul.f32 $2.550000000e+02, v10  }
0xf5: {  	v11 =	vmul.f32 $2.550000000e+02, v11;
	v12 =	vmul.f32 $2.550000000e+02, v12  }
0xf6: {  	v13 =	vmul.f32 $2.550000000e+02, v13;
	v14 =	vmul.f32 $2.550000000e+02, v14  }
0xf7: {  	v15 =	vmul.f32 $2.550000000e+02, v15;
	v16 =	vmul.f32 $2.550000000e+02, v16  }
0xf8: {  	v17 =	vmul.f32 $2.550000000e+02, v17;
	v18 =	vmul.f32 $2.550000000e+02, v18  }
0xf9: {  	v19 =	vmul.f32 $2.550000000e+02, v19;
	v4 =	vmul.f32 v4, v60  }
0xfa: {  	v5 =	vmul.f32 v5, v60;
	v6 =	vmul.f32 v6, v60  }
0xfb: {  	v7 =	vmul.f32 v7, v60;
	v8 =	vmul.f32 v8, v60  }
0xfc: {  	v9 =	vmul.f32 v9, v60;
	v10 =	vmul.f32 v10, v60  }
0xfd: {  	v11 =	vmul.f32 v11, v60;
	v12 =	vmul.f32 v12, v60  }
0xfe: {  	v13 =	vmul.f32 v13, v60;
	v14 =	vmul.f32 v14, v60  }
0xff: {  	s30 =	simm.s32 $0x100;
	s19 =	simm.s32 $0x800;
	v15 =	vmul.f32 v15, v60;
	v16 =	vmul.f32 v16, v60  }
0x100: {  	s22 =	simm.s32 $0x40;
	s20 =	sand.u32 $0xF000, s30;
	s31 =	sand.u32 $0x800, s19;
	v17 =	vmul.f32 v17, v60;
	v18 =	vmul.f32 v18, v60  }
0x101: {  	s22 =	sand.u32 $0x380, s22;
	s20 =	sor.u32 s31, s20;
	v19 =	vmul.f32 v19, v60;
	v4 =	vmul.f32 $2.560000000e+02, v4  }
0x102: {  	s20 =	sor.u32 s22, s20;
	v5 =	vmul.f32 $2.560000000e+02, v5;
	v6 =	vmul.f32 $2.560000000e+02, v6  }
0x103: {  	v25 =	vld [tilespmem:s20+$0xC040];
	v7 =	vmul.f32 $2.560000000e+02, v7;
	v8 =	vmul.f32 $2.560000000e+02, v8  }
0x104: {  	v26 =	vld [tilespmem:s20+$0xC050];
	v9 =	vmul.f32 $2.560000000e+02, v9;
	v10 =	vmul.f32 $2.560000000e+02, v10  }
0x105: {  	v34 =	vld [tilespmem:s20+$0xC420];
	v11 =	vmul.f32 $2.560000000e+02, v11;
	v12 =	vmul.f32 $2.560000000e+02, v12  }
0x106: {  	v13 =	vmul.f32 $2.560000000e+02, v13;
	v14 =	vmul.f32 $2.560000000e+02, v14  }
0x107: {  	v15 =	vmul.f32 $2.560000000e+02, v15;
	v16 =	vmul.f32 $2.560000000e+02, v16  }
0x108: {  	v17 =	vmul.f32 $2.560000000e+02, v17;
	v18 =	vmul.f32 $2.560000000e+02, v18  }
0x109: {  	v19 =	vmul.f32 $2.560000000e+02, v19;
	v25 =	vmul.f32 $2.550000000e+02, v25  }
0x10a: {  	v26 =	vmul.f32 $2.550000000e+02, v26;
	v34 =	vmul.f32 $2.550000000e+02, v34  }
0x10b: {  	v4 =	vmin.f32 v4, $2.555000000e+02;
	v5 =	vmin.f32 v5, $2.555000000e+02;
	v6 =	vmin.f32 v6, $2.555000000e+02  }
0x10c: {  	v7 =	vmin.f32 v7, $2.555000000e+02;
	v8 =	vmin.f32 v8, $2.555000000e+02;
	v9 =	vmin.f32 v9, $2.555000000e+02  }
0x10d: {  	v10 =	vmin.f32 v10, $2.555000000e+02;
	v11 =	vmin.f32 v11, $2.555000000e+02;
	v26 =	vmul.f32 v26, v60  }
0x10e: {  	v12 =	vmin.f32 v12, $2.555000000e+02;
	v4 =	vtrunc.f32 v4;
	v5 =	vtrunc.f32 v5  }
0x10f: {  	v13 =	vmin.f32 v13, $2.555000000e+02;
	v6 =	vtrunc.f32 v6;
	v7 =	vtrunc.f32 v7  }
0x110: {  	v14 =	vmin.f32 v14, $2.555000000e+02;
	v8 =	vtrunc.f32 v8;
	v9 =	vtrunc.f32 v9  }
0x111: {  	v15 =	vmin.f32 v15, $2.555000000e+02;
	v10 =	vtrunc.f32 v10;
	v11 =	vtrunc.f32 v11  }
0x112: {  	v16 =	vmin.f32 v16, $2.555000000e+02;
	v12 =	vtrunc.f32 v12;
	v13 =	vtrunc.f32 v13  }
0x113: {  	v17 =	vmin.f32 v17, $2.555000000e+02;
	v14 =	vtrunc.f32 v14;
	v15 =	vtrunc.f32 v15  }
0x114: {  	v18 =	vmin.f32 v18, $2.555000000e+02;
	v16 =	vtrunc.f32 v16;
	v17 =	vtrunc.f32 v17  }
0x115: {  	v19 =	vmin.f32 v19, $2.555000000e+02;
	v18 =	vtrunc.f32 v18;
	v5 =	vcvt.f32.s32 v5  }
0x116: {  	v19 =	vtrunc.f32 v19;
	v6 =	vcvt.f32.s32 v6  }
0x117: {  	v4 =	vcvt.f32.s32 v4;
	v8 =	vcvt.f32.s32 v8;
	v21 =	vshll.u32 v5, $0x4;
	v5 =	vld [tilespmem:s20+$0xC000]  }
0x118: {  	v7 =	vcvt.f32.s32 v7;
	v13 =	vcvt.f32.s32 v13;
	v22 =	vshll.u32 v6, $0x4;
	v6 =	vld [tilespmem:s20+$0xC010]  }
0x119: {  	v9 =	vcvt.f32.s32 v9;
	v10 =	vcvt.f32.s32 v10;
	v24 =	vshll.u32 v8, $0x4;
	v8 =	vld [tilespmem:s20+$0xC030]  }
0x11a: {  	v11 =	vcvt.f32.s32 v11;
	v4 =	vshll.u32 v4, $0x4;
	v30 =	vshll.u32 v13, $0x4;
	v13 =	vld [tilespmem:s20+$0xC400]  }
0x11b: {  	v12 =	vcvt.f32.s32 v12;
	v14 =	vcvt.f32.s32 v14;
	v20 =	vor.u32 v0, v4;
	v4 =	vld [tilespmem:s20+$0xC470]  }
0x11c: {  	v15 =	vcvt.f32.s32 v15;
	v16 =	vcvt.f32.s32 v16;
	v23 =	vshll.u32 v7, $0x4;
	v7 =	vld [tilespmem:s20+$0xC020]  }
0x11d: {  	v27 =	vld [tilespmem:s20+$0xC060];
	v17 =	vcvt.f32.s32 v17;
	v18 =	vcvt.f32.s32 v18  }
0x11e: {  	v29 =	vld [tilespmem:s20+$0xC070];
	v19 =	vcvt.f32.s32 v19;
	v9 =	vshll.u32 v9, $0x4;
	v5 =	vmul.f32 $2.550000000e+02, v5  }
0x11f: {  	v10 =	vshll.u32 v10, $0x4;
	v6 =	vmul.f32 $2.550000000e+02, v6;
	v8 =	vmul.f32 $2.550000000e+02, v8  }
0x120: {  	v11 =	vshll.u32 v11, $0x4;
	v13 =	vmul.f32 $2.550000000e+02, v13;
	v4 =	vmul.f32 $2.550000000e+02, v4  }
0x121: {  	v31 =	vshll.u32 v14, $0x4;
	v28 =	vmul.f32 v5, v60;
	v5 =	vmul.f32 $2.550000000e+02, v7  }
0x122: {  	v14 =	vmul.f32 v6, v60;
	v6 =	vshll.u32 v15, $0x4;
	v15 =	vmul.f32 $2.550000000e+02, v27  }
0x123: {  	v7 =	vshll.u32 v16, $0x4;
	v16 =	vmul.f32 $2.550000000e+02, v29;
	v13 =	vmul.f32 v13, v60  }
0x124: {  	v12 =	vshll.u32 v12, $0x4;
	v4 =	vmul.f32 v4, v60;
	v33 =	vmul.f32 v5, v60  }
0x125: {  	v27 =	vld [tilespmem:s20+$0xC430];
	v5 =	vshll.u32 v17, $0x4;
	v17 =	vmul.f32 v8, v60;
	v15 =	vmul.f32 v15, v60  }
0x126: {  	v32 =	vld [tilespmem:s20+$0xC410];
	v21 =	vor.u32 v0, v21;
	v16 =	vmul.f32 v16, v60;
	v4 =	vmul.f32 $2.560000000e+02, v4  }
0x127: {  	v9 =	vor.u32 v0, v9;
	v14 =	vmul.f32 $2.560000000e+02, v14;
	v13 =	vmul.f32 $2.560000000e+02, v13  }
0x128: {  	v36 =	vld [tilespmem:s20+$0xC450];
	v17 =	vmul.f32 $2.560000000e+02, v17;
	v16 =	vmul.f32 $2.560000000e+02, v16;
	v4 =	vmin.f32 v4, $2.555000000e+02  }
0x129: {  	v29 =	vld [tilespmem:s20+$0xC440];
	v14 =	vmin.f32 v14, $2.555000000e+02;
	v15 =	vmul.f32 $2.560000000e+02, v15;
	v4 =	vtrunc.f32 v4  }
0x12a: {  	v27 =	vmul.f32 $2.550000000e+02, v27;
	v39 =	vmin.f32 v16, $2.555000000e+02;
	v35 =	vcvt.f32.s32 v4  }
0x12b: {  	v4 =	vshll.u32 v18, $0x4;
	v18 =	vmul.f32 v25, v60;
	v25 =	vmul.f32 $2.550000000e+02, v32;
	v32 =	vld [tilespmem:s20+$0xC460]  }
0x12c: {  	[tilespmem:v9+s11+$0x0] =	vst.idx.add.f32.msk $0xffff, v3;
	v27 =	vmul.f32 v27, v60;
	v9 =	vtrunc.f32 v39;
	v8 =	vshll.u32 v35, $0x4  }
0x12d: {  	v18 =	vmul.f32 $2.560000000e+02, v18;
	v35 =	vor.u32 v0, v8;
	v8 =	vshll.u32 v19, $0x4  }
0x12e: {  	v19 =	vmul.f32 $2.550000000e+02, v29;
	v29 =	vmul.f32 $2.550000000e+02, v36;
	v36 =	vor.u32 v0, v22  }
0x12f: {  	v22 =	vmul.f32 v25, v60;
	v37 =	vmin.f32 v18, $2.555000000e+02;
	v18 =	vmul.f32 $2.560000000e+02, v27  }
0x130: {  	v25 =	vmul.f32 $2.550000000e+02, v32;
	v32 =	vor.u32 v0, v23;
	v23 =	vmul.f32 v34, v60  }
0x131: {  	v19 =	vmul.f32 v19, v60;
	v34 =	vor.u32 v0, v24;
	v24 =	vmul.f32 $2.560000000e+02, v28  }
0x132: {  	v29 =	vmul.f32 v29, v60;
	v28 =	vmul.f32 $2.560000000e+02, v33;
	v33 =	vor.u32 v0, v10  }
0x133: {  	v25 =	vmul.f32 v25, v60;
	v10 =	vmin.f32 v24, $2.555000000e+02;
	v24 =	vmul.f32 $2.560000000e+02, v26  }
0x134: {  	v26 =	vmin.f32 v28, $2.555000000e+02;
	v28 =	vmin.f32 v17, $2.555000000e+02;
	v17 =	vmul.f32 $2.560000000e+02, v22  }
0x135: {  	v27 =	vor.u32 v0, v11;
	v22 =	vmul.f32 $2.560000000e+02, v23;
	v19 =	vmul.f32 $2.560000000e+02, v19  }
0x136: {  	[tilespmem:v20+s11+$0x0] =	vst.idx.add.f32.msk $0xffff, v3;
	v20 =	vmul.f32 $2.560000000e+02, v29;
	v29 =	vmin.f32 v15, $2.555000000e+02;
	v15 =	vtrunc.f32 v14  }
0x137: {  	[tilespmem:v21+s11+$0x0] =	vst.idx.add.f32.msk $0xffff, v3;
	v23 =	vmin.f32 v13, $2.555000000e+02;
	v14 =	vtrunc.f32 v37;
	v13 =	vtrunc.f32 v28  }
0x138: {  	[tilespmem:v35+s11+$0x0] =	vst.idx.add.f32.msk $0xffff, v3;
	v11 =	vtrunc.f32 v29;
	v38 =	vmin.f32 v24, $2.555000000e+02;
	v25 =	vmul.f32 $2.560000000e+02, v25  }
0x139: {  	[tilespmem:v36+s11+$0x0] =	vst.idx.add.f32.msk $0xffff, v3;
	v24 =	vmin.f32 v17, $2.555000000e+02;
	v21 =	vmin.f32 v22, $2.555000000e+02;
	v22 =	vmin.f32 v18, $2.555000000e+02  }
0x13a: {  	v19 =	vmin.f32 v19, $2.555000000e+02;
	v17 =	vtrunc.f32 v26;
	v26 =	vor.u32 v0, v12;
	[tilespmem:v32+s11+$0x0] =	vst.idx.add.f32.msk $0xffff, v3  }
0x13b: {  	v20 =	vmin.f32 v20, $2.555000000e+02;
	[tilespmem:v34+s11+$0x0] =	vst.idx.add.f32.msk $0xffff, v3;
	v16 =	vmin.f32 v25, $2.555000000e+02;
	v25 =	vor.u32 v0, v30  }
0x13c: {  	s20 =	simm.s32 $0x10;
	v18 =	vtrunc.f32 v10;
	v12 =	vor.u32 v0, v31;
	v10 =	vtrunc.f32 v38;
	[tilespmem:v33+s11+$0x0] =	vst.idx.add.f32.msk $0xffff, v3  }
.LBB2_7:
0x13d: {  	s20 =	sadd.s32 $0x10, s20;
	v23 =	vtrunc.f32 v23;
	v24 =	vtrunc.f32 v24;
	v28 =	vor.u32 v0, v6  }
0x13e: {  	v6 =	vtrunc.f32 v21;
	v21 =	vtrunc.f32 v22;
	s19 =	sadd.s32 $0x800, s19;
	v22 =	vor.u32 v0, v7;
	s21 =	sshll.u32 s20, $0x4;
	p0 =	slt.u32 s20, $0xBF0;
	[tilespmem:v27+s11+$0x0] =	vst.idx.add.f32.msk $0xffff, v3  }
0x13f: {  	v7 =	vtrunc.f32 v19;
	v19 =	vtrunc.f32 v20;
	v20 =	vor.u32 v0, v5;
	s22 =	sand.u32 $0x800, s19;
	s23 =	sshll.u32 s20, $0x2;
	s21 =	sand.u32 $0xF000, s21;
	[tilespmem:v26+s11+$0x0] =	vst.idx.add.f32.msk $0xffff, v3  }
0x140: {  	v5 =	vcvt.f32.s32 v18;
	v16 =	vtrunc.f32 v16;
	v18 =	vor.u32 v0, v4;
	s23 =	sand.u32 $0x380, s23;
	s21 =	sor.u32 s22, s21;
	[tilespmem:v25+s11+$0x0] =	vst.idx.add.f32.msk $0xffff, v3  }
0x141: {  	v4 =	vcvt.f32.s32 v15;
	v15 =	vcvt.f32.s32 v17;
	v17 =	vor.u32 v0, v8;
	s21 =	sor.u32 s23, s21;
	[tilespmem:v12+s11+$0x0] =	vst.idx.add.f32.msk $0xffff, v3  }
0x142: {  	v25 =	vshll.u32 v5, $0x4;
	v5 =	vcvt.f32.s32 v13;
	v12 =	vcvt.f32.s32 v14;
	v8 =	vld [tilespmem:s21+$0xC470]  }
0x143: {  	v14 =	vshll.u32 v4, $0x4;
	v4 =	vcvt.f32.s32 v10;
	v10 =	vcvt.f32.s32 v11;
	v13 =	vld [tilespmem:s21+$0xC000]  }
0x144: {  	v23 =	vcvt.f32.s32 v23;
	v15 =	vshll.u32 v15, $0x4;
	v26 =	vcvt.f32.s32 v9;
	v11 =	vld [tilespmem:s21+$0xC010]  }
0x145: {  	v6 =	vcvt.f32.s32 v6;
	v29 =	vshll.u32 v5, $0x4;
	v5 =	vcvt.f32.s32 v24;
	v27 =	vld [tilespmem:s21+$0xC020]  }
0x146: {  	v21 =	vcvt.f32.s32 v21;
	v31 =	vcvt.f32.s32 v7;
	v30 =	vshll.u32 v12, $0x4;
	v24 =	vld [tilespmem:s21+$0xC030]  }
0x147: {  	v32 =	vshll.u32 v4, $0x4;
	v4 =	vcvt.f32.s32 v19;
	v7 =	vld [tilespmem:s21+$0xC040];
	v8 =	vmul.f32 $2.550000000e+02, v8  }
0x148: {  	v16 =	vcvt.f32.s32 v16;
	v9 =	vshll.u32 v10, $0x4;
	v12 =	vmul.f32 $2.550000000e+02, v13;
	v13 =	vld [tilespmem:s21+$0xC050]  }
0x149: {  	v10 =	vshll.u32 v26, $0x4;
	v19 =	vmul.f32 $2.550000000e+02, v11;
	v33 =	vld [tilespmem:s21+$0xC060];
	v8 =	vmul.f32 v8, v60  }
0x14a: {  	v11 =	vshll.u32 v23, $0x4;
	v26 =	vmul.f32 v12, v60;
	v27 =	vmul.f32 $2.550000000e+02, v27;
	v34 =	vld [tilespmem:s21+$0xC070]  }
0x14b: {  	v12 =	vshll.u32 v5, $0x4;
	v23 =	vmul.f32 $2.550000000e+02, v24;
	v24 =	vld [tilespmem:s21+$0xC400];
	v8 =	vmul.f32 $2.560000000e+02, v8  }
0x14c: {  	v6 =	vshll.u32 v6, $0x4;
	v19 =	vmul.f32 v19, v60;
	v35 =	vmul.f32 $2.550000000e+02, v7;
	v36 =	vld [tilespmem:s21+$0xC410]  }
0x14d: {  	v27 =	vmul.f32 v27, v60;
	v13 =	vmul.f32 $2.550000000e+02, v13;
	v37 =	vld [tilespmem:s21+$0xC420];
	v5 =	vmin.f32 v8, $2.555000000e+02  }
0x14e: {  	v7 =	vshll.u32 v21, $0x4;
	v8 =	vmul.f32 $2.550000000e+02, v33;
	v33 =	vld [tilespmem:s21+$0xC430];
	v5 =	vtrunc.f32 v5  }
0x14f: {  	v21 =	vmul.f32 $2.550000000e+02, v34;
	v34 =	vld [tilespmem:s21+$0xC440];
	v38 =	vcvt.f32.s32 v5;
	v5 =	vshll.u32 v31, $0x4  }
0x150: {  	v4 =	vshll.u32 v4, $0x4;
	v23 =	vmul.f32 v23, v60;
	v24 =	vmul.f32 $2.550000000e+02, v24;
	v31 =	vld [tilespmem:s21+$0xC450]  }
0x151: {  	v35 =	vmul.f32 v35, v60;
	v36 =	vmul.f32 $2.550000000e+02, v36;
	v39 =	vld [tilespmem:s21+$0xC460];
	v38 =	vshll.u32 v38, $0x4  }
0x152: {  	v13 =	vmul.f32 v13, v60;
	v37 =	vmul.f32 $2.550000000e+02, v37;
	v38 =	vor.u32 v0, v38;
	[tilespmem:v28+s11+$0x0] =	vst.idx.add.f32.msk $0xffff, v3  }
0x153: {  	v28 =	vmul.f32 v8, v60;
	v8 =	vshll.u32 v16, $0x4;
	v33 =	vmul.f32 $2.550000000e+02, v33;
	[tilespmem:v22+s11+$0x0] =	vst.idx.add.f32.msk $0xffff, v3  }
0x154: {  	v16 =	vmul.f32 v21, v60;
	v22 =	vor.u32 v0, v25;
	v21 =	vmul.f32 $2.550000000e+02, v34;
	[tilespmem:v20+s11+$0x0] =	vst.idx.add.f32.msk $0xffff, v3  }
0x155: {  	v14 =	vor.u32 v0, v14;
	v20 =	vmul.f32 v24, v60;
	v24 =	vmul.f32 $2.550000000e+02, v31;
	[tilespmem:v18+s11+$0x0] =	vst.idx.add.f32.msk $0xffff, v3  }
0x156: {  	v15 =	vor.u32 v0, v15;
	v18 =	vmul.f32 v36, v60;
	v25 =	vmul.f32 $2.550000000e+02, v39;
	[tilespmem:v17+s11+$0x0] =	vst.idx.add.f32.msk $0xffff, v3  }
0x157: {  	v31 =	vmul.f32 v33, v60;
	v17 =	vmul.f32 v37, v60;
	[tilespmem:v38+s11+$0x0] =	vst.idx.add.f32.msk $0xffff, v3  }
0x158: {  	v29 =	vor.u32 v0, v29;
	v21 =	vmul.f32 v21, v60;
	v24 =	vmul.f32 v24, v60  }
0x159: {  	v26 =	vmul.f32 $2.560000000e+02, v26;
	v25 =	vmul.f32 v25, v60;
	[tilespmem:v22+s11+$0x0] =	vst.idx.add.f32.msk $0xffff, v3;
	v22 =	vor.u32 v0, v30  }
0x15a: {  	v19 =	vmul.f32 $2.560000000e+02, v19;
	v27 =	vmul.f32 $2.560000000e+02, v27;
	[tilespmem:v14+s11+$0x0] =	vst.idx.add.f32.msk $0xffff, v3;
	v14 =	vor.u32 v0, v32  }
0x15b: {  	v26 =	vmin.f32 v26, $2.555000000e+02;
	v23 =	vmul.f32 $2.560000000e+02, v23;
	v30 =	vmul.f32 $2.560000000e+02, v35;
	[tilespmem:v15+s11+$0x0] =	vst.idx.add.f32.msk $0xffff, v3  }
0x15c: {  	v13 =	vmul.f32 $2.560000000e+02, v13;
	v15 =	vmin.f32 v19, $2.555000000e+02;
	v19 =	vmul.f32 $2.560000000e+02, v28  }
0x15d: {  	v16 =	vmul.f32 $2.560000000e+02, v16;
	v20 =	vmul.f32 $2.560000000e+02, v20;
	v28 =	vmin.f32 v27, $2.555000000e+02;
	[tilespmem:v29+s11+$0x0] =	vst.idx.add.f32.msk $0xffff, v3  }
0x15e: {  	v18 =	vmul.f32 $2.560000000e+02, v18;
	v17 =	vmul.f32 $2.560000000e+02, v17;
	v29 =	vmin.f32 v23, $2.555000000e+02;
	[tilespmem:v22+s11+$0x0] =	vst.idx.add.f32.msk $0xffff, v3  }
0x15f: {  	v30 =	vmin.f32 v30, $2.555000000e+02;
	v27 =	vmul.f32 $2.560000000e+02, v21;
	v22 =	vmul.f32 $2.560000000e+02, v31;
	[tilespmem:v14+s11+$0x0] =	vst.idx.add.f32.msk $0xffff, v3  }
0x160: {  	v31 =	vmin.f32 v13, $2.555000000e+02;
	v13 =	vmul.f32 $2.560000000e+02, v24;
	v14 =	vmul.f32 $2.560000000e+02, v25  }
0x161: {  	v33 =	vmin.f32 v16, $2.555000000e+02;
	v32 =	vmin.f32 v19, $2.555000000e+02;
	v23 =	vmin.f32 v20, $2.555000000e+02  }
0x162: {  	v21 =	vmin.f32 v17, $2.555000000e+02;
	v24 =	vmin.f32 v18, $2.555000000e+02;
	v22 =	vmin.f32 v22, $2.555000000e+02  }
.Ltmp2:
0x163: {  	v19 =	vmin.f32 v27, $2.555000000e+02;
	v20 =	vmin.f32 v13, $2.555000000e+02;
	v16 =	vmin.f32 v14, $2.555000000e+02;
	(pc) =	sbr.rel @p0 .LBB2_7-.Ltmp2, $4  }
0x164: {  	v15 =	vtrunc.f32 v15;
	v27 =	vor.u32 v0, v9;
	v18 =	vtrunc.f32 v26  }
0x165: {  	v17 =	vtrunc.f32 v28;
	v26 =	vor.u32 v0, v10;
	v13 =	vtrunc.f32 v29  }
0x166: {  	v10 =	vtrunc.f32 v31;
	v25 =	vor.u32 v0, v11;
	v14 =	vtrunc.f32 v30  }
0x167: {  	v12 =	vor.u32 v0, v12;
	v9 =	vtrunc.f32 v33;
	v11 =	vtrunc.f32 v32  }
0x168: {  	_ =	sdelay $0x1  }
0x169: {  	v23 =	vtrunc.f32 v23  }
0x16a: {  	v24 =	vtrunc.f32 v24;
	v6 =	vor.u32 v0, v6;
	v21 =	vtrunc.f32 v21  }
0x16b: {  	v22 =	vtrunc.f32 v22;
	[tilespmem:v27+s11+$0x0] =	vst.idx.add.f32.msk $0xffff, v3;
	v7 =	vor.u32 v0, v7;
	v19 =	vtrunc.f32 v19  }
0x16c: {  	v20 =	vtrunc.f32 v20;
	[tilespmem:v26+s11+$0x0] =	vst.idx.add.f32.msk $0xffff, v3;
	v5 =	vor.u32 v0, v5;
	v18 =	vcvt.f32.s32 v18  }
0x16d: {  	[tilespmem:v25+s11+$0x0] =	vst.idx.add.f32.msk $0xffff, v3;
	v4 =	vor.u32 v0, v4;
	v15 =	vcvt.f32.s32 v15;
	v17 =	vcvt.f32.s32 v17  }
0x16e: {  	[tilespmem:v12+s11+$0x0] =	vst.idx.add.f32.msk $0xffff, v3;
	v8 =	vor.u32 v0, v8;
	v38 =	vcvt.f32.s32 v14;
	v36 =	vshll.u32 v18, $0x4  }
0x16f: {  	v13 =	vcvt.f32.s32 v13;
	v15 =	vshll.u32 v15, $0x4;
	v37 =	vor.u32 v0, v36;
	[tilespmem:v6+s11+$0x0] =	vst.idx.add.f32.msk $0xffff, v3  }
0x170: {  	v39 =	vshll.u32 v17, $0x4;
	v12 =	vshll.u32 v38, $0x4;
	v17 =	vor.u32 v0, v15;
	[tilespmem:v7+s11+$0x0] =	vst.idx.add.f32.msk $0xffff, v3  }
0x171: {  	v16 =	vtrunc.f32 v16;
	v10 =	vcvt.f32.s32 v10;
	v18 =	vor.u32 v0, v12;
	[tilespmem:v5+s11+$0x0] =	vst.idx.add.f32.msk $0xffff, v3  }
0x172: {  	v11 =	vcvt.f32.s32 v11;
	v13 =	vshll.u32 v13, $0x4;
	v5 =	vor.u32 v0, v39;
	[tilespmem:v4+s11+$0x0] =	vst.idx.add.f32.msk $0xffff, v3  }
0x173: {  	v27 =	vcvt.f32.s32 v24;
	v10 =	vshll.u32 v10, $0x4;
	v4 =	vor.u32 v0, v13;
	[tilespmem:v8+s11+$0x0] =	vst.idx.add.f32.msk $0xffff, v3  }
0x174: {  	v9 =	vcvt.f32.s32 v9;
	v11 =	vshll.u32 v11, $0x4;
	v26 =	vor.u32 v0, v10;
	[tilespmem:v37+s11+$0x0] =	vst.idx.add.f32.msk $0xffff, v3  }
0x175: {  	v25 =	vcvt.f32.s32 v23;
	v28 =	vor.u32 v0, v11;
	v10 =	vshll.u32 v27, $0x4;
	[tilespmem:v17+s11+$0x0] =	vst.idx.add.f32.msk $0xffff, v3  }
0x176: {  	v29 =	vcvt.f32.s32 v21;
	v9 =	vshll.u32 v9, $0x4;
	v32 =	vor.u32 v0, v10;
	[tilespmem:v18+s11+$0x0] =	vst.idx.add.f32.msk $0xffff, v3  }
0x177: {  	v35 =	vcvt.f32.s32 v16;
	v12 =	vshll.u32 v25, $0x4;
	[tilespmem:v5+s11+$0x0] =	vst.idx.add.f32.msk $0xffff, v3;
	v5 =	vor.u32 v0, v9  }
0x178: {  	v30 =	vcvt.f32.s32 v22;
	v11 =	vshll.u32 v29, $0x4;
	[tilespmem:v4+s11+$0x0] =	vst.idx.add.f32.msk $0xffff, v3;
	v4 =	vor.u32 v0, v12  }
0x179: {  	v31 =	vcvt.f32.s32 v19;
	v38 =	vshll.u32 v35, $0x4;
	v34 =	vor.u32 v0, v11;
	[tilespmem:v26+s11+$0x0] =	vst.idx.add.f32.msk $0xffff, v3  }
0x17a: {  	v33 =	vcvt.f32.s32 v20;
	v39 =	vor.u32 v0, v38;
	[tilespmem:v28+s11+$0x0] =	vst.idx.add.f32.msk $0xffff, v3;
	v9 =	vshll.u32 v30, $0x4  }
0x17b: {  	[tilespmem:v32+s11+$0x0] =	vst.idx.add.f32.msk $0xffff, v3;
	v12 =	vshll.u32 v31, $0x4;
	v36 =	vor.u32 v0, v9  }
0x17c: {  	s18 =	sadd.s32 $0x1, s18;
	v37 =	vshll.u32 v33, $0x4;
	[tilespmem:v5+s11+$0x0] =	vst.idx.add.f32.msk $0xffff, v3;
	v5 =	vor.u32 v0, v12  }
0x17d: {  	p0 =	sne.s32 s18, $0x8;
	[tilespmem:v4+s11+$0x0] =	vst.idx.add.f32.msk $0xffff, v3;
	v4 =	vor.u32 v0, v37  }
.Ltmp3:
0x17e: {  	[tilespmem:v34+s11+$0x0] =	vst.idx.add.f32.msk $0xffff, v3;
	(pc) =	sbr.rel @p0 .LBB2_4-.Ltmp3, $4  }
0x17f: {  	[tilespmem:v39+s11+$0x0] =	vst.idx.add.f32.msk $0xffff, v3  }
0x180: {  	[tilespmem:v36+s11+$0x0] =	vst.idx.add.f32.msk $0xffff, v3  }
0x181: {  	[tilespmem:v5+s11+$0x0] =	vst.idx.add.f32.msk $0xffff, v3  }
0x182: {  	[tilespmem:v4+s11+$0x0] =	vst.idx.add.f32.msk $0xffff, v3  }
0x183: {  	v5 =	vld [tilespmem:$0x1FDC0];
	_ =	sdelay $0x5  }
0x184: {  	v4 =	vld.idx.msk [tilespmem:v1+s11+$0x0], $0xffff;
	_ =	sdelay $0x1  }
0x185: {  	v5 =	vld.idx.msk [tilespmem:v5+s11+$0x0], $0xffff  }
0x186: {  	v6 =	vld [tilespmem:$0x1FDD0];
	_ =	sdelay $0x1  }
0x187: {  	v7 =	vld [tilespmem:$0x1FDE0];
	v4 =	vadd.f32 $0.0e+00, v4;
	_ =	sdelay $0x1  }
0x188: {  	v4 =	vadd.f32 v5, v4;
	v5 =	vld [tilespmem:$0x1FDF0];
	_ =	sdelay $0x3  }
0x189: {  	v6 =	vld.idx.msk [tilespmem:v6+s11+$0x0], $0xffff;
	_ =	sdelay $0x1  }
0x18a: {  	v7 =	vld.idx.msk [tilespmem:v7+s11+$0x0], $0xffff;
	_ =	sdelay $0x1  }
0x18b: {  	v5 =	vld.idx.msk [tilespmem:v5+s11+$0x0], $0xffff  }
0x18c: {  	v18 =	vld [tilespmem:$0x1FE00];
	v4 =	vadd.f32 v6, v4;
	_ =	sdelay $0x1  }
0x18d: {  	v19 =	vld [tilespmem:$0x1FE10];
	v4 =	vadd.f32 v7, v4;
	_ =	sdelay $0x1  }
0x18e: {  	v4 =	vadd.f32 v5, v4;
	v5 =	vld [tilespmem:$0x1FE20];
	_ =	sdelay $0x3  }
0x18f: {  	v6 =	vld.idx.msk [tilespmem:v18+s11+$0x0], $0xffff;
	_ =	sdelay $0x1  }
0x190: {  	v7 =	vld.idx.msk [tilespmem:v19+s11+$0x0], $0xffff;
	_ =	sdelay $0x1  }
0x191: {  	v5 =	vld.idx.msk [tilespmem:v5+s11+$0x0], $0xffff  }
0x192: {  	v20 =	vld [tilespmem:$0x1FE30];
	v4 =	vadd.f32 v6, v4;
	_ =	sdelay $0x1  }
0x193: {  	v21 =	vld [tilespmem:$0x1FE40];
	v4 =	vadd.f32 v7, v4;
	_ =	sdelay $0x1  }
0x194: {  	v4 =	vadd.f32 v5, v4;
	v5 =	vld [tilespmem:$0x1FE50];
	_ =	sdelay $0x3  }
0x195: {  	v6 =	vld.idx.msk [tilespmem:v20+s11+$0x0], $0xffff;
	_ =	sdelay $0x1  }
0x196: {  	v7 =	vld.idx.msk [tilespmem:v21+s11+$0x0], $0xffff;
	_ =	sdelay $0x1  }
0x197: {  	v5 =	vld.idx.msk [tilespmem:v5+s11+$0x0], $0xffff  }
0x198: {  	v22 =	vld [tilespmem:$0x1FE60];
	v4 =	vadd.f32 v6, v4;
	_ =	sdelay $0x1  }
0x199: {  	v23 =	vld [tilespmem:$0x1FE70];
	v4 =	vadd.f32 v7, v4;
	_ =	sdelay $0x1  }
0x19a: {  	v4 =	vadd.f32 v5, v4;
	v5 =	vld [tilespmem:$0x1FE80];
	_ =	sdelay $0x1  }
0x19b: {  	v24 =	vld [tilespmem:$0x1FE90]  }
0x19c: {  	v25 =	vld [tilespmem:$0x1FEA0]  }
0x19d: {  	v6 =	vld.idx.msk [tilespmem:v22+s11+$0x0], $0xffff;
	_ =	sdelay $0x1  }
0x19e: {  	v7 =	vld.idx.msk [tilespmem:v23+s11+$0x0], $0xffff;
	_ =	sdelay $0x1  }
0x19f: {  	v5 =	vld.idx.msk [tilespmem:v5+s11+$0x0], $0xffff  }
0x1a0: {  	v4 =	vadd.f32 v6, v4  }
0x1a1: {  	v6 =	vld.idx.msk [tilespmem:v24+s11+$0x0], $0xffff  }
0x1a2: {  	v4 =	vadd.f32 v7, v4  }
0x1a3: {  	v7 =	vld.idx.msk [tilespmem:v25+s11+$0x0], $0xffff  }
0x1a4: {  	v4 =	vadd.f32 v5, v4;
	_ =	sdelay $0x1  }
0x1a5: {  	v4 =	vadd.f32 v6, v4;
	_ =	sdelay $0x1  }
0x1a6: {  	v4 =	vadd.f32 v7, v4;
	_ =	sdelay $0x1  }
0x1a7: {  	[tilespmem:$0x19000] =	vst v4;
	v4 =	vld [tilespmem:$0x1FEB0];
	_ =	sdelay $0x1  }
0x1a8: {  	v5 =	vld [tilespmem:$0x1FEC0];
	_ =	sdelay $0x5  }
0x1a9: {  	v4 =	vld.idx.msk [tilespmem:v4+s11+$0x0], $0xffff;
	_ =	sdelay $0x1  }
0x1aa: {  	v5 =	vld.idx.msk [tilespmem:v5+s11+$0x0], $0xffff  }
0x1ab: {  	v26 =	vld [tilespmem:$0x1FED0];
	_ =	sdelay $0x1  }
0x1ac: {  	v27 =	vld [tilespmem:$0x1FEE0];
	v4 =	vadd.f32 $0.0e+00, v4;
	_ =	sdelay $0x1  }
0x1ad: {  	v4 =	vadd.f32 v5, v4;
	v5 =	vld [tilespmem:$0x1FEF0];
	_ =	sdelay $0x3  }
0x1ae: {  	v6 =	vld.idx.msk [tilespmem:v26+s11+$0x0], $0xffff;
	_ =	sdelay $0x1  }
0x1af: {  	v7 =	vld.idx.msk [tilespmem:v27+s11+$0x0], $0xffff;
	_ =	sdelay $0x1  }
0x1b0: {  	v5 =	vld.idx.msk [tilespmem:v5+s11+$0x0], $0xffff  }
0x1b1: {  	v28 =	vld [tilespmem:$0x1FF00];
	v4 =	vadd.f32 v6, v4;
	_ =	sdelay $0x1  }
0x1b2: {  	v29 =	vld [tilespmem:$0x1FF10];
	v4 =	vadd.f32 v7, v4;
	_ =	sdelay $0x1  }
0x1b3: {  	v4 =	vadd.f32 v5, v4;
	v5 =	vld [tilespmem:$0x1FF20];
	_ =	sdelay $0x3  }
0x1b4: {  	v6 =	vld.idx.msk [tilespmem:v28+s11+$0x0], $0xffff;
	_ =	sdelay $0x1  }
0x1b5: {  	v7 =	vld.idx.msk [tilespmem:v29+s11+$0x0], $0xffff;
	_ =	sdelay $0x1  }
0x1b6: {  	v5 =	vld.idx.msk [tilespmem:v5+s11+$0x0], $0xffff  }
0x1b7: {  	v30 =	vld [tilespmem:$0x1FF30];
	v4 =	vadd.f32 v6, v4;
	_ =	sdelay $0x1  }
0x1b8: {  	v31 =	vld [tilespmem:$0x1FF40];
	v4 =	vadd.f32 v7, v4;
	_ =	sdelay $0x1  }
0x1b9: {  	v4 =	vadd.f32 v5, v4;
	v5 =	vld [tilespmem:$0x1FF50];
	_ =	sdelay $0x3  }
0x1ba: {  	v6 =	vld.idx.msk [tilespmem:v30+s11+$0x0], $0xffff;
	_ =	sdelay $0x1  }
0x1bb: {  	v7 =	vld.idx.msk [tilespmem:v31+s11+$0x0], $0xffff;
	_ =	sdelay $0x1  }
0x1bc: {  	v5 =	vld.idx.msk [tilespmem:v5+s11+$0x0], $0xffff  }
0x1bd: {  	v32 =	vld [tilespmem:$0x1FF60];
	v4 =	vadd.f32 v6, v4;
	_ =	sdelay $0x1  }
0x1be: {  	v33 =	vld [tilespmem:$0x1FF70];
	v4 =	vadd.f32 v7, v4;
	_ =	sdelay $0x1  }
0x1bf: {  	v4 =	vadd.f32 v5, v4;
	v5 =	vld [tilespmem:$0x1FF80];
	_ =	sdelay $0x1  }
0x1c0: {  	v34 =	vld [tilespmem:$0x1FF90]  }
0x1c1: {  	v35 =	vld [tilespmem:$0x1FFA0]  }
0x1c2: {  	v6 =	vld.idx.msk [tilespmem:v32+s11+$0x0], $0xffff;
	_ =	sdelay $0x1  }
0x1c3: {  	v7 =	vld.idx.msk [tilespmem:v33+s11+$0x0], $0xffff;
	_ =	sdelay $0x1  }
0x1c4: {  	v5 =	vld.idx.msk [tilespmem:v5+s11+$0x0], $0xffff  }
0x1c5: {  	v4 =	vadd.f32 v6, v4  }
0x1c6: {  	v6 =	vld.idx.msk [tilespmem:v34+s11+$0x0], $0xffff  }
0x1c7: {  	v4 =	vadd.f32 v7, v4  }
0x1c8: {  	v7 =	vld.idx.msk [tilespmem:v35+s11+$0x0], $0xffff  }
0x1c9: {  	v4 =	vadd.f32 v5, v4;
	_ =	sdelay $0x1  }
0x1ca: {  	v4 =	vadd.f32 v6, v4;
	_ =	sdelay $0x1  }
0x1cb: {  	v4 =	vadd.f32 v7, v4;
	_ =	sdelay $0x1  }
0x1cc: {  	[tilespmem:$0x19010] =	vst v4;
	v4 =	vld [tilespmem:$0x1FFB0];
	_ =	sdelay $0x1  }
0x1cd: {  	v5 =	vld [tilespmem:$0x1FFC0];
	_ =	sdelay $0x5  }
0x1ce: {  	v4 =	vld.idx.msk [tilespmem:v4+s11+$0x0], $0xffff;
	_ =	sdelay $0x1  }
0x1cf: {  	v5 =	vld.idx.msk [tilespmem:v5+s11+$0x0], $0xffff  }
0x1d0: {  	v36 =	vld [tilespmem:$0x1FFD0];
	_ =	sdelay $0x1  }
0x1d1: {  	v37 =	vld [tilespmem:$0x1FFE0];
	v4 =	vadd.f32 $0.0e+00, v4;
	_ =	sdelay $0x1  }
0x1d2: {  	v4 =	vadd.f32 v5, v4;
	v5 =	vld [tilespmem:$0x1FFF0];
	_ =	sdelay $0x3  }
0x1d3: {  	v6 =	vld.idx.msk [tilespmem:v36+s11+$0x0], $0xffff;
	_ =	sdelay $0x1  }
0x1d4: {  	v7 =	vld.idx.msk [tilespmem:v37+s11+$0x0], $0xffff;
	_ =	sdelay $0x1  }
0x1d5: {  	v5 =	vld.idx.msk [tilespmem:v5+s11+$0x0], $0xffff  }
0x1d6: {  	v4 =	vadd.f32 v6, v4  }
0x1d7: {  	v38 =	vld.idx.msk [tilespmem:v40+s11+$0x0], $0xffff  }
0x1d8: {  	v4 =	vadd.f32 v7, v4  }
0x1d9: {  	v39 =	vld.idx.msk [tilespmem:v41+s11+$0x0], $0xffff  }
0x1da: {  	v4 =	vadd.f32 v5, v4  }
0x1db: {  	v5 =	vld.idx.msk [tilespmem:v42+s11+$0x0], $0xffff  }
0x1dc: {  	v4 =	vadd.f32 v38, v4  }
0x1dd: {  	v9 =	vld.idx.msk [tilespmem:v43+s11+$0x0], $0xffff  }
0x1de: {  	v4 =	vadd.f32 v39, v4  }
0x1df: {  	v10 =	vld.idx.msk [tilespmem:v44+s11+$0x0], $0xffff  }
0x1e0: {  	v4 =	vadd.f32 v5, v4  }
0x1e1: {  	v5 =	vld.idx.msk [tilespmem:v45+s11+$0x0], $0xffff  }
0x1e2: {  	v4 =	vadd.f32 v9, v4  }
0x1e3: {  	v11 =	vld.idx.msk [tilespmem:v46+s11+$0x0], $0xffff  }
0x1e4: {  	v4 =	vadd.f32 v10, v4  }
0x1e5: {  	v12 =	vld.idx.msk [tilespmem:v47+s11+$0x0], $0xffff  }
0x1e6: {  	v4 =	vadd.f32 v5, v4  }
0x1e7: {  	v5 =	vld.idx.msk [tilespmem:v48+s11+$0x0], $0xffff  }
0x1e8: {  	v4 =	vadd.f32 v11, v4  }
0x1e9: {  	v13 =	vld.idx.msk [tilespmem:v49+s11+$0x0], $0xffff  }
0x1ea: {  	v4 =	vadd.f32 v12, v4  }
0x1eb: {  	v14 =	vld.idx.msk [tilespmem:v50+s11+$0x0], $0xffff  }
0x1ec: {  	v4 =	vadd.f32 v5, v4;
	_ =	sdelay $0x1  }
0x1ed: {  	v4 =	vadd.f32 v13, v4;
	_ =	sdelay $0x1  }
0x1ee: {  	v4 =	vadd.f32 v14, v4;
	_ =	sdelay $0x1  }
0x1ef: {  	[tilespmem:$0x19020] =	vst v4  }
0x1f0: {  	v4 =	vld.idx.msk [tilespmem:v51+s11+$0x0], $0xffff;
	_ =	sdelay $0x1  }
0x1f1: {  	v5 =	vld.idx.msk [tilespmem:v52+s11+$0x0], $0xffff;
	_ =	sdelay $0x1  }
0x1f2: {  	v15 =	vld.idx.msk [tilespmem:v53+s11+$0x0], $0xffff  }
0x1f3: {  	v4 =	vadd.f32 $0.0e+00, v4  }
0x1f4: {  	v16 =	vld.idx.msk [tilespmem:v54+s11+$0x0], $0xffff  }
0x1f5: {  	v4 =	vadd.f32 v5, v4  }
0x1f6: {  	v5 =	vld.idx.msk [tilespmem:v55+s11+$0x0], $0xffff  }
0x1f7: {  	v4 =	vadd.f32 v15, v4  }
0x1f8: {  	v17 =	vld.idx.msk [tilespmem:v56+s11+$0x0], $0xffff  }
0x1f9: {  	v4 =	vadd.f32 v16, v4  }
0x1fa: {  	v18 =	vld.idx.msk [tilespmem:v57+s11+$0x0], $0xffff  }
0x1fb: {  	v4 =	vadd.f32 v5, v4  }
0x1fc: {  	v5 =	vld.idx.msk [tilespmem:v58+s11+$0x0], $0xffff  }
0x1fd: {  	v4 =	vadd.f32 v17, v4  }
0x1fe: {  	v19 =	vld.idx.msk [tilespmem:v59+s11+$0x0], $0xffff  }
0x1ff: {  	v4 =	vadd.f32 v18, v4  }
0x200: {  	v20 =	vld.idx.msk [tilespmem:v61+s11+$0x0], $0xffff  }
0x201: {  	v4 =	vadd.f32 v5, v4;
	v5 =	vor.u32 $0x30C, v1  }
0x202: {  	v8 =	vld.idx.msk [tilespmem:v62+s11+$0x0], $0xffff  }
0x203: {  	v21 =	vor.u32 $0x30D, v1;
	v4 =	vadd.f32 v19, v4  }
0x204: {  	v9 =	vld.idx.msk [tilespmem:v63+s11+$0x0], $0xffff  }
0x205: {  	v22 =	vor.u32 $0x30E, v1;
	v4 =	vadd.f32 v20, v4  }
0x206: {  	v5 =	vld.idx.msk [tilespmem:v5+s11+$0x0], $0xffff  }
0x207: {  	v23 =	vor.u32 $0x30F, v1;
	v4 =	vadd.f32 v8, v4  }
0x208: {  	v6 =	vld.idx.msk [tilespmem:v21+s11+$0x0], $0xffff  }
0x209: {  	v4 =	vadd.f32 v9, v4  }
0x20a: {  	v7 =	vld.idx.msk [tilespmem:v22+s11+$0x0], $0xffff  }
0x20b: {  	v4 =	vadd.f32 v5, v4  }
0x20c: {  	v5 =	vld.idx.msk [tilespmem:v23+s11+$0x0], $0xffff  }
0x20d: {  	v4 =	vadd.f32 v6, v4;
	_ =	sdelay $0x1  }
0x20e: {  	v24 =	vor.u32 $0x400, v1;
	v4 =	vadd.f32 v7, v4;
	_ =	sdelay $0x1  }
0x20f: {  	v4 =	vadd.f32 v5, v4;
	v5 =	vor.u32 $0x401, v1;
	_ =	sdelay $0x1  }
0x210: {  	[tilespmem:$0x19030] =	vst v4;
	v4 =	vor.u32 $0x402, v1  }
0x211: {  	v6 =	vld.idx.msk [tilespmem:v24+s11+$0x0], $0xffff  }
0x212: {  	v25 =	vor.u32 $0x403, v1  }
0x213: {  	v5 =	vld.idx.msk [tilespmem:v5+s11+$0x0], $0xffff  }
0x214: {  	v26 =	vor.u32 $0x404, v1  }
0x215: {  	v4 =	vld.idx.msk [tilespmem:v4+s11+$0x0], $0xffff  }
0x216: {  	v27 =	vor.u32 $0x405, v1;
	v6 =	vadd.f32 $0.0e+00, v6  }
0x217: {  	v7 =	vld.idx.msk [tilespmem:v25+s11+$0x0], $0xffff  }
0x218: {  	v28 =	vor.u32 $0x406, v1;
	v5 =	vadd.f32 v5, v6  }
0x219: {  	v8 =	vld.idx.msk [tilespmem:v26+s11+$0x0], $0xffff  }
0x21a: {  	v4 =	vadd.f32 v4, v5;
	v5 =	vor.u32 $0x407, v1  }
0x21b: {  	v9 =	vld.idx.msk [tilespmem:v27+s11+$0x0], $0xffff  }
0x21c: {  	v29 =	vor.u32 $0x408, v1;
	v4 =	vadd.f32 v7, v4  }
0x21d: {  	v6 =	vld.idx.msk [tilespmem:v28+s11+$0x0], $0xffff  }
0x21e: {  	v30 =	vor.u32 $0x409, v1;
	v4 =	vadd.f32 v8, v4  }
0x21f: {  	v5 =	vld.idx.msk [tilespmem:v5+s11+$0x0], $0xffff  }
0x220: {  	v31 =	vor.u32 $0x40A, v1;
	v4 =	vadd.f32 v9, v4  }
0x221: {  	v7 =	vld.idx.msk [tilespmem:v29+s11+$0x0], $0xffff  }
0x222: {  	v32 =	vor.u32 $0x40B, v1;
	v4 =	vadd.f32 v6, v4  }
0x223: {  	v8 =	vld.idx.msk [tilespmem:v30+s11+$0x0], $0xffff  }
0x224: {  	v4 =	vadd.f32 v5, v4;
	v5 =	vor.u32 $0x40C, v1  }
0x225: {  	v9 =	vld.idx.msk [tilespmem:v31+s11+$0x0], $0xffff  }
0x226: {  	v33 =	vor.u32 $0x40D, v1;
	v4 =	vadd.f32 v7, v4  }
0x227: {  	v6 =	vld.idx.msk [tilespmem:v32+s11+$0x0], $0xffff  }
0x228: {  	v34 =	vor.u32 $0x40E, v1;
	v4 =	vadd.f32 v8, v4  }
0x229: {  	v5 =	vld.idx.msk [tilespmem:v5+s11+$0x0], $0xffff  }
0x22a: {  	v35 =	vor.u32 $0x40F, v1;
	v4 =	vadd.f32 v9, v4  }
0x22b: {  	v7 =	vld.idx.msk [tilespmem:v33+s11+$0x0], $0xffff  }
0x22c: {  	v4 =	vadd.f32 v6, v4  }
0x22d: {  	v36 =	vld.idx.msk [tilespmem:v34+s11+$0x0], $0xffff  }
0x22e: {  	v4 =	vadd.f32 v5, v4  }
0x22f: {  	v5 =	vld.idx.msk [tilespmem:v35+s11+$0x0], $0xffff  }
0x230: {  	v4 =	vadd.f32 v7, v4;
	_ =	sdelay $0x1  }
0x231: {  	v37 =	vor.u32 $0x500, v1;
	v4 =	vadd.f32 v36, v4;
	_ =	sdelay $0x1  }
0x232: {  	v4 =	vadd.f32 v5, v4;
	v5 =	vor.u32 $0x501, v1;
	_ =	sdelay $0x1  }
0x233: {  	[tilespmem:$0x19040] =	vst v4;
	v4 =	vor.u32 $0x502, v1  }
0x234: {  	v6 =	vld.idx.msk [tilespmem:v37+s11+$0x0], $0xffff  }
0x235: {  	v38 =	vor.u32 $0x503, v1  }
0x236: {  	v5 =	vld.idx.msk [tilespmem:v5+s11+$0x0], $0xffff  }
0x237: {  	v39 =	vor.u32 $0x504, v1  }
0x238: {  	v4 =	vld.idx.msk [tilespmem:v4+s11+$0x0], $0xffff  }
0x239: {  	v12 =	vor.u32 $0x505, v1;
	v6 =	vadd.f32 $0.0e+00, v6  }
0x23a: {  	v7 =	vld.idx.msk [tilespmem:v38+s11+$0x0], $0xffff  }
0x23b: {  	v13 =	vor.u32 $0x506, v1;
	v5 =	vadd.f32 v5, v6  }
0x23c: {  	v8 =	vld.idx.msk [tilespmem:v39+s11+$0x0], $0xffff  }
0x23d: {  	v4 =	vadd.f32 v4, v5;
	v5 =	vor.u32 $0x507, v1  }
0x23e: {  	v9 =	vld.idx.msk [tilespmem:v12+s11+$0x0], $0xffff  }
0x23f: {  	v14 =	vor.u32 $0x508, v1;
	v4 =	vadd.f32 v7, v4  }
0x240: {  	v6 =	vld.idx.msk [tilespmem:v13+s11+$0x0], $0xffff  }
0x241: {  	v15 =	vor.u32 $0x509, v1;
	v4 =	vadd.f32 v8, v4  }
0x242: {  	v5 =	vld.idx.msk [tilespmem:v5+s11+$0x0], $0xffff  }
0x243: {  	v16 =	vor.u32 $0x50A, v1;
	v4 =	vadd.f32 v9, v4  }
0x244: {  	v7 =	vld.idx.msk [tilespmem:v14+s11+$0x0], $0xffff  }
0x245: {  	v17 =	vor.u32 $0x50B, v1;
	v4 =	vadd.f32 v6, v4  }
0x246: {  	v8 =	vld.idx.msk [tilespmem:v15+s11+$0x0], $0xffff  }
0x247: {  	v4 =	vadd.f32 v5, v4;
	v5 =	vor.u32 $0x50C, v1  }
0x248: {  	v9 =	vld.idx.msk [tilespmem:v16+s11+$0x0], $0xffff  }
0x249: {  	v18 =	vor.u32 $0x50D, v1;
	v4 =	vadd.f32 v7, v4  }
0x24a: {  	v6 =	vld.idx.msk [tilespmem:v17+s11+$0x0], $0xffff  }
0x24b: {  	v19 =	vor.u32 $0x50E, v1;
	v4 =	vadd.f32 v8, v4  }
0x24c: {  	v5 =	vld.idx.msk [tilespmem:v5+s11+$0x0], $0xffff  }
0x24d: {  	v20 =	vor.u32 $0x50F, v1;
	v4 =	vadd.f32 v9, v4  }
0x24e: {  	v7 =	vld.idx.msk [tilespmem:v18+s11+$0x0], $0xffff  }
0x24f: {  	v4 =	vadd.f32 v6, v4  }
0x250: {  	v21 =	vld.idx.msk [tilespmem:v19+s11+$0x0], $0xffff  }
0x251: {  	v4 =	vadd.f32 v5, v4  }
0x252: {  	v5 =	vld.idx.msk [tilespmem:v20+s11+$0x0], $0xffff  }
0x253: {  	v4 =	vadd.f32 v7, v4;
	_ =	sdelay $0x1  }
0x254: {  	v22 =	vor.u32 $0x600, v1;
	v4 =	vadd.f32 v21, v4;
	_ =	sdelay $0x1  }
0x255: {  	v4 =	vadd.f32 v5, v4;
	v5 =	vor.u32 $0x601, v1;
	_ =	sdelay $0x1  }
0x256: {  	[tilespmem:$0x19050] =	vst v4;
	v4 =	vor.u32 $0x602, v1  }
0x257: {  	v6 =	vld.idx.msk [tilespmem:v22+s11+$0x0], $0xffff  }
0x258: {  	v23 =	vor.u32 $0x603, v1  }
0x259: {  	v5 =	vld.idx.msk [tilespmem:v5+s11+$0x0], $0xffff  }
0x25a: {  	v24 =	vor.u32 $0x604, v1  }
0x25b: {  	v4 =	vld.idx.msk [tilespmem:v4+s11+$0x0], $0xffff  }
0x25c: {  	v25 =	vor.u32 $0x605, v1;
	v6 =	vadd.f32 $0.0e+00, v6  }
0x25d: {  	v7 =	vld.idx.msk [tilespmem:v23+s11+$0x0], $0xffff  }
0x25e: {  	v26 =	vor.u32 $0x606, v1;
	v5 =	vadd.f32 v5, v6  }
0x25f: {  	v8 =	vld.idx.msk [tilespmem:v24+s11+$0x0], $0xffff  }
0x260: {  	v4 =	vadd.f32 v4, v5;
	v5 =	vor.u32 $0x607, v1  }
0x261: {  	v9 =	vld.idx.msk [tilespmem:v25+s11+$0x0], $0xffff  }
0x262: {  	v27 =	vor.u32 $0x608, v1;
	v4 =	vadd.f32 v7, v4  }
0x263: {  	v6 =	vld.idx.msk [tilespmem:v26+s11+$0x0], $0xffff  }
0x264: {  	v28 =	vor.u32 $0x609, v1;
	v4 =	vadd.f32 v8, v4  }
0x265: {  	v5 =	vld.idx.msk [tilespmem:v5+s11+$0x0], $0xffff  }
0x266: {  	v29 =	vor.u32 $0x60A, v1;
	v4 =	vadd.f32 v9, v4  }
0x267: {  	v7 =	vld.idx.msk [tilespmem:v27+s11+$0x0], $0xffff  }
0x268: {  	v30 =	vor.u32 $0x60B, v1;
	v4 =	vadd.f32 v6, v4  }
0x269: {  	v8 =	vld.idx.msk [tilespmem:v28+s11+$0x0], $0xffff  }
0x26a: {  	v4 =	vadd.f32 v5, v4;
	v5 =	vor.u32 $0x60C, v1  }
0x26b: {  	v9 =	vld.idx.msk [tilespmem:v29+s11+$0x0], $0xffff  }
0x26c: {  	v31 =	vor.u32 $0x60D, v1;
	v4 =	vadd.f32 v7, v4  }
0x26d: {  	v6 =	vld.idx.msk [tilespmem:v30+s11+$0x0], $0xffff  }
0x26e: {  	v32 =	vor.u32 $0x60E, v1;
	v4 =	vadd.f32 v8, v4  }
0x26f: {  	v5 =	vld.idx.msk [tilespmem:v5+s11+$0x0], $0xffff  }
0x270: {  	v33 =	vor.u32 $0x60F, v1;
	v4 =	vadd.f32 v9, v4  }
0x271: {  	v7 =	vld.idx.msk [tilespmem:v31+s11+$0x0], $0xffff  }
0x272: {  	v4 =	vadd.f32 v6, v4  }
0x273: {  	v34 =	vld.idx.msk [tilespmem:v32+s11+$0x0], $0xffff  }
0x274: {  	v4 =	vadd.f32 v5, v4  }
0x275: {  	v5 =	vld.idx.msk [tilespmem:v33+s11+$0x0], $0xffff  }
0x276: {  	v4 =	vadd.f32 v7, v4;
	_ =	sdelay $0x1  }
0x277: {  	v35 =	vor.u32 $0x700, v1;
	v4 =	vadd.f32 v34, v4;
	_ =	sdelay $0x1  }
0x278: {  	v4 =	vadd.f32 v5, v4;
	v5 =	vor.u32 $0x701, v1;
	_ =	sdelay $0x1  }
0x279: {  	[tilespmem:$0x19060] =	vst v4;
	v4 =	vor.u32 $0x702, v1  }
0x27a: {  	v6 =	vld.idx.msk [tilespmem:v35+s11+$0x0], $0xffff  }
0x27b: {  	v36 =	vor.u32 $0x703, v1  }
0x27c: {  	v5 =	vld.idx.msk [tilespmem:v5+s11+$0x0], $0xffff  }
0x27d: {  	v37 =	vor.u32 $0x704, v1  }
0x27e: {  	v4 =	vld.idx.msk [tilespmem:v4+s11+$0x0], $0xffff  }
0x27f: {  	v38 =	vor.u32 $0x705, v1;
	v6 =	vadd.f32 $0.0e+00, v6  }
0x280: {  	v7 =	vld.idx.msk [tilespmem:v36+s11+$0x0], $0xffff  }
0x281: {  	v39 =	vor.u32 $0x706, v1;
	v5 =	vadd.f32 v5, v6  }
0x282: {  	v8 =	vld.idx.msk [tilespmem:v37+s11+$0x0], $0xffff  }
0x283: {  	v4 =	vadd.f32 v4, v5;
	v5 =	vor.u32 $0x707, v1  }
0x284: {  	v9 =	vld.idx.msk [tilespmem:v38+s11+$0x0], $0xffff  }
0x285: {  	v12 =	vor.u32 $0x708, v1;
	v4 =	vadd.f32 v7, v4  }
0x286: {  	v6 =	vld.idx.msk [tilespmem:v39+s11+$0x0], $0xffff  }
0x287: {  	v13 =	vor.u32 $0x709, v1;
	v4 =	vadd.f32 v8, v4  }
0x288: {  	v5 =	vld.idx.msk [tilespmem:v5+s11+$0x0], $0xffff  }
0x289: {  	v14 =	vor.u32 $0x70A, v1;
	v4 =	vadd.f32 v9, v4  }
0x28a: {  	v7 =	vld.idx.msk [tilespmem:v12+s11+$0x0], $0xffff  }
0x28b: {  	v15 =	vor.u32 $0x70B, v1;
	v4 =	vadd.f32 v6, v4  }
0x28c: {  	v8 =	vld.idx.msk [tilespmem:v13+s11+$0x0], $0xffff  }
0x28d: {  	v4 =	vadd.f32 v5, v4;
	v5 =	vor.u32 $0x70C, v1  }
0x28e: {  	v9 =	vld.idx.msk [tilespmem:v14+s11+$0x0], $0xffff  }
0x28f: {  	v16 =	vor.u32 $0x70D, v1;
	v4 =	vadd.f32 v7, v4  }
0x290: {  	v6 =	vld.idx.msk [tilespmem:v15+s11+$0x0], $0xffff  }
0x291: {  	v17 =	vor.u32 $0x70E, v1;
	v4 =	vadd.f32 v8, v4  }
0x292: {  	v5 =	vld.idx.msk [tilespmem:v5+s11+$0x0], $0xffff  }
0x293: {  	v18 =	vor.u32 $0x70F, v1;
	v4 =	vadd.f32 v9, v4  }
0x294: {  	v7 =	vld.idx.msk [tilespmem:v16+s11+$0x0], $0xffff  }
0x295: {  	v4 =	vadd.f32 v6, v4  }
0x296: {  	v19 =	vld.idx.msk [tilespmem:v17+s11+$0x0], $0xffff  }
0x297: {  	v4 =	vadd.f32 v5, v4  }
0x298: {  	v5 =	vld.idx.msk [tilespmem:v18+s11+$0x0], $0xffff  }
0x299: {  	v4 =	vadd.f32 v7, v4;
	_ =	sdelay $0x1  }
0x29a: {  	v20 =	vor.u32 $0x800, v1;
	v4 =	vadd.f32 v19, v4;
	_ =	sdelay $0x1  }
0x29b: {  	v4 =	vadd.f32 v5, v4;
	v5 =	vor.u32 $0x801, v1;
	_ =	sdelay $0x1  }
0x29c: {  	[tilespmem:$0x19070] =	vst v4;
	v4 =	vor.u32 $0x802, v1  }
0x29d: {  	v6 =	vld.idx.msk [tilespmem:v20+s11+$0x0], $0xffff  }
0x29e: {  	v21 =	vor.u32 $0x803, v1  }
0x29f: {  	v5 =	vld.idx.msk [tilespmem:v5+s11+$0x0], $0xffff  }
0x2a0: {  	v22 =	vor.u32 $0x804, v1  }
0x2a1: {  	v4 =	vld.idx.msk [tilespmem:v4+s11+$0x0], $0xffff  }
0x2a2: {  	v23 =	vor.u32 $0x805, v1;
	v6 =	vadd.f32 $0.0e+00, v6  }
0x2a3: {  	v7 =	vld.idx.msk [tilespmem:v21+s11+$0x0], $0xffff  }
0x2a4: {  	v24 =	vor.u32 $0x806, v1;
	v5 =	vadd.f32 v5, v6  }
0x2a5: {  	v8 =	vld.idx.msk [tilespmem:v22+s11+$0x0], $0xffff  }
0x2a6: {  	v4 =	vadd.f32 v4, v5;
	v5 =	vor.u32 $0x807, v1  }
0x2a7: {  	v9 =	vld.idx.msk [tilespmem:v23+s11+$0x0], $0xffff  }
0x2a8: {  	v25 =	vor.u32 $0x808, v1;
	v4 =	vadd.f32 v7, v4  }
0x2a9: {  	v6 =	vld.idx.msk [tilespmem:v24+s11+$0x0], $0xffff  }
0x2aa: {  	v26 =	vor.u32 $0x809, v1;
	v4 =	vadd.f32 v8, v4  }
0x2ab: {  	v5 =	vld.idx.msk [tilespmem:v5+s11+$0x0], $0xffff  }
0x2ac: {  	v27 =	vor.u32 $0x80A, v1;
	v4 =	vadd.f32 v9, v4  }
0x2ad: {  	v7 =	vld.idx.msk [tilespmem:v25+s11+$0x0], $0xffff  }
0x2ae: {  	v28 =	vor.u32 $0x80B, v1;
	v4 =	vadd.f32 v6, v4  }
0x2af: {  	v8 =	vld.idx.msk [tilespmem:v26+s11+$0x0], $0xffff  }
0x2b0: {  	v4 =	vadd.f32 v5, v4;
	v5 =	vor.u32 $0x80C, v1  }
0x2b1: {  	v9 =	vld.idx.msk [tilespmem:v27+s11+$0x0], $0xffff  }
0x2b2: {  	v29 =	vor.u32 $0x80D, v1;
	v4 =	vadd.f32 v7, v4  }
0x2b3: {  	v6 =	vld.idx.msk [tilespmem:v28+s11+$0x0], $0xffff  }
0x2b4: {  	v30 =	vor.u32 $0x80E, v1;
	v4 =	vadd.f32 v8, v4  }
0x2b5: {  	v5 =	vld.idx.msk [tilespmem:v5+s11+$0x0], $0xffff  }
0x2b6: {  	v31 =	vor.u32 $0x80F, v1;
	v4 =	vadd.f32 v9, v4  }
0x2b7: {  	v7 =	vld.idx.msk [tilespmem:v29+s11+$0x0], $0xffff  }
0x2b8: {  	v4 =	vadd.f32 v6, v4  }
0x2b9: {  	v32 =	vld.idx.msk [tilespmem:v30+s11+$0x0], $0xffff  }
0x2ba: {  	v4 =	vadd.f32 v5, v4  }
0x2bb: {  	v5 =	vld.idx.msk [tilespmem:v31+s11+$0x0], $0xffff  }
0x2bc: {  	v4 =	vadd.f32 v7, v4;
	_ =	sdelay $0x1  }
0x2bd: {  	v33 =	vor.u32 $0x900, v1;
	v4 =	vadd.f32 v32, v4;
	_ =	sdelay $0x1  }
0x2be: {  	v4 =	vadd.f32 v5, v4;
	v5 =	vor.u32 $0x901, v1;
	_ =	sdelay $0x1  }
0x2bf: {  	[tilespmem:$0x19080] =	vst v4;
	v4 =	vor.u32 $0x902, v1  }
0x2c0: {  	v6 =	vld.idx.msk [tilespmem:v33+s11+$0x0], $0xffff  }
0x2c1: {  	v34 =	vor.u32 $0x903, v1  }
0x2c2: {  	v5 =	vld.idx.msk [tilespmem:v5+s11+$0x0], $0xffff  }
0x2c3: {  	v35 =	vor.u32 $0x904, v1  }
0x2c4: {  	v4 =	vld.idx.msk [tilespmem:v4+s11+$0x0], $0xffff  }
0x2c5: {  	v36 =	vor.u32 $0x905, v1;
	v6 =	vadd.f32 $0.0e+00, v6  }
0x2c6: {  	v7 =	vld.idx.msk [tilespmem:v34+s11+$0x0], $0xffff  }
0x2c7: {  	v37 =	vor.u32 $0x906, v1;
	v5 =	vadd.f32 v5, v6  }
0x2c8: {  	v8 =	vld.idx.msk [tilespmem:v35+s11+$0x0], $0xffff  }
0x2c9: {  	v4 =	vadd.f32 v4, v5;
	v5 =	vor.u32 $0x907, v1  }
0x2ca: {  	v9 =	vld.idx.msk [tilespmem:v36+s11+$0x0], $0xffff  }
0x2cb: {  	v38 =	vor.u32 $0x908, v1;
	v4 =	vadd.f32 v7, v4  }
0x2cc: {  	v6 =	vld.idx.msk [tilespmem:v37+s11+$0x0], $0xffff  }
0x2cd: {  	v39 =	vor.u32 $0x909, v1;
	v4 =	vadd.f32 v8, v4  }
0x2ce: {  	v5 =	vld.idx.msk [tilespmem:v5+s11+$0x0], $0xffff  }
0x2cf: {  	v12 =	vor.u32 $0x90A, v1;
	v4 =	vadd.f32 v9, v4  }
0x2d0: {  	v7 =	vld.idx.msk [tilespmem:v38+s11+$0x0], $0xffff  }
0x2d1: {  	v13 =	vor.u32 $0x90B, v1;
	v4 =	vadd.f32 v6, v4  }
0x2d2: {  	v8 =	vld.idx.msk [tilespmem:v39+s11+$0x0], $0xffff  }
0x2d3: {  	v4 =	vadd.f32 v5, v4;
	v5 =	vor.u32 $0x90C, v1  }
0x2d4: {  	v9 =	vld.idx.msk [tilespmem:v12+s11+$0x0], $0xffff  }
0x2d5: {  	v14 =	vor.u32 $0x90D, v1;
	v4 =	vadd.f32 v7, v4  }
0x2d6: {  	v6 =	vld.idx.msk [tilespmem:v13+s11+$0x0], $0xffff  }
0x2d7: {  	v15 =	vor.u32 $0x90E, v1;
	v4 =	vadd.f32 v8, v4  }
0x2d8: {  	v5 =	vld.idx.msk [tilespmem:v5+s11+$0x0], $0xffff  }
0x2d9: {  	v16 =	vor.u32 $0x90F, v1;
	v4 =	vadd.f32 v9, v4  }
0x2da: {  	v7 =	vld.idx.msk [tilespmem:v14+s11+$0x0], $0xffff  }
0x2db: {  	v4 =	vadd.f32 v6, v4  }
0x2dc: {  	v17 =	vld.idx.msk [tilespmem:v15+s11+$0x0], $0xffff  }
0x2dd: {  	v4 =	vadd.f32 v5, v4  }
0x2de: {  	v5 =	vld.idx.msk [tilespmem:v16+s11+$0x0], $0xffff  }
0x2df: {  	v4 =	vadd.f32 v7, v4;
	_ =	sdelay $0x1  }
0x2e0: {  	v18 =	vor.u32 $0xA00, v1;
	v4 =	vadd.f32 v17, v4;
	_ =	sdelay $0x1  }
0x2e1: {  	v4 =	vadd.f32 v5, v4;
	v5 =	vor.u32 $0xA01, v1;
	_ =	sdelay $0x1  }
0x2e2: {  	[tilespmem:$0x19090] =	vst v4;
	v4 =	vor.u32 $0xA02, v1  }
0x2e3: {  	v6 =	vld.idx.msk [tilespmem:v18+s11+$0x0], $0xffff  }
0x2e4: {  	v19 =	vor.u32 $0xA03, v1  }
0x2e5: {  	v5 =	vld.idx.msk [tilespmem:v5+s11+$0x0], $0xffff  }
0x2e6: {  	v20 =	vor.u32 $0xA04, v1  }
0x2e7: {  	v4 =	vld.idx.msk [tilespmem:v4+s11+$0x0], $0xffff  }
0x2e8: {  	v21 =	vor.u32 $0xA05, v1;
	v6 =	vadd.f32 $0.0e+00, v6  }
0x2e9: {  	v7 =	vld.idx.msk [tilespmem:v19+s11+$0x0], $0xffff  }
0x2ea: {  	v22 =	vor.u32 $0xA06, v1;
	v5 =	vadd.f32 v5, v6  }
0x2eb: {  	v8 =	vld.idx.msk [tilespmem:v20+s11+$0x0], $0xffff  }
0x2ec: {  	v4 =	vadd.f32 v4, v5;
	v5 =	vor.u32 $0xA07, v1  }
0x2ed: {  	v9 =	vld.idx.msk [tilespmem:v21+s11+$0x0], $0xffff  }
0x2ee: {  	v23 =	vor.u32 $0xA08, v1;
	v4 =	vadd.f32 v7, v4  }
0x2ef: {  	v6 =	vld.idx.msk [tilespmem:v22+s11+$0x0], $0xffff  }
0x2f0: {  	v24 =	vor.u32 $0xA09, v1;
	v4 =	vadd.f32 v8, v4  }
0x2f1: {  	v5 =	vld.idx.msk [tilespmem:v5+s11+$0x0], $0xffff  }
0x2f2: {  	v25 =	vor.u32 $0xA0A, v1;
	v4 =	vadd.f32 v9, v4  }
0x2f3: {  	v7 =	vld.idx.msk [tilespmem:v23+s11+$0x0], $0xffff  }
0x2f4: {  	v26 =	vor.u32 $0xA0B, v1;
	v4 =	vadd.f32 v6, v4  }
0x2f5: {  	v8 =	vld.idx.msk [tilespmem:v24+s11+$0x0], $0xffff  }
0x2f6: {  	v4 =	vadd.f32 v5, v4;
	v5 =	vor.u32 $0xA0C, v1  }
0x2f7: {  	v9 =	vld.idx.msk [tilespmem:v25+s11+$0x0], $0xffff  }
0x2f8: {  	v27 =	vor.u32 $0xA0D, v1;
	v4 =	vadd.f32 v7, v4  }
0x2f9: {  	v6 =	vld.idx.msk [tilespmem:v26+s11+$0x0], $0xffff  }
0x2fa: {  	v28 =	vor.u32 $0xA0E, v1;
	v4 =	vadd.f32 v8, v4  }
0x2fb: {  	v5 =	vld.idx.msk [tilespmem:v5+s11+$0x0], $0xffff  }
0x2fc: {  	v29 =	vor.u32 $0xA0F, v1;
	v4 =	vadd.f32 v9, v4  }
0x2fd: {  	v7 =	vld.idx.msk [tilespmem:v27+s11+$0x0], $0xffff  }
0x2fe: {  	v4 =	vadd.f32 v6, v4  }
0x2ff: {  	v30 =	vld.idx.msk [tilespmem:v28+s11+$0x0], $0xffff  }
0x300: {  	v4 =	vadd.f32 v5, v4  }
0x301: {  	v5 =	vld.idx.msk [tilespmem:v29+s11+$0x0], $0xffff  }
0x302: {  	v4 =	vadd.f32 v7, v4;
	_ =	sdelay $0x1  }
0x303: {  	v31 =	vor.u32 $0xB00, v1;
	v4 =	vadd.f32 v30, v4;
	_ =	sdelay $0x1  }
0x304: {  	v4 =	vadd.f32 v5, v4;
	v5 =	vor.u32 $0xB01, v1;
	_ =	sdelay $0x1  }
0x305: {  	[tilespmem:$0x190A0] =	vst v4;
	v4 =	vor.u32 $0xB02, v1  }
0x306: {  	v6 =	vld.idx.msk [tilespmem:v31+s11+$0x0], $0xffff  }
0x307: {  	v32 =	vor.u32 $0xB03, v1  }
0x308: {  	v5 =	vld.idx.msk [tilespmem:v5+s11+$0x0], $0xffff  }
0x309: {  	v33 =	vor.u32 $0xB04, v1  }
0x30a: {  	v4 =	vld.idx.msk [tilespmem:v4+s11+$0x0], $0xffff  }
0x30b: {  	v34 =	vor.u32 $0xB05, v1;
	v6 =	vadd.f32 $0.0e+00, v6  }
0x30c: {  	v7 =	vld.idx.msk [tilespmem:v32+s11+$0x0], $0xffff  }
0x30d: {  	v35 =	vor.u32 $0xB06, v1;
	v5 =	vadd.f32 v5, v6  }
0x30e: {  	v8 =	vld.idx.msk [tilespmem:v33+s11+$0x0], $0xffff  }
0x30f: {  	v4 =	vadd.f32 v4, v5;
	v5 =	vor.u32 $0xB07, v1  }
0x310: {  	v9 =	vld.idx.msk [tilespmem:v34+s11+$0x0], $0xffff  }
0x311: {  	v36 =	vor.u32 $0xB08, v1;
	v4 =	vadd.f32 v7, v4  }
0x312: {  	v6 =	vld.idx.msk [tilespmem:v35+s11+$0x0], $0xffff  }
0x313: {  	v37 =	vor.u32 $0xB09, v1;
	v4 =	vadd.f32 v8, v4  }
0x314: {  	v5 =	vld.idx.msk [tilespmem:v5+s11+$0x0], $0xffff  }
0x315: {  	v38 =	vor.u32 $0xB0A, v1;
	v4 =	vadd.f32 v9, v4  }
0x316: {  	v7 =	vld.idx.msk [tilespmem:v36+s11+$0x0], $0xffff  }
0x317: {  	v39 =	vor.u32 $0xB0B, v1;
	v4 =	vadd.f32 v6, v4  }
0x318: {  	v8 =	vld.idx.msk [tilespmem:v37+s11+$0x0], $0xffff  }
0x319: {  	v4 =	vadd.f32 v5, v4;
	v5 =	vor.u32 $0xB0C, v1  }
0x31a: {  	v9 =	vld.idx.msk [tilespmem:v38+s11+$0x0], $0xffff  }
0x31b: {  	v12 =	vor.u32 $0xB0D, v1;
	v4 =	vadd.f32 v7, v4  }
0x31c: {  	v6 =	vld.idx.msk [tilespmem:v39+s11+$0x0], $0xffff  }
0x31d: {  	v13 =	vor.u32 $0xB0E, v1;
	v4 =	vadd.f32 v8, v4  }
0x31e: {  	v5 =	vld.idx.msk [tilespmem:v5+s11+$0x0], $0xffff  }
0x31f: {  	v14 =	vor.u32 $0xB0F, v1;
	v4 =	vadd.f32 v9, v4  }
0x320: {  	v7 =	vld.idx.msk [tilespmem:v12+s11+$0x0], $0xffff  }
0x321: {  	v4 =	vadd.f32 v6, v4  }
0x322: {  	v15 =	vld.idx.msk [tilespmem:v13+s11+$0x0], $0xffff  }
0x323: {  	v4 =	vadd.f32 v5, v4  }
0x324: {  	v5 =	vld.idx.msk [tilespmem:v14+s11+$0x0], $0xffff  }
0x325: {  	v4 =	vadd.f32 v7, v4;
	_ =	sdelay $0x1  }
0x326: {  	v16 =	vor.u32 $0xC00, v1;
	v4 =	vadd.f32 v15, v4;
	_ =	sdelay $0x1  }
0x327: {  	v4 =	vadd.f32 v5, v4;
	v5 =	vor.u32 $0xC01, v1;
	_ =	sdelay $0x1  }
0x328: {  	[tilespmem:$0x190B0] =	vst v4;
	v4 =	vor.u32 $0xC02, v1  }
0x329: {  	v6 =	vld.idx.msk [tilespmem:v16+s11+$0x0], $0xffff  }
0x32a: {  	v17 =	vor.u32 $0xC03, v1  }
0x32b: {  	v5 =	vld.idx.msk [tilespmem:v5+s11+$0x0], $0xffff  }
0x32c: {  	v18 =	vor.u32 $0xC04, v1  }
0x32d: {  	v4 =	vld.idx.msk [tilespmem:v4+s11+$0x0], $0xffff  }
0x32e: {  	v19 =	vor.u32 $0xC05, v1;
	v6 =	vadd.f32 $0.0e+00, v6  }
0x32f: {  	v7 =	vld.idx.msk [tilespmem:v17+s11+$0x0], $0xffff  }
0x330: {  	v20 =	vor.u32 $0xC06, v1;
	v5 =	vadd.f32 v5, v6  }
0x331: {  	v8 =	vld.idx.msk [tilespmem:v18+s11+$0x0], $0xffff  }
0x332: {  	v4 =	vadd.f32 v4, v5;
	v5 =	vor.u32 $0xC07, v1  }
0x333: {  	v9 =	vld.idx.msk [tilespmem:v19+s11+$0x0], $0xffff  }
0x334: {  	v21 =	vor.u32 $0xC08, v1;
	v4 =	vadd.f32 v7, v4  }
0x335: {  	v6 =	vld.idx.msk [tilespmem:v20+s11+$0x0], $0xffff  }
0x336: {  	v22 =	vor.u32 $0xC09, v1;
	v4 =	vadd.f32 v8, v4  }
0x337: {  	v5 =	vld.idx.msk [tilespmem:v5+s11+$0x0], $0xffff  }
0x338: {  	v23 =	vor.u32 $0xC0A, v1;
	v4 =	vadd.f32 v9, v4  }
0x339: {  	v7 =	vld.idx.msk [tilespmem:v21+s11+$0x0], $0xffff  }
0x33a: {  	v24 =	vor.u32 $0xC0B, v1;
	v4 =	vadd.f32 v6, v4  }
0x33b: {  	v8 =	vld.idx.msk [tilespmem:v22+s11+$0x0], $0xffff  }
0x33c: {  	v4 =	vadd.f32 v5, v4;
	v5 =	vor.u32 $0xC0C, v1  }
0x33d: {  	v9 =	vld.idx.msk [tilespmem:v23+s11+$0x0], $0xffff  }
0x33e: {  	v25 =	vor.u32 $0xC0D, v1;
	v4 =	vadd.f32 v7, v4  }
0x33f: {  	v6 =	vld.idx.msk [tilespmem:v24+s11+$0x0], $0xffff  }
0x340: {  	v26 =	vor.u32 $0xC0E, v1;
	v4 =	vadd.f32 v8, v4  }
0x341: {  	v5 =	vld.idx.msk [tilespmem:v5+s11+$0x0], $0xffff  }
0x342: {  	v27 =	vor.u32 $0xC0F, v1;
	v4 =	vadd.f32 v9, v4  }
0x343: {  	v7 =	vld.idx.msk [tilespmem:v25+s11+$0x0], $0xffff  }
0x344: {  	v4 =	vadd.f32 v6, v4  }
0x345: {  	v28 =	vld.idx.msk [tilespmem:v26+s11+$0x0], $0xffff  }
0x346: {  	v4 =	vadd.f32 v5, v4  }
0x347: {  	v5 =	vld.idx.msk [tilespmem:v27+s11+$0x0], $0xffff  }
0x348: {  	v4 =	vadd.f32 v7, v4;
	_ =	sdelay $0x1  }
0x349: {  	v29 =	vor.u32 $0xD00, v1;
	v4 =	vadd.f32 v28, v4;
	_ =	sdelay $0x1  }
0x34a: {  	v4 =	vadd.f32 v5, v4;
	v5 =	vor.u32 $0xD01, v1;
	_ =	sdelay $0x1  }
0x34b: {  	[tilespmem:$0x190C0] =	vst v4;
	v4 =	vor.u32 $0xD02, v1  }
0x34c: {  	v6 =	vld.idx.msk [tilespmem:v29+s11+$0x0], $0xffff  }
0x34d: {  	v30 =	vor.u32 $0xD03, v1  }
0x34e: {  	v5 =	vld.idx.msk [tilespmem:v5+s11+$0x0], $0xffff  }
0x34f: {  	v31 =	vor.u32 $0xD04, v1  }
0x350: {  	v4 =	vld.idx.msk [tilespmem:v4+s11+$0x0], $0xffff  }
0x351: {  	v32 =	vor.u32 $0xD05, v1;
	v6 =	vadd.f32 $0.0e+00, v6  }
0x352: {  	v7 =	vld.idx.msk [tilespmem:v30+s11+$0x0], $0xffff  }
0x353: {  	v33 =	vor.u32 $0xD06, v1;
	v5 =	vadd.f32 v5, v6  }
0x354: {  	v8 =	vld.idx.msk [tilespmem:v31+s11+$0x0], $0xffff  }
0x355: {  	v4 =	vadd.f32 v4, v5;
	v5 =	vor.u32 $0xD07, v1  }
0x356: {  	v9 =	vld.idx.msk [tilespmem:v32+s11+$0x0], $0xffff  }
0x357: {  	v34 =	vor.u32 $0xD08, v1;
	v4 =	vadd.f32 v7, v4  }
0x358: {  	v6 =	vld.idx.msk [tilespmem:v33+s11+$0x0], $0xffff  }
0x359: {  	v35 =	vor.u32 $0xD09, v1;
	v4 =	vadd.f32 v8, v4  }
0x35a: {  	v5 =	vld.idx.msk [tilespmem:v5+s11+$0x0], $0xffff  }
0x35b: {  	v36 =	vor.u32 $0xD0A, v1;
	v4 =	vadd.f32 v9, v4  }
0x35c: {  	v7 =	vld.idx.msk [tilespmem:v34+s11+$0x0], $0xffff  }
0x35d: {  	v37 =	vor.u32 $0xD0B, v1;
	v4 =	vadd.f32 v6, v4  }
0x35e: {  	v8 =	vld.idx.msk [tilespmem:v35+s11+$0x0], $0xffff  }
0x35f: {  	v4 =	vadd.f32 v5, v4;
	v5 =	vor.u32 $0xD0C, v1  }
0x360: {  	v9 =	vld.idx.msk [tilespmem:v36+s11+$0x0], $0xffff  }
0x361: {  	v38 =	vor.u32 $0xD0D, v1;
	v4 =	vadd.f32 v7, v4  }
0x362: {  	v6 =	vld.idx.msk [tilespmem:v37+s11+$0x0], $0xffff  }
0x363: {  	v39 =	vor.u32 $0xD0E, v1;
	v4 =	vadd.f32 v8, v4  }
0x364: {  	v5 =	vld.idx.msk [tilespmem:v5+s11+$0x0], $0xffff  }
0x365: {  	v12 =	vor.u32 $0xD0F, v1;
	v4 =	vadd.f32 v9, v4  }
0x366: {  	v7 =	vld.idx.msk [tilespmem:v38+s11+$0x0], $0xffff  }
0x367: {  	v4 =	vadd.f32 v6, v4  }
0x368: {  	v13 =	vld.idx.msk [tilespmem:v39+s11+$0x0], $0xffff  }
0x369: {  	v4 =	vadd.f32 v5, v4  }
0x36a: {  	v5 =	vld.idx.msk [tilespmem:v12+s11+$0x0], $0xffff  }
0x36b: {  	v4 =	vadd.f32 v7, v4;
	_ =	sdelay $0x1  }
0x36c: {  	v14 =	vor.u32 $0xE00, v1;
	v4 =	vadd.f32 v13, v4;
	_ =	sdelay $0x1  }
0x36d: {  	v4 =	vadd.f32 v5, v4;
	v5 =	vor.u32 $0xE01, v1;
	_ =	sdelay $0x1  }
0x36e: {  	[tilespmem:$0x190D0] =	vst v4;
	v4 =	vor.u32 $0xE02, v1  }
0x36f: {  	v6 =	vld.idx.msk [tilespmem:v14+s11+$0x0], $0xffff  }
0x370: {  	v15 =	vor.u32 $0xE03, v1  }
0x371: {  	v5 =	vld.idx.msk [tilespmem:v5+s11+$0x0], $0xffff  }
0x372: {  	v16 =	vor.u32 $0xE04, v1  }
0x373: {  	v4 =	vld.idx.msk [tilespmem:v4+s11+$0x0], $0xffff  }
0x374: {  	v17 =	vor.u32 $0xE05, v1;
	v6 =	vadd.f32 $0.0e+00, v6  }
0x375: {  	v7 =	vld.idx.msk [tilespmem:v15+s11+$0x0], $0xffff  }
0x376: {  	v18 =	vor.u32 $0xE06, v1;
	v5 =	vadd.f32 v5, v6  }
0x377: {  	v8 =	vld.idx.msk [tilespmem:v16+s11+$0x0], $0xffff  }
0x378: {  	v4 =	vadd.f32 v4, v5;
	v5 =	vor.u32 $0xE07, v1  }
0x379: {  	v9 =	vld.idx.msk [tilespmem:v17+s11+$0x0], $0xffff  }
0x37a: {  	v19 =	vor.u32 $0xE08, v1;
	v4 =	vadd.f32 v7, v4  }
0x37b: {  	v6 =	vld.idx.msk [tilespmem:v18+s11+$0x0], $0xffff  }
0x37c: {  	v20 =	vor.u32 $0xE09, v1;
	v4 =	vadd.f32 v8, v4  }
0x37d: {  	v5 =	vld.idx.msk [tilespmem:v5+s11+$0x0], $0xffff  }
0x37e: {  	v21 =	vor.u32 $0xE0A, v1;
	v4 =	vadd.f32 v9, v4  }
0x37f: {  	v7 =	vld.idx.msk [tilespmem:v19+s11+$0x0], $0xffff  }
0x380: {  	v22 =	vor.u32 $0xE0B, v1;
	v4 =	vadd.f32 v6, v4  }
0x381: {  	v8 =	vld.idx.msk [tilespmem:v20+s11+$0x0], $0xffff  }
0x382: {  	v4 =	vadd.f32 v5, v4;
	v5 =	vor.u32 $0xE0C, v1  }
0x383: {  	v9 =	vld.idx.msk [tilespmem:v21+s11+$0x0], $0xffff  }
0x384: {  	v23 =	vor.u32 $0xE0D, v1;
	v4 =	vadd.f32 v7, v4  }
0x385: {  	v6 =	vld.idx.msk [tilespmem:v22+s11+$0x0], $0xffff  }
0x386: {  	v24 =	vor.u32 $0xE0E, v1;
	v4 =	vadd.f32 v8, v4  }
0x387: {  	v5 =	vld.idx.msk [tilespmem:v5+s11+$0x0], $0xffff  }
0x388: {  	v25 =	vor.u32 $0xE0F, v1;
	v4 =	vadd.f32 v9, v4  }
0x389: {  	v7 =	vld.idx.msk [tilespmem:v23+s11+$0x0], $0xffff  }
0x38a: {  	v4 =	vadd.f32 v6, v4  }
0x38b: {  	v26 =	vld.idx.msk [tilespmem:v24+s11+$0x0], $0xffff  }
0x38c: {  	v4 =	vadd.f32 v5, v4  }
0x38d: {  	v5 =	vld.idx.msk [tilespmem:v25+s11+$0x0], $0xffff  }
0x38e: {  	v4 =	vadd.f32 v7, v4;
	_ =	sdelay $0x1  }
0x38f: {  	v27 =	vor.u32 $0xF00, v1;
	v4 =	vadd.f32 v26, v4;
	_ =	sdelay $0x1  }
0x390: {  	v4 =	vadd.f32 v5, v4;
	v5 =	vor.u32 $0xF01, v1;
	_ =	sdelay $0x1  }
0x391: {  	[tilespmem:$0x190E0] =	vst v4;
	v4 =	vor.u32 $0xF02, v1  }
0x392: {  	v6 =	vld.idx.msk [tilespmem:v27+s11+$0x0], $0xffff  }
0x393: {  	v28 =	vor.u32 $0xF03, v1  }
0x394: {  	v5 =	vld.idx.msk [tilespmem:v5+s11+$0x0], $0xffff  }
0x395: {  	v29 =	vor.u32 $0xF04, v1  }
0x396: {  	v4 =	vld.idx.msk [tilespmem:v4+s11+$0x0], $0xffff  }
0x397: {  	v30 =	vor.u32 $0xF05, v1;
	v6 =	vadd.f32 $0.0e+00, v6  }
0x398: {  	v7 =	vld.idx.msk [tilespmem:v28+s11+$0x0], $0xffff  }
0x399: {  	v31 =	vor.u32 $0xF06, v1;
	v5 =	vadd.f32 v5, v6  }
0x39a: {  	v8 =	vld.idx.msk [tilespmem:v29+s11+$0x0], $0xffff  }
0x39b: {  	v4 =	vadd.f32 v4, v5;
	v5 =	vor.u32 $0xF07, v1  }
0x39c: {  	v9 =	vld.idx.msk [tilespmem:v30+s11+$0x0], $0xffff  }
0x39d: {  	v32 =	vor.u32 $0xF08, v1;
	v4 =	vadd.f32 v7, v4  }
0x39e: {  	v6 =	vld.idx.msk [tilespmem:v31+s11+$0x0], $0xffff  }
0x39f: {  	v33 =	vor.u32 $0xF09, v1;
	v4 =	vadd.f32 v8, v4  }
0x3a0: {  	v5 =	vld.idx.msk [tilespmem:v5+s11+$0x0], $0xffff  }
0x3a1: {  	v34 =	vor.u32 $0xF0A, v1;
	v4 =	vadd.f32 v9, v4  }
0x3a2: {  	v7 =	vld.idx.msk [tilespmem:v32+s11+$0x0], $0xffff  }
0x3a3: {  	v35 =	vor.u32 $0xF0B, v1;
	v4 =	vadd.f32 v6, v4  }
0x3a4: {  	v8 =	vld.idx.msk [tilespmem:v33+s11+$0x0], $0xffff  }
0x3a5: {  	v4 =	vadd.f32 v5, v4;
	v5 =	vor.u32 $0xF0C, v1  }
0x3a6: {  	v9 =	vld.idx.msk [tilespmem:v34+s11+$0x0], $0xffff  }
0x3a7: {  	v36 =	vor.u32 $0xF0D, v1;
	v4 =	vadd.f32 v7, v4  }
0x3a8: {  	v6 =	vld.idx.msk [tilespmem:v35+s11+$0x0], $0xffff  }
0x3a9: {  	v37 =	vor.u32 $0xF0E, v1;
	v4 =	vadd.f32 v8, v4  }
0x3aa: {  	v5 =	vld.idx.msk [tilespmem:v5+s11+$0x0], $0xffff  }
0x3ab: {  	v38 =	vor.u32 $0xF0F, v1;
	v4 =	vadd.f32 v9, v4  }
0x3ac: {  	v7 =	vld.idx.msk [tilespmem:v36+s11+$0x0], $0xffff  }
0x3ad: {  	v4 =	vadd.f32 v6, v4  }
0x3ae: {  	v39 =	vld.idx.msk [tilespmem:v37+s11+$0x0], $0xffff  }
0x3af: {  	v4 =	vadd.f32 v5, v4  }
0x3b0: {  	v5 =	vld.idx.msk [tilespmem:v38+s11+$0x0], $0xffff  }
0x3b1: {  	v4 =	vadd.f32 v7, v4;
	_ =	sdelay $0x1  }
0x3b2: {  	v4 =	vadd.f32 v39, v4;
	_ =	sdelay $0x1  }
0x3b3: {  	s2 =	sadd.s32 $0x1, s2;
	v4 =	vadd.f32 v5, v4  }
0x3b4: {  	p0 =	sne.s32 s2, s7  }
.Ltmp4:
0x3b5: {  	[tilespmem:$0x190F0] =	vst v4;
	(pc) =	sbr.rel @p0 .LBB2_1-.Ltmp4, $4  }
0x3b6: {  	[hbm4b:s6+s13] =	stream.strided.scatter [tilespmem:s15], [sflag:$0x3], $0x100, s14, s13, $0x38;
	[tilespmem:$0x19100] =	vst v63  }
0x3b7: {  	_ =	swait.ge [sflag:s16], $0x100  }
0x3b8: {  	[sflag:s16] =	ssyncset.done $0x0  }
0x3b9: {  	[sflag:s16] =	ssyncadd.s32 $0xFFFFFF00  }
0x3ba: {  	_ =	sfence.sel $0x180000  }
0x3bb: {  	[bflag:$0x0] =	sbarrier.arrive $0xFFFF  }
0x3bc: {  	p0 =	sne.s32 s3, $0x0;
	_ =	strace $0x90000047  }
0x3bd: {  	s0 =	sadd.s32 @!p0 $0x100000, s0;
	[bflag:$0x2] =	sbarrier.arrive $0xFFFF  }
0x3be: {  	[sflag:s0] =	ssyncadd.tile.s32 @!p0 $0x1;
	_ =	shalt  }
.Lfunc_end2:
_tile_overlayer_lowered:
.L_overlay_start_2:
0x3bf: {  	(tag) =	ssettag $0x2  }
0x3c0: {  	s0 =	rddreg [dreg:$0x0];
	s2 =	stileid.u32  }
0x3c1: {  	s1 =	rddreg [dreg:$0x1];
	p0 =	sne.s32 s2, $0x0  }
0x3c2: {  	s3 =	rddreg [dreg:$0x2];
	[bflag:$0x3] =	sbarrier.arrive $0xFFFF;
	s2 =	simm.s32 @!p0 $0x1C03  }
0x3c3: {  	[timem:s3], [sflag:s2] =	dma.local @!p0 [hbm:s0], s1  }
0x3c4: {  	s0 =	simm.s32 @!p0 $0x3  }
0x3c5: {  	_ =	swait.ge @!p0 [sflag:s0], s1  }
0x3c6: {  	s1 =	ssub.s32 @!p0 $0x0, s1;
	[sflag:s0] =	ssyncset.done @!p0 $0x0  }
0x3c7: {  	[sflag:s0] =	ssyncadd.s32 @!p0 s1  }
0x3c8: {  	[bflag:$0x3] =	sbarrier.arrive $0xFFFF  }
0x3c9: {  	_ =	shalt  }

</sc_bundles>
